<compile_context>
chip_gen: v7x
topology: tpu7x:2x2x1
jax: 0.10.2.dev20260603
libtpu: 0.0.44.dev20260713+nightly
codegen_flags: <defaults>
</compile_context>

<pallas_src>
import functools

import numpy as np

import jax
import jax.numpy as jnp
from jax import lax
from jax.experimental import pallas as pl
from jax.experimental.pallas import tpu as pltpu
from jax.experimental.pallas import tpu_sc as plsc

E = 16
H = 1024
F = 1024
D = 2048
R = 4
TOP_K = 2
T = 2048
A = T * TOP_K
TM = 256
NB = E + A // TM
NS = NB * TM
CH = 256
NCH = A // CH
SCALING = 1.0 / R
LIMIT = 7.0
GLU_ALPHA = 1.702

NBA = 40
NW = 32
TPW = T // NW

_SEL = (np.arange(D)[:, None] == 2 * np.arange(F)[None, :]).astype(
    jnp.bfloat16)



def _k1_body(x_ref, pos_ref, blk_ref, cnt_ref, carry_ref, st_ref):
    p = pl.program_id(0)
    r = pl.program_id(1)
    x = x_ref[0]
    ei = lax.broadcasted_iota(jnp.int32, (E, CH), 0)
    a16 = (ei == x).astype(jnp.float32)

    @pl.when(p == 0)
    def _():
        ccnt = jnp.sum(a16, axis=1, keepdims=True)
        cnt_ref[...] = jnp.where(r == 0, ccnt, cnt_ref[...] + ccnt)

    @pl.when((p == 1) & (r == 0))
    def _():
        cnt = cnt_ref[...]
        nb = jnp.floor((cnt + (TM - 1.0)) / TM)
        li = lax.broadcasted_iota(jnp.int32, (E, E), 0)
        lj = lax.broadcasted_iota(jnp.int32, (E, E), 1)
        ltri = (lj < li).astype(jnp.float32)
        sb = jnp.dot(ltri, nb, preferred_element_type=jnp.float32)
        st_ref[...] = TM * sb
        carry_ref[...] = jnp.zeros_like(carry_ref)
        bi = lax.broadcasted_iota(jnp.int32, (E, NBA), 1).astype(jnp.float32)
        owns = (sb <= bi).astype(jnp.float32)
        bexp = jnp.sum(owns, axis=0, keepdims=True) - 1.0
        used = jnp.sum(nb)
        ci = lax.broadcasted_iota(jnp.int32, (1, NBA), 1)
        blk_ref[...] = jnp.where(ci == NB, used, bexp).astype(jnp.int32)

    @pl.when(p == 1)
    def _():
        ji = lax.broadcasted_iota(jnp.int32, (CH, CH), 0)
        jc = lax.broadcasted_iota(jnp.int32, (CH, CH), 1)
        utri = (ji < jc).astype(jnp.float32)
        ranks = jnp.dot(a16, utri, preferred_element_type=jnp.float32)
        base = carry_ref[...] + st_ref[...]
        pos = jnp.sum(a16 * (ranks + base), axis=0, keepdims=True)
        pos_ref[...] = pos.astype(jnp.int32).reshape(1, 1, CH)
        carry_ref[...] = carry_ref[...] + jnp.sum(a16, axis=1, keepdims=True)


def _routing_tc(x32, interpret=False):
    return pl.pallas_call(
        _k1_body,
        grid=(2, NCH),
        in_specs=[pl.BlockSpec((1, 1, CH), lambda p, r: (r, 0, 0))],
        out_specs=[
            pl.BlockSpec((1, 1, CH), lambda p, r: (r, 0, 0)),
            pl.BlockSpec((1, NBA), lambda p, r: (0, 0)),
        ],
        out_shape=[
            jax.ShapeDtypeStruct((NCH, 1, CH), jnp.int32),
            jax.ShapeDtypeStruct((1, NBA), jnp.int32),
        ],
        scratch_shapes=[
            pltpu.VMEM((E, 1), jnp.float32),
            pltpu.VMEM((E, 1), jnp.float32),
            pltpu.VMEM((E, 1), jnp.float32),
        ],
        interpret=interpret,
    )(x32)



def _k3_body(blk_ref, x_ref, w1_ref, w2_ref, a1_ref, b1_ref,
             a2_ref, b2_ref, b1b_ref, bd_ref, s_ref, y_ref):
    b = pl.program_id(0)

    @pl.when(b < blk_ref[NB])
    def _():
        x = x_ref[...]
        xb = x.astype(jnp.bfloat16)
        w1 = w1_ref[0].astype(jnp.bfloat16)
        mid = jnp.dot(xb, a1_ref[0].astype(jnp.bfloat16),
                      preferred_element_type=jnp.float32)
        midb = (mid * SCALING).astype(jnp.bfloat16)
        gu = (jnp.dot(xb, w1, preferred_element_type=jnp.float32)
              + jnp.dot(midb, b1_ref[0].astype(jnp.bfloat16),
                        preferred_element_type=jnp.float32)
              + b1b_ref[0])
        ur = jnp.concatenate([gu[:, 1:], gu[:, :1]], axis=1)
        g = jnp.minimum(gu, LIMIT)
        u = jnp.clip(ur, -LIMIT, LIMIT)
        glu = g * (1.0 / (1.0 + jnp.exp(-GLU_ALPHA * g)))
        gatedi = ((u + 1.0) * glu).astype(jnp.bfloat16)
        gatedb = jnp.dot(gatedi, s_ref[...],
                         preferred_element_type=jnp.float32).astype(jnp.bfloat16)
        mid2 = jnp.dot(gatedb, a2_ref[0].astype(jnp.bfloat16),
                       preferred_element_type=jnp.float32)
        mid2b = (mid2 * SCALING).astype(jnp.bfloat16)
        y = (jnp.dot(gatedb, w2_ref[0].astype(jnp.bfloat16),
                     preferred_element_type=jnp.float32)
             + jnp.dot(mid2b, b2_ref[0].astype(jnp.bfloat16),
                       preferred_element_type=jnp.float32)
             + bd_ref[0])
        y_ref[...] = y


def _mlp_tc(blk, xg, w1, w2, a1, b1, a2, b2, b1b, bd, sel, interpret=False):
    eix = lambda b, blk: (blk[b], 0, 0)
    grid_spec = pltpu.PrefetchScalarGridSpec(
        num_scalar_prefetch=1,
        grid=(NB,),
        in_specs=[
            pl.BlockSpec((TM, H), lambda b, blk: (b, 0)),
            pl.BlockSpec((1, H, D), eix),
            pl.BlockSpec((1, F, H), eix),
            pl.BlockSpec((1, H, R), eix),
            pl.BlockSpec((1, R, D), eix),
            pl.BlockSpec((1, F, R), eix),
            pl.BlockSpec((1, R, H), eix),
            pl.BlockSpec((1, 1, D), eix),
            pl.BlockSpec((1, 1, H), eix),
            pl.BlockSpec((D, F), lambda b, blk: (0, 0)),
        ],
        out_specs=pl.BlockSpec((TM, H), lambda b, blk: (b, 0)),
    )
    return pl.pallas_call(
        _k3_body,
        grid_spec=grid_spec,
        out_shape=jax.ShapeDtypeStruct((NS, H), jnp.float32),
        interpret=interpret,
    )(blk, xg, w1, w2, a1, b1, a2, b2, b1b, bd, sel)



def _dispatch_sc(hs, pos_flat):
    mesh = plsc.VectorSubcoreMesh(core_axis_name="c", subcore_axis_name="s")

    @functools.partial(
        pl.kernel,
        mesh=mesh,
        out_type=jax.ShapeDtypeStruct((NS, H), jnp.float32),
        scratch_types=[
            pltpu.VMEM((TPW, H), jnp.float32),
            pltpu.VMEM((TPW,), jnp.int32),
            pltpu.VMEM((TPW,), jnp.int32),
            pltpu.SemaphoreType.DMA,
            pltpu.SemaphoreType.DMA,
        ],
    )
    def k2(hs_hbm, pos_hbm, xg_hbm, rows_v, idx0_v, idx1_v, sem0, sem1):
        wid = lax.axis_index("s") * 2 + lax.axis_index("c")
        base = wid * TPW
        pltpu.sync_copy(pos_hbm.at[pl.ds(base, TPW)], idx0_v)
        pltpu.sync_copy(pos_hbm.at[pl.ds(T + base, TPW)], idx1_v)
        pltpu.sync_copy(hs_hbm.at[pl.ds(base, TPW)], rows_v)
        c0 = pltpu.async_copy(rows_v, xg_hbm.at[idx0_v], sem0)
        c1 = pltpu.async_copy(rows_v, xg_hbm.at[idx1_v], sem1)
        c0.wait()
        c1.wait()

    return k2(hs, pos_flat)



CHT = 16
NCHK = TPW // CHT


def _combine_sc(yg, pos_flat, rw_flat):
    mesh = plsc.VectorSubcoreMesh(core_axis_name="c", subcore_axis_name="s")

    @functools.partial(
        pl.kernel,
        mesh=mesh,
        out_type=jax.ShapeDtypeStruct((T, H), jnp.float32),
        scratch_types=[
            pltpu.VMEM((CHT, H), jnp.float32),
            pltpu.VMEM((CHT, H), jnp.float32),
            pltpu.VMEM((CHT, H), jnp.float32),
            pltpu.VMEM((CHT, H), jnp.float32),
            pltpu.VMEM((TPW,), jnp.int32),
            pltpu.VMEM((TPW,), jnp.int32),
            pltpu.VMEM((TPW + 16,), jnp.float32),
            pltpu.VMEM((TPW + 16,), jnp.float32),
            pltpu.SemaphoreType.DMA,
            pltpu.SemaphoreType.DMA,
            pltpu.SemaphoreType.DMA,
            pltpu.SemaphoreType.DMA,
            pltpu.SemaphoreType.DMA,
            pltpu.SemaphoreType.DMA,
        ],
    )
    def k4(yg_hbm, pos_hbm, rw_hbm, out_hbm, bufa0, bufb0, bufa1, bufb1,
           idxa, idxb, wav, wbv, sa0, sb0, sa1, sb1, st0, st1):
        wid = lax.axis_index("s") * 2 + lax.axis_index("c")
        base = wid * TPW
        bufa = [bufa0, bufa1]
        bufb = [bufb0, bufb1]
        sa = [sa0, sa1]
        sb = [sb0, sb1]
        st = [st0, st1]
        pltpu.sync_copy(pos_hbm.at[pl.ds(base, TPW)], idxa)
        pltpu.sync_copy(pos_hbm.at[pl.ds(T + base, TPW)], idxb)
        pltpu.sync_copy(rw_hbm.at[pl.ds(base, TPW)], wav.at[pl.ds(0, TPW)])
        pltpu.sync_copy(rw_hbm.at[pl.ds(T + base, TPW)], wbv.at[pl.ds(0, TPW)])

        def fire(c):
            s = c % 2
            ga = pltpu.async_copy(yg_hbm.at[idxa.at[pl.ds(c * CHT, CHT)]],
                                  bufa[s], sa[s])
            gb = pltpu.async_copy(yg_hbm.at[idxb.at[pl.ds(c * CHT, CHT)]],
                                  bufb[s], sb[s])
            return ga, gb

        pend = {0: fire(0)}
        stores = [None, None]
        for c in range(NCHK):
            s = c % 2
            if c + 1 < NCHK:
                if stores[(c + 1) % 2] is not None:
                    stores[(c + 1) % 2].wait()
                    stores[(c + 1) % 2] = None
                pend[c + 1] = fire(c + 1)
            ga, gb = pend.pop(c)
            ga.wait()
            gb.wait()
            ba = bufa[s]
            bb = bufb[s]

            def token_body(j, _, ba=ba, bb=bb, woff=c * CHT):
                w0 = jnp.full((16,), wav[pl.ds(woff + j, 16)][0], jnp.float32)
                w1 = jnp.full((16,), wbv[pl.ds(woff + j, 16)][0], jnp.float32)

                def col_body(cc, _):
                    for k in range(8):
                        sl = pl.ds(cc * 128 + k * 16, 16)
                        ba[j, sl] = w0 * ba[j, sl] + w1 * bb[j, sl]
                    return 0

                lax.fori_loop(0, H // 128, col_body, 0)
                return 0

            lax.fori_loop(0, CHT, token_body, 0)
            stores[s] = pltpu.async_copy(
                ba, out_hbm.at[pl.ds(base + c * CHT, CHT)], st[s])
        for s in range(2):
            if stores[s] is not None:
                stores[s].wait()

    return k4(yg, pos_flat, rw_flat)



def kernel(hidden_states, router_indices, routing_weights, gate_up_proj,
           gate_up_proj_bias, down_proj, down_proj_bias, lora_gate_up_A,
           lora_gate_up_B, lora_down_A, lora_down_B):
    batch = hidden_states.shape[0]
    hs = hidden_states.reshape(T, H)
    ri = router_indices.astype(jnp.int32)
    rw = routing_weights.astype(jnp.float32)

    x32 = ri.T.reshape(NCH, 1, CH)
    pos, blk = _routing_tc(x32)
    pos_flat = pos.reshape(A)
    blk_flat = blk.reshape(NBA)
    rw_flat = rw.T.reshape(A)

    b1b = gate_up_proj_bias.reshape(E, 1, D)
    bd = down_proj_bias.reshape(E, 1, H)
    sel = jnp.asarray(_SEL)

    xg = _dispatch_sc(hs, pos_flat)
    yg = _mlp_tc(blk_flat, xg, gate_up_proj, down_proj, lora_gate_up_A,
                 lora_gate_up_B, lora_down_A, lora_down_B, b1b, bd, sel)
    out = _combine_sc(yg, pos_flat, rw_flat)
    return out.reshape(batch, -1, H)

# --- scband reference (transcript-rebuilt; emitter-appended) ---
"""Pipeline reference for scband-expert-lo-ra-57750130262030 (READ-ONLY COPY).

The authoritative reference and input builder live on the scoring server;
editing this copy changes nothing except your own understanding.
"""

import jax, jax.numpy as jnp
import numpy as np

E = 16
H = 1024
F = 1024
D = 2048
R = 4
TOP_K = 2
BATCH = 1
SEQ = 2048
SCALING = 1.0 / R
LIMIT = 7.0
GLU_ALPHA = 1.702


def setup_inputs(seed: int = 0) -> dict:
    key = jax.random.key(seed)
    ks = jax.random.split(key, 11)
    hidden_states = jax.random.normal(ks[0], (BATCH, SEQ, H), dtype=jnp.float32)
    router_indices = jax.random.randint(ks[1], (BATCH * SEQ, TOP_K), 0, E)
    routing_weights = jax.random.uniform(ks[2], (BATCH * SEQ, TOP_K), dtype=jnp.float32)
    gate_up_proj = jax.random.normal(ks[3], (E, H, D), dtype=jnp.float32) * 0.02
    gate_up_proj_bias = jnp.zeros((E, D), dtype=jnp.float32)
    down_proj = jax.random.normal(ks[4], (E, F, H), dtype=jnp.float32) * 0.02
    down_proj_bias = jnp.zeros((E, H), dtype=jnp.float32)
    lora_gate_up_A = jax.random.uniform(ks[5], (E, H, R), dtype=jnp.float32, minval=-1.0, maxval=1.0) * (1.0 / np.sqrt(H))
    lora_gate_up_B = jax.random.normal(ks[6], (E, R, D), dtype=jnp.float32) * 0.01
    lora_down_A = jax.random.uniform(ks[7], (E, F, R), dtype=jnp.float32, minval=-1.0, maxval=1.0) * (1.0 / np.sqrt(F))
    lora_down_B = jax.random.normal(ks[8], (E, R, H), dtype=jnp.float32) * 0.01
    return {
        "hidden_states": hidden_states,
        "router_indices": router_indices,
        "routing_weights": routing_weights,
        "gate_up_proj": gate_up_proj,
        "gate_up_proj_bias": gate_up_proj_bias,
        "down_proj": down_proj,
        "down_proj_bias": down_proj_bias,
        "lora_gate_up_A": lora_gate_up_A,
        "lora_gate_up_B": lora_gate_up_B,
        "lora_down_A": lora_down_A,
        "lora_down_B": lora_down_B,
    }


def reference(hidden_states, router_indices, routing_weights, gate_up_proj, gate_up_proj_bias, down_proj, down_proj_bias, lora_gate_up_A, lora_gate_up_B, lora_down_A, lora_down_B):
    batch_size = hidden_states.shape[0]
    hs = hidden_states.reshape(-1, H)
    next_states = jnp.zeros_like(hs)
    for e in range(E):
        w = jnp.sum(jnp.where(router_indices == e, routing_weights, 0.0), axis=1)
        cur = hs
        lora1 = (cur @ lora_gate_up_A[e]) @ lora_gate_up_B[e] * SCALING
        gate_up = cur @ gate_up_proj[e] + lora1 + gate_up_proj_bias[e]
        gate = gate_up[..., ::2]
        up = gate_up[..., 1::2]
        gate = jnp.minimum(gate, LIMIT)
        up = jnp.clip(up, -LIMIT, LIMIT)
        glu = gate * jax.nn.sigmoid(gate * GLU_ALPHA)
        gated = (up + 1.0) * glu
        lora2 = (gated @ lora_down_A[e]) @ lora_down_B[e] * SCALING
        out = gated @ down_proj[e] + lora2 + down_proj_bias[e]
        next_states = next_states + out * w[:, None]
    return next_states.reshape(batch_size, -1, H)

if __name__ == "__main__":
    import jax
    _d = setup_inputs()
    print(jax.jit(kernel)(*tuple(_d.values())))

</pallas_src>

<mosaic_0001>
#map = affine_map<(d0, d1) -> (0, 0)>
#map1 = affine_map<(d0, d1) -> (0)>
module attributes {stable_mosaic.version = 14 : i64} {
  func.func @k2(%arg0: i32, %arg1: i32, %arg2: memref<2048x1024xf32, #tpu.memory_space<hbm>>, %arg3: memref<4096xi32, #tpu.memory_space<hbm>>, %arg4: memref<8192x1024xf32, #tpu.memory_space<hbm>>, %arg5: memref<64x1024xf32, #tpu.memory_space<vmem>>, %arg6: memref<64xi32, #tpu.memory_space<vmem>>, %arg7: memref<64xi32, #tpu.memory_space<vmem>>, %arg8: memref<!tpu.dma_semaphore, #tpu.memory_space<semaphore_mem>>, %arg9: memref<!tpu.dma_semaphore, #tpu.memory_space<semaphore_mem>>) attributes {dimension_semantics = [#tpu.dimension_semantics<core_parallel>, #tpu.dimension_semantics<subcore_parallel>], iteration_bounds = array<i64: 2, 16>, scalar_prefetch = 0 : i64, scratch_operands = 5 : i64, tpu.core_type = #tpu.core_type<sc_vector_subcore>, window_params = [{transform_indices = #map}, {transform_indices = #map1}, {transform_indices = #map}]} {
    %mul3A = arith.constant 2 : i32
    %mul3A_0 = arith.muli %arg1, %mul3A : i32
    %add3A = arith.addi %mul3A_0, %arg0 : i32
    %mul3A_1 = arith.constant 64 : i32
    %mul3A_2 = arith.muli %add3A, %mul3A_1 : i32
    "tpu.region"() ({
      %run_scoped3A = tpu.sem_alloc : memref<!tpu.dma_semaphore, #tpu.memory_space<semaphore_mem>>
      %dma_start3A_15 = tpu.memref_slice %arg3[%mul3A_2] : memref<4096xi32, #tpu.memory_space<hbm>> -> memref<64xi32, #tpu.memory_space<hbm>>
      %dma_start3A_16 = tpu.memref_slice %arg3[%mul3A_2] : memref<4096xi32, #tpu.memory_space<hbm>> -> memref<64xi32, #tpu.memory_space<hbm>>
      tpu.enqueue_dma source(%dma_start3A_16 : memref<64xi32, #tpu.memory_space<hbm>>) target(%arg6 : memref<64xi32, #tpu.memory_space<vmem>>) target_semaphore(%run_scoped3A : memref<!tpu.dma_semaphore, #tpu.memory_space<semaphore_mem>>)
      %dma_wait3A_17 = tpu.memref_slice %arg3[%mul3A_2] : memref<4096xi32, #tpu.memory_space<hbm>> -> memref<64xi32, #tpu.memory_space<hbm>>
      %dma_wait3A_18 = tpu.memref_slice %arg3[%mul3A_2] : memref<4096xi32, #tpu.memory_space<hbm>> -> memref<64xi32, #tpu.memory_space<hbm>>
      tpu.wait_dma2 semaphore(%run_scoped3A : memref<!tpu.dma_semaphore, #tpu.memory_space<semaphore_mem>>) src(%dma_wait3A_18 : memref<64xi32, #tpu.memory_space<hbm>>) dst(%arg6 : memref<64xi32, #tpu.memory_space<vmem>>)
      tpu.yield
    }) : () -> ()
    %add3A_3 = arith.constant 2048 : i32
    %add3A_4 = arith.addi %add3A_3, %mul3A_2 : i32
    "tpu.region"() ({
      %run_scoped3A = tpu.sem_alloc : memref<!tpu.dma_semaphore, #tpu.memory_space<semaphore_mem>>
      %dma_start3A_15 = tpu.memref_slice %arg3[%add3A_4] : memref<4096xi32, #tpu.memory_space<hbm>> -> memref<64xi32, #tpu.memory_space<hbm>>
      %dma_start3A_16 = tpu.memref_slice %arg3[%add3A_4] : memref<4096xi32, #tpu.memory_space<hbm>> -> memref<64xi32, #tpu.memory_space<hbm>>
      tpu.enqueue_dma source(%dma_start3A_16 : memref<64xi32, #tpu.memory_space<hbm>>) target(%arg7 : memref<64xi32, #tpu.memory_space<vmem>>) target_semaphore(%run_scoped3A : memref<!tpu.dma_semaphore, #tpu.memory_space<semaphore_mem>>)
      %dma_wait3A_17 = tpu.memref_slice %arg3[%add3A_4] : memref<4096xi32, #tpu.memory_space<hbm>> -> memref<64xi32, #tpu.memory_space<hbm>>
      %dma_wait3A_18 = tpu.memref_slice %arg3[%add3A_4] : memref<4096xi32, #tpu.memory_space<hbm>> -> memref<64xi32, #tpu.memory_space<hbm>>
      tpu.wait_dma2 semaphore(%run_scoped3A : memref<!tpu.dma_semaphore, #tpu.memory_space<semaphore_mem>>) src(%dma_wait3A_18 : memref<64xi32, #tpu.memory_space<hbm>>) dst(%arg7 : memref<64xi32, #tpu.memory_space<vmem>>)
      tpu.yield
    }) : () -> ()
    "tpu.region"() ({
      %run_scoped3A = tpu.sem_alloc : memref<!tpu.dma_semaphore, #tpu.memory_space<semaphore_mem>>
      %dma_start3A_15 = arith.constant 0 : i32
      %dma_start3A_16 = tpu.memref_slice %arg2[%mul3A_2, %dma_start3A_15] : memref<2048x1024xf32, #tpu.memory_space<hbm>> -> memref<64x1024xf32, #tpu.memory_space<hbm>>
      %dma_start3A_17 = arith.constant 0 : i32
      %dma_start3A_18 = tpu.memref_slice %arg2[%mul3A_2, %dma_start3A_17] : memref<2048x1024xf32, #tpu.memory_space<hbm>> -> memref<64x1024xf32, #tpu.memory_space<hbm>>
      tpu.enqueue_dma source(%dma_start3A_18 : memref<64x1024xf32, #tpu.memory_space<hbm>>) target(%arg5 : memref<64x1024xf32, #tpu.memory_space<vmem>>) target_semaphore(%run_scoped3A : memref<!tpu.dma_semaphore, #tpu.memory_space<semaphore_mem>>)
      %dma_wait3A_19 = arith.constant 0 : i32
      %dma_wait3A_20 = tpu.memref_slice %arg2[%mul3A_2, %dma_wait3A_19] : memref<2048x1024xf32, #tpu.memory_space<hbm>> -> memref<64x1024xf32, #tpu.memory_space<hbm>>
      %dma_wait3A_21 = arith.constant 0 : i32
      %dma_wait3A_22 = tpu.memref_slice %arg2[%mul3A_2, %dma_wait3A_21] : memref<2048x1024xf32, #tpu.memory_space<hbm>> -> memref<64x1024xf32, #tpu.memory_space<hbm>>
      tpu.wait_dma2 semaphore(%run_scoped3A : memref<!tpu.dma_semaphore, #tpu.memory_space<semaphore_mem>>) src(%dma_wait3A_22 : memref<64x1024xf32, #tpu.memory_space<hbm>>) dst(%arg5 : memref<64x1024xf32, #tpu.memory_space<vmem>>)
      tpu.yield
    }) : () -> ()
    %dma_start3A = arith.constant 0 : i32
    %dma_start3A_5 = arith.constant 0 : i32
    %dma_start3A_6 = tpu.memref_slice %arg4[%dma_start3A, %dma_start3A_5] : memref<8192x1024xf32, #tpu.memory_space<hbm>> -> memref<8192x1024xf32, #tpu.memory_space<hbm>>
    tpu.enqueue_indirect_dma source(%arg5 : memref<64x1024xf32, #tpu.memory_space<vmem>>) target(%dma_start3A_6 : memref<8192x1024xf32, #tpu.memory_space<hbm>>) offsets(%arg6 : memref<64xi32, #tpu.memory_space<vmem>>) semaphore(%arg8 : memref<!tpu.dma_semaphore, #tpu.memory_space<semaphore_mem>>)
    %dma_start3A_7 = arith.constant 0 : i32
    %dma_start3A_8 = arith.constant 0 : i32
    %dma_start3A_9 = tpu.memref_slice %arg4[%dma_start3A_7, %dma_start3A_8] : memref<8192x1024xf32, #tpu.memory_space<hbm>> -> memref<8192x1024xf32, #tpu.memory_space<hbm>>
    tpu.enqueue_indirect_dma source(%arg5 : memref<64x1024xf32, #tpu.memory_space<vmem>>) target(%dma_start3A_9 : memref<8192x1024xf32, #tpu.memory_space<hbm>>) offsets(%arg7 : memref<64xi32, #tpu.memory_space<vmem>>) semaphore(%arg9 : memref<!tpu.dma_semaphore, #tpu.memory_space<semaphore_mem>>)
    %dma_wait3A = arith.constant 0 : i32
    %dma_wait3A_10 = arith.constant 0 : i32
    %dma_wait3A_11 = tpu.memref_slice %arg4[%dma_wait3A, %dma_wait3A_10] : memref<8192x1024xf32, #tpu.memory_space<hbm>> -> memref<8192x1024xf32, #tpu.memory_space<hbm>>
    tpu.wait_indirect_dma semaphore(%arg8 : memref<!tpu.dma_semaphore, #tpu.memory_space<semaphore_mem>>) src(%arg5 : memref<64x1024xf32, #tpu.memory_space<vmem>>) dst(%dma_wait3A_11 : memref<8192x1024xf32, #tpu.memory_space<hbm>>)
    %dma_wait3A_12 = arith.constant 0 : i32
    %dma_wait3A_13 = arith.constant 0 : i32
    %dma_wait3A_14 = tpu.memref_slice %arg4[%dma_wait3A_12, %dma_wait3A_13] : memref<8192x1024xf32, #tpu.memory_space<hbm>> -> memref<8192x1024xf32, #tpu.memory_space<hbm>>
    tpu.wait_indirect_dma semaphore(%arg9 : memref<!tpu.dma_semaphore, #tpu.memory_space<semaphore_mem>>) src(%arg5 : memref<64x1024xf32, #tpu.memory_space<vmem>>) dst(%dma_wait3A_14 : memref<8192x1024xf32, #tpu.memory_space<hbm>>)
    return
  }
}

#map = affine_map<(d0, d1) -> (0, 0)>
#map1 = affine_map<(d0, d1) -> (0)>
module attributes {stable_mosaic.version = 14 : i64} {
  func.func @k4(%arg0: i32, %arg1: i32, %arg2: memref<8192x1024xf32, #tpu.memory_space<hbm>>, %arg3: memref<4096xi32, #tpu.memory_space<hbm>>, %arg4: memref<4096xf32, #tpu.memory_space<hbm>>, %arg5: memref<2048x1024xf32, #tpu.memory_space<hbm>>, %arg6: memref<16x1024xf32, #tpu.memory_space<vmem>>, %arg7: memref<16x1024xf32, #tpu.memory_space<vmem>>, %arg8: memref<16x1024xf32, #tpu.memory_space<vmem>>, %arg9: memref<16x1024xf32, #tpu.memory_space<vmem>>, %arg10: memref<64xi32, #tpu.memory_space<vmem>>, %arg11: memref<64xi32, #tpu.memory_space<vmem>>, %arg12: memref<80xf32, #tpu.memory_space<vmem>>, %arg13: memref<80xf32, #tpu.memory_space<vmem>>, %arg14: memref<!tpu.dma_semaphore, #tpu.memory_space<semaphore_mem>>, %arg15: memref<!tpu.dma_semaphore, #tpu.memory_space<semaphore_mem>>, %arg16: memref<!tpu.dma_semaphore, #tpu.memory_space<semaphore_mem>>, %arg17: memref<!tpu.dma_semaphore, #tpu.memory_space<semaphore_mem>>, %arg18: memref<!tpu.dma_semaphore, #tpu.memory_space<semaphore_mem>>, %arg19: memref<!tpu.dma_semaphore, #tpu.memory_space<semaphore_mem>>) attributes {dimension_semantics = [#tpu.dimension_semantics<core_parallel>, #tpu.dimension_semantics<subcore_parallel>], iteration_bounds = array<i64: 2, 16>, scalar_prefetch = 0 : i64, scratch_operands = 14 : i64, tpu.core_type = #tpu.core_type<sc_vector_subcore>, window_params = [{transform_indices = #map}, {transform_indices = #map1}, {transform_indices = #map1}, {transform_indices = #map}]} {
    %mul3A = arith.constant 2 : i32
    %mul3A_0 = arith.muli %arg1, %mul3A : i32
    %add3A = arith.addi %mul3A_0, %arg0 : i32
    %mul3A_1 = arith.constant 64 : i32
    %mul3A_2 = arith.muli %add3A, %mul3A_1 : i32
    "tpu.region"() ({
      %run_scoped3A = tpu.sem_alloc : memref<!tpu.dma_semaphore, #tpu.memory_space<semaphore_mem>>
      %dma_start3A_152 = tpu.memref_slice %arg3[%mul3A_2] : memref<4096xi32, #tpu.memory_space<hbm>> -> memref<64xi32, #tpu.memory_space<hbm>>
      %dma_start3A_153 = tpu.memref_slice %arg3[%mul3A_2] : memref<4096xi32, #tpu.memory_space<hbm>> -> memref<64xi32, #tpu.memory_space<hbm>>
      tpu.enqueue_dma source(%dma_start3A_153 : memref<64xi32, #tpu.memory_space<hbm>>) target(%arg10 : memref<64xi32, #tpu.memory_space<vmem>>) target_semaphore(%run_scoped3A : memref<!tpu.dma_semaphore, #tpu.memory_space<semaphore_mem>>)
      %dma_wait3A_154 = tpu.memref_slice %arg3[%mul3A_2] : memref<4096xi32, #tpu.memory_space<hbm>> -> memref<64xi32, #tpu.memory_space<hbm>>
      %dma_wait3A_155 = tpu.memref_slice %arg3[%mul3A_2] : memref<4096xi32, #tpu.memory_space<hbm>> -> memref<64xi32, #tpu.memory_space<hbm>>
      tpu.wait_dma2 semaphore(%run_scoped3A : memref<!tpu.dma_semaphore, #tpu.memory_space<semaphore_mem>>) src(%dma_wait3A_155 : memref<64xi32, #tpu.memory_space<hbm>>) dst(%arg10 : memref<64xi32, #tpu.memory_space<vmem>>)
      tpu.yield
    }) : () -> ()
    %add3A_3 = arith.constant 2048 : i32
    %add3A_4 = arith.addi %add3A_3, %mul3A_2 : i32
    "tpu.region"() ({
      %run_scoped3A = tpu.sem_alloc : memref<!tpu.dma_semaphore, #tpu.memory_space<semaphore_mem>>
      %dma_start3A_152 = tpu.memref_slice %arg3[%add3A_4] : memref<4096xi32, #tpu.memory_space<hbm>> -> memref<64xi32, #tpu.memory_space<hbm>>
      %dma_start3A_153 = tpu.memref_slice %arg3[%add3A_4] : memref<4096xi32, #tpu.memory_space<hbm>> -> memref<64xi32, #tpu.memory_space<hbm>>
      tpu.enqueue_dma source(%dma_start3A_153 : memref<64xi32, #tpu.memory_space<hbm>>) target(%arg11 : memref<64xi32, #tpu.memory_space<vmem>>) target_semaphore(%run_scoped3A : memref<!tpu.dma_semaphore, #tpu.memory_space<semaphore_mem>>)
      %dma_wait3A_154 = tpu.memref_slice %arg3[%add3A_4] : memref<4096xi32, #tpu.memory_space<hbm>> -> memref<64xi32, #tpu.memory_space<hbm>>
      %dma_wait3A_155 = tpu.memref_slice %arg3[%add3A_4] : memref<4096xi32, #tpu.memory_space<hbm>> -> memref<64xi32, #tpu.memory_space<hbm>>
      tpu.wait_dma2 semaphore(%run_scoped3A : memref<!tpu.dma_semaphore, #tpu.memory_space<semaphore_mem>>) src(%dma_wait3A_155 : memref<64xi32, #tpu.memory_space<hbm>>) dst(%arg11 : memref<64xi32, #tpu.memory_space<vmem>>)
      tpu.yield
    }) : () -> ()
    "tpu.region"() ({
      %run_scoped3A = tpu.sem_alloc : memref<!tpu.dma_semaphore, #tpu.memory_space<semaphore_mem>>
      %dma_start3A_152 = arith.constant 0 : i32
      %dma_start3A_153 = tpu.memref_slice %arg12[%dma_start3A_152] : memref<80xf32, #tpu.memory_space<vmem>> -> memref<64xf32, #tpu.memory_space<vmem>>
      %dma_start3A_154 = tpu.memref_slice %arg4[%mul3A_2] : memref<4096xf32, #tpu.memory_space<hbm>> -> memref<64xf32, #tpu.memory_space<hbm>>
      %dma_start3A_155 = arith.constant 0 : i32
      %dma_start3A_156 = tpu.memref_slice %arg12[%dma_start3A_155] : memref<80xf32, #tpu.memory_space<vmem>> -> memref<64xf32, #tpu.memory_space<vmem>>
      %dma_start3A_157 = tpu.memref_slice %arg4[%mul3A_2] : memref<4096xf32, #tpu.memory_space<hbm>> -> memref<64xf32, #tpu.memory_space<hbm>>
      tpu.enqueue_dma source(%dma_start3A_157 : memref<64xf32, #tpu.memory_space<hbm>>) target(%dma_start3A_156 : memref<64xf32, #tpu.memory_space<vmem>>) target_semaphore(%run_scoped3A : memref<!tpu.dma_semaphore, #tpu.memory_space<semaphore_mem>>)
      %dma_wait3A_158 = arith.constant 0 : i32
      %dma_wait3A_159 = tpu.memref_slice %arg12[%dma_wait3A_158] : memref<80xf32, #tpu.memory_space<vmem>> -> memref<64xf32, #tpu.memory_space<vmem>>
      %dma_wait3A_160 = tpu.memref_slice %arg4[%mul3A_2] : memref<4096xf32, #tpu.memory_space<hbm>> -> memref<64xf32, #tpu.memory_space<hbm>>
      %dma_wait3A_161 = arith.constant 0 : i32
      %dma_wait3A_162 = tpu.memref_slice %arg12[%dma_wait3A_161] : memref<80xf32, #tpu.memory_space<vmem>> -> memref<64xf32, #tpu.memory_space<vmem>>
      %dma_wait3A_163 = tpu.memref_slice %arg4[%mul3A_2] : memref<4096xf32, #tpu.memory_space<hbm>> -> memref<64xf32, #tpu.memory_space<hbm>>
      tpu.wait_dma2 semaphore(%run_scoped3A : memref<!tpu.dma_semaphore, #tpu.memory_space<semaphore_mem>>) src(%dma_wait3A_163 : memref<64xf32, #tpu.memory_space<hbm>>) dst(%dma_wait3A_162 : memref<64xf32, #tpu.memory_space<vmem>>)
      tpu.yield
    }) : () -> ()
    %add3A_5 = arith.constant 2048 : i32
    %add3A_6 = arith.addi %add3A_5, %mul3A_2 : i32
    "tpu.region"() ({
      %run_scoped3A = tpu.sem_alloc : memref<!tpu.dma_semaphore, #tpu.memory_space<semaphore_mem>>
      %dma_start3A_152 = arith.constant 0 : i32
      %dma_start3A_153 = tpu.memref_slice %arg13[%dma_start3A_152] : memref<80xf32, #tpu.memory_space<vmem>> -> memref<64xf32, #tpu.memory_space<vmem>>
      %dma_start3A_154 = tpu.memref_slice %arg4[%add3A_6] : memref<4096xf32, #tpu.memory_space<hbm>> -> memref<64xf32, #tpu.memory_space<hbm>>
      %dma_start3A_155 = arith.constant 0 : i32
      %dma_start3A_156 = tpu.memref_slice %arg13[%dma_start3A_155] : memref<80xf32, #tpu.memory_space<vmem>> -> memref<64xf32, #tpu.memory_space<vmem>>
      %dma_start3A_157 = tpu.memref_slice %arg4[%add3A_6] : memref<4096xf32, #tpu.memory_space<hbm>> -> memref<64xf32, #tpu.memory_space<hbm>>
      tpu.enqueue_dma source(%dma_start3A_157 : memref<64xf32, #tpu.memory_space<hbm>>) target(%dma_start3A_156 : memref<64xf32, #tpu.memory_space<vmem>>) target_semaphore(%run_scoped3A : memref<!tpu.dma_semaphore, #tpu.memory_space<semaphore_mem>>)
      %dma_wait3A_158 = arith.constant 0 : i32
      %dma_wait3A_159 = tpu.memref_slice %arg13[%dma_wait3A_158] : memref<80xf32, #tpu.memory_space<vmem>> -> memref<64xf32, #tpu.memory_space<vmem>>
      %dma_wait3A_160 = tpu.memref_slice %arg4[%add3A_6] : memref<4096xf32, #tpu.memory_space<hbm>> -> memref<64xf32, #tpu.memory_space<hbm>>
      %dma_wait3A_161 = arith.constant 0 : i32
      %dma_wait3A_162 = tpu.memref_slice %arg13[%dma_wait3A_161] : memref<80xf32, #tpu.memory_space<vmem>> -> memref<64xf32, #tpu.memory_space<vmem>>
      %dma_wait3A_163 = tpu.memref_slice %arg4[%add3A_6] : memref<4096xf32, #tpu.memory_space<hbm>> -> memref<64xf32, #tpu.memory_space<hbm>>
      tpu.wait_dma2 semaphore(%run_scoped3A : memref<!tpu.dma_semaphore, #tpu.memory_space<semaphore_mem>>) src(%dma_wait3A_163 : memref<64xf32, #tpu.memory_space<hbm>>) dst(%dma_wait3A_162 : memref<64xf32, #tpu.memory_space<vmem>>)
      tpu.yield
    }) : () -> ()
    %dma_start3A = arith.constant 0 : i32
    %dma_start3A_7 = tpu.memref_slice %arg10[%dma_start3A] : memref<64xi32, #tpu.memory_space<vmem>> -> memref<16xi32, #tpu.memory_space<vmem>>
    %dma_start3A_8 = arith.constant 0 : i32
    %dma_start3A_9 = arith.constant 0 : i32
    %dma_start3A_10 = tpu.memref_slice %arg2[%dma_start3A_8, %dma_start3A_9] : memref<8192x1024xf32, #tpu.memory_space<hbm>> -> memref<8192x1024xf32, #tpu.memory_space<hbm>>
    tpu.enqueue_indirect_dma source(%dma_start3A_10 : memref<8192x1024xf32, #tpu.memory_space<hbm>>) target(%arg6 : memref<16x1024xf32, #tpu.memory_space<vmem>>) offsets(%dma_start3A_7 : memref<16xi32, #tpu.memory_space<vmem>>) semaphore(%arg14 : memref<!tpu.dma_semaphore, #tpu.memory_space<semaphore_mem>>)
    %dma_start3A_11 = arith.constant 0 : i32
    %dma_start3A_12 = tpu.memref_slice %arg11[%dma_start3A_11] : memref<64xi32, #tpu.memory_space<vmem>> -> memref<16xi32, #tpu.memory_space<vmem>>
    %dma_start3A_13 = arith.constant 0 : i32
    %dma_start3A_14 = arith.constant 0 : i32
    %dma_start3A_15 = tpu.memref_slice %arg2[%dma_start3A_13, %dma_start3A_14] : memref<8192x1024xf32, #tpu.memory_space<hbm>> -> memref<8192x1024xf32, #tpu.memory_space<hbm>>
    tpu.enqueue_indirect_dma source(%dma_start3A_15 : memref<8192x1024xf32, #tpu.memory_space<hbm>>) target(%arg7 : memref<16x1024xf32, #tpu.memory_space<vmem>>) offsets(%dma_start3A_12 : memref<16xi32, #tpu.memory_space<vmem>>) semaphore(%arg15 : memref<!tpu.dma_semaphore, #tpu.memory_space<semaphore_mem>>)
    %dma_start3A_16 = arith.constant 16 : i32
    %dma_start3A_17 = tpu.memref_slice %arg10[%dma_start3A_16] : memref<64xi32, #tpu.memory_space<vmem>> -> memref<16xi32, #tpu.memory_space<vmem>>
    %dma_start3A_18 = arith.constant 0 : i32
    %dma_start3A_19 = arith.constant 0 : i32
    %dma_start3A_20 = tpu.memref_slice %arg2[%dma_start3A_18, %dma_start3A_19] : memref<8192x1024xf32, #tpu.memory_space<hbm>> -> memref<8192x1024xf32, #tpu.memory_space<hbm>>
    tpu.enqueue_indirect_dma source(%dma_start3A_20 : memref<8192x1024xf32, #tpu.memory_space<hbm>>) target(%arg8 : memref<16x1024xf32, #tpu.memory_space<vmem>>) offsets(%dma_start3A_17 : memref<16xi32, #tpu.memory_space<vmem>>) semaphore(%arg16 : memref<!tpu.dma_semaphore, #tpu.memory_space<semaphore_mem>>)
    %dma_start3A_21 = arith.constant 16 : i32
    %dma_start3A_22 = tpu.memref_slice %arg11[%dma_start3A_21] : memref<64xi32, #tpu.memory_space<vmem>> -> memref<16xi32, #tpu.memory_space<vmem>>
    %dma_start3A_23 = arith.constant 0 : i32
    %dma_start3A_24 = arith.constant 0 : i32
    %dma_start3A_25 = tpu.memref_slice %arg2[%dma_start3A_23, %dma_start3A_24] : memref<8192x1024xf32, #tpu.memory_space<hbm>> -> memref<8192x1024xf32, #tpu.memory_space<hbm>>
    tpu.enqueue_indirect_dma source(%dma_start3A_25 : memref<8192x1024xf32, #tpu.memory_space<hbm>>) target(%arg9 : memref<16x1024xf32, #tpu.memory_space<vmem>>) offsets(%dma_start3A_22 : memref<16xi32, #tpu.memory_space<vmem>>) semaphore(%arg17 : memref<!tpu.dma_semaphore, #tpu.memory_space<semaphore_mem>>)
    %dma_wait3A = arith.constant 0 : i32
    %dma_wait3A_26 = tpu.memref_slice %arg10[%dma_wait3A] : memref<64xi32, #tpu.memory_space<vmem>> -> memref<16xi32, #tpu.memory_space<vmem>>
    %dma_wait3A_27 = arith.constant 0 : i32
    %dma_wait3A_28 = arith.constant 0 : i32
    %dma_wait3A_29 = tpu.memref_slice %arg2[%dma_wait3A_27, %dma_wait3A_28] : memref<8192x1024xf32, #tpu.memory_space<hbm>> -> memref<8192x1024xf32, #tpu.memory_space<hbm>>
    tpu.wait_indirect_dma semaphore(%arg14 : memref<!tpu.dma_semaphore, #tpu.memory_space<semaphore_mem>>) src(%dma_wait3A_29 : memref<8192x1024xf32, #tpu.memory_space<hbm>>) dst(%arg6 : memref<16x1024xf32, #tpu.memory_space<vmem>>)
    %dma_wait3A_30 = arith.constant 0 : i32
    %dma_wait3A_31 = tpu.memref_slice %arg11[%dma_wait3A_30] : memref<64xi32, #tpu.memory_space<vmem>> -> memref<16xi32, #tpu.memory_space<vmem>>
    %dma_wait3A_32 = arith.constant 0 : i32
    %dma_wait3A_33 = arith.constant 0 : i32
    %dma_wait3A_34 = tpu.memref_slice %arg2[%dma_wait3A_32, %dma_wait3A_33] : memref<8192x1024xf32, #tpu.memory_space<hbm>> -> memref<8192x1024xf32, #tpu.memory_space<hbm>>
    tpu.wait_indirect_dma semaphore(%arg15 : memref<!tpu.dma_semaphore, #tpu.memory_space<semaphore_mem>>) src(%dma_wait3A_34 : memref<8192x1024xf32, #tpu.memory_space<hbm>>) dst(%arg7 : memref<16x1024xf32, #tpu.memory_space<vmem>>)
    %scan3A = arith.constant 0 : i32
    %scan3A_35 = arith.constant 0 : i32
    %scan3A_36 = arith.constant 16 : i32
    %scan3A_37 = arith.addi %scan3A_35, %scan3A_36 : i32
    %scan3A_38 = arith.constant 1 : i32
    %scan3A_39 = scf.for %scan3A_152 = %scan3A_35 to %scan3A_37 step %scan3A_38 iter_args(%scan3A_153 = %scan3A) -> (i32)  : i32 {
      %add3A_154 = arith.constant 0 : i32
      %add3A_155 = arith.addi %add3A_154, %scan3A_152 : i32
      %get3A = arith.index_cast %add3A_155 : i32 to index
      %get3A_156 = tpu.vector_load %arg12[%get3A] {strides = array<i32>} : memref<80xf32, #tpu.memory_space<vmem>>, vector<16xf32>,
      %get3A_157 = vector.shape_cast %get3A_156 : vector<16xf32> to vector<16xf32>
      %slice3A = vector.extract_strided_slice %get3A_157 {offsets = [0], sizes = [1], strides = [1]} : vector<16xf32> to vector<1xf32>
      %squeeze3A = vector.extract %slice3A[0] : f32 from vector<1xf32>
      %broadcast_in_dim3A = vector.broadcast %squeeze3A : f32 to vector<16xf32>
      %add3A_158 = arith.constant 0 : i32
      %add3A_159 = arith.addi %add3A_158, %scan3A_152 : i32
      %get3A_160 = arith.index_cast %add3A_159 : i32 to index
      %get3A_161 = tpu.vector_load %arg13[%get3A_160] {strides = array<i32>} : memref<80xf32, #tpu.memory_space<vmem>>, vector<16xf32>,
      %get3A_162 = vector.shape_cast %get3A_161 : vector<16xf32> to vector<16xf32>
      %slice3A_163 = vector.extract_strided_slice %get3A_162 {offsets = [0], sizes = [1], strides = [1]} : vector<16xf32> to vector<1xf32>
      %squeeze3A_164 = vector.extract %slice3A_163[0] : f32 from vector<1xf32>
      %broadcast_in_dim3A_165 = vector.broadcast %squeeze3A_164 : f32 to vector<16xf32>
      %scan3A_166 = arith.constant 0 : i32
      %scan3A_167 = arith.constant 0 : i32
      %scan3A_168 = arith.constant 8 : i32
      %scan3A_169 = arith.addi %scan3A_167, %scan3A_168 : i32
      %scan3A_170 = arith.constant 1 : i32
      %scan3A_171 = scf.for %scan3A_174 = %scan3A_167 to %scan3A_169 step %scan3A_170 iter_args(%scan3A_175 = %scan3A_166) -> (i32)  : i32 {
        %mul3A_176 = arith.constant 128 : i32
        %mul3A_177 = arith.muli %scan3A_174, %mul3A_176 : i32
        %add3A_178 = arith.constant 0 : i32
        %add3A_179 = arith.addi %mul3A_177, %add3A_178 : i32
        %get3A_180 = arith.index_cast %scan3A_152 : i32 to index
        %get3A_181 = arith.index_cast %add3A_179 : i32 to index
        %get3A_182 = tpu.vector_load %arg6[%get3A_180, %get3A_181] {strides = array<i32>} : memref<16x1024xf32, #tpu.memory_space<vmem>>, vector<1x16xf32>,
        %get3A_183 = vector.shape_cast %get3A_182 : vector<1x16xf32> to vector<16xf32>
        %mul3A_184 = arith.mulf %broadcast_in_dim3A, %get3A_183 : vector<16xf32>
        %get3A_185 = arith.index_cast %scan3A_152 : i32 to index
        %get3A_186 = arith.index_cast %add3A_179 : i32 to index
        %get3A_187 = tpu.vector_load %arg7[%get3A_185, %get3A_186] {strides = array<i32>} : memref<16x1024xf32, #tpu.memory_space<vmem>>, vector<1x16xf32>,
        %get3A_188 = vector.shape_cast %get3A_187 : vector<1x16xf32> to vector<16xf32>
        %mul3A_189 = arith.mulf %broadcast_in_dim3A_165, %get3A_188 : vector<16xf32>
        %add3A_190 = arith.addf %mul3A_184, %mul3A_189 : vector<16xf32>
        %swap3A = arith.index_cast %scan3A_152 : i32 to index
        %swap3A_191 = arith.index_cast %add3A_179 : i32 to index
        %swap3A_192 = tpu.vector_load %arg6[%swap3A, %swap3A_191] {strides = array<i32>} : memref<16x1024xf32, #tpu.memory_space<vmem>>, vector<1x16xf32>,
        %swap3A_193 = vector.shape_cast %swap3A_192 : vector<1x16xf32> to vector<16xf32>
        %swap3A_194 = vector.shape_cast %add3A_190 : vector<16xf32> to vector<1x16xf32>
        tpu.vector_store %arg6[%swap3A, %swap3A_191], %swap3A_194 {strides = array<i32>} : memref<16x1024xf32, #tpu.memory_space<vmem>>, vector<1x16xf32>,
        %mul3A_195 = arith.constant 128 : i32
        %mul3A_196 = arith.muli %scan3A_174, %mul3A_195 : i32
        %add3A_197 = arith.constant 16 : i32
        %add3A_198 = arith.addi %mul3A_196, %add3A_197 : i32
        %get3A_199 = arith.index_cast %scan3A_152 : i32 to index
        %get3A_200 = arith.index_cast %add3A_198 : i32 to index
        %get3A_201 = tpu.vector_load %arg6[%get3A_199, %get3A_200] {strides = array<i32>} : memref<16x1024xf32, #tpu.memory_space<vmem>>, vector<1x16xf32>,
        %get3A_202 = vector.shape_cast %get3A_201 : vector<1x16xf32> to vector<16xf32>
        %mul3A_203 = arith.mulf %broadcast_in_dim3A, %get3A_202 : vector<16xf32>
        %get3A_204 = arith.index_cast %scan3A_152 : i32 to index
        %get3A_205 = arith.index_cast %add3A_198 : i32 to index
        %get3A_206 = tpu.vector_load %arg7[%get3A_204, %get3A_205] {strides = array<i32>} : memref<16x1024xf32, #tpu.memory_space<vmem>>, vector<1x16xf32>,
        %get3A_207 = vector.shape_cast %get3A_206 : vector<1x16xf32> to vector<16xf32>
        %mul3A_208 = arith.mulf %broadcast_in_dim3A_165, %get3A_207 : vector<16xf32>
        %add3A_209 = arith.addf %mul3A_203, %mul3A_208 : vector<16xf32>
        %swap3A_210 = arith.index_cast %scan3A_152 : i32 to index
        %swap3A_211 = arith.index_cast %add3A_198 : i32 to index
        %swap3A_212 = tpu.vector_load %arg6[%swap3A_210, %swap3A_211] {strides = array<i32>} : memref<16x1024xf32, #tpu.memory_space<vmem>>, vector<1x16xf32>,
        %swap3A_213 = vector.shape_cast %swap3A_212 : vector<1x16xf32> to vector<16xf32>
        %swap3A_214 = vector.shape_cast %add3A_209 : vector<16xf32> to vector<1x16xf32>
        tpu.vector_store %arg6[%swap3A_210, %swap3A_211], %swap3A_214 {strides = array<i32>} : memref<16x1024xf32, #tpu.memory_space<vmem>>, vector<1x16xf32>,
        %mul3A_215 = arith.constant 128 : i32
        %mul3A_216 = arith.muli %scan3A_174, %mul3A_215 : i32
        %add3A_217 = arith.constant 32 : i32
        %add3A_218 = arith.addi %mul3A_216, %add3A_217 : i32
        %get3A_219 = arith.index_cast %scan3A_152 : i32 to index
        %get3A_220 = arith.index_cast %add3A_218 : i32 to index
        %get3A_221 = tpu.vector_load %arg6[%get3A_219, %get3A_220] {strides = array<i32>} : memref<16x1024xf32, #tpu.memory_space<vmem>>, vector<1x16xf32>,
        %get3A_222 = vector.shape_cast %get3A_221 : vector<1x16xf32> to vector<16xf32>
        %mul3A_223 = arith.mulf %broadcast_in_dim3A, %get3A_222 : vector<16xf32>
        %get3A_224 = arith.index_cast %scan3A_152 : i32 to index
        %get3A_225 = arith.index_cast %add3A_218 : i32 to index
        %get3A_226 = tpu.vector_load %arg7[%get3A_224, %get3A_225] {strides = array<i32>} : memref<16x1024xf32, #tpu.memory_space<vmem>>, vector<1x16xf32>,
        %get3A_227 = vector.shape_cast %get3A_226 : vector<1x16xf32> to vector<16xf32>
        %mul3A_228 = arith.mulf %broadcast_in_dim3A_165, %get3A_227 : vector<16xf32>
        %add3A_229 = arith.addf %mul3A_223, %mul3A_228 : vector<16xf32>
        %swap3A_230 = arith.index_cast %scan3A_152 : i32 to index
        %swap3A_231 = arith.index_cast %add3A_218 : i32 to index
        %swap3A_232 = tpu.vector_load %arg6[%swap3A_230, %swap3A_231] {strides = array<i32>} : memref<16x1024xf32, #tpu.memory_space<vmem>>, vector<1x16xf32>,
        %swap3A_233 = vector.shape_cast %swap3A_232 : vector<1x16xf32> to vector<16xf32>
        %swap3A_234 = vector.shape_cast %add3A_229 : vector<16xf32> to vector<1x16xf32>
        tpu.vector_store %arg6[%swap3A_230, %swap3A_231], %swap3A_234 {strides = array<i32>} : memref<16x1024xf32, #tpu.memory_space<vmem>>, vector<1x16xf32>,
        %mul3A_235 = arith.constant 128 : i32
        %mul3A_236 = arith.muli %scan3A_174, %mul3A_235 : i32
        %add3A_237 = arith.constant 48 : i32
        %add3A_238 = arith.addi %mul3A_236, %add3A_237 : i32
        %get3A_239 = arith.index_cast %scan3A_152 : i32 to index
        %get3A_240 = arith.index_cast %add3A_238 : i32 to index
        %get3A_241 = tpu.vector_load %arg6[%get3A_239, %get3A_240] {strides = array<i32>} : memref<16x1024xf32, #tpu.memory_space<vmem>>, vector<1x16xf32>,
        %get3A_242 = vector.shape_cast %get3A_241 : vector<1x16xf32> to vector<16xf32>
        %mul3A_243 = arith.mulf %broadcast_in_dim3A, %get3A_242 : vector<16xf32>
        %get3A_244 = arith.index_cast %scan3A_152 : i32 to index
        %get3A_245 = arith.index_cast %add3A_238 : i32 to index
        %get3A_246 = tpu.vector_load %arg7[%get3A_244, %get3A_245] {strides = array<i32>} : memref<16x1024xf32, #tpu.memory_space<vmem>>, vector<1x16xf32>,
        %get3A_247 = vector.shape_cast %get3A_246 : vector<1x16xf32> to vector<16xf32>
        %mul3A_248 = arith.mulf %broadcast_in_dim3A_165, %get3A_247 : vector<16xf32>
        %add3A_249 = arith.addf %mul3A_243, %mul3A_248 : vector<16xf32>
        %swap3A_250 = arith.index_cast %scan3A_152 : i32 to index
        %swap3A_251 = arith.index_cast %add3A_238 : i32 to index
        %swap3A_252 = tpu.vector_load %arg6[%swap3A_250, %swap3A_251] {strides = array<i32>} : memref<16x1024xf32, #tpu.memory_space<vmem>>, vector<1x16xf32>,
        %swap3A_253 = vector.shape_cast %swap3A_252 : vector<1x16xf32> to vector<16xf32>
        %swap3A_254 = vector.shape_cast %add3A_249 : vector<16xf32> to vector<1x16xf32>
        tpu.vector_store %arg6[%swap3A_250, %swap3A_251], %swap3A_254 {strides = array<i32>} : memref<16x1024xf32, #tpu.memory_space<vmem>>, vector<1x16xf32>,
        %mul3A_255 = arith.constant 128 : i32
        %mul3A_256 = arith.muli %scan3A_174, %mul3A_255 : i32
        %add3A_257 = arith.constant 64 : i32
        %add3A_258 = arith.addi %mul3A_256, %add3A_257 : i32
        %get3A_259 = arith.index_cast %scan3A_152 : i32 to index
        %get3A_260 = arith.index_cast %add3A_258 : i32 to index
        %get3A_261 = tpu.vector_load %arg6[%get3A_259, %get3A_260] {strides = array<i32>} : memref<16x1024xf32, #tpu.memory_space<vmem>>, vector<1x16xf32>,
        %get3A_262 = vector.shape_cast %get3A_261 : vector<1x16xf32> to vector<16xf32>
        %mul3A_263 = arith.mulf %broadcast_in_dim3A, %get3A_262 : vector<16xf32>
        %get3A_264 = arith.index_cast %scan3A_152 : i32 to index
        %get3A_265 = arith.index_cast %add3A_258 : i32 to index
        %get3A_266 = tpu.vector_load %arg7[%get3A_264, %get3A_265] {strides = array<i32>} : memref<16x1024xf32, #tpu.memory_space<vmem>>, vector<1x16xf32>,
        %get3A_267 = vector.shape_cast %get3A_266 : vector<1x16xf32> to vector<16xf32>
        %mul3A_268 = arith.mulf %broadcast_in_dim3A_165, %get3A_267 : vector<16xf32>
        %add3A_269 = arith.addf %mul3A_263, %mul3A_268 : vector<16xf32>
        %swap3A_270 = arith.index_cast %scan3A_152 : i32 to index
        %swap3A_271 = arith.index_cast %add3A_258 : i32 to index
        %swap3A_272 = tpu.vector_load %arg6[%swap3A_270, %swap3A_271] {strides = array<i32>} : memref<16x1024xf32, #tpu.memory_space<vmem>>, vector<1x16xf32>,
        %swap3A_273 = vector.shape_cast %swap3A_272 : vector<1x16xf32> to vector<16xf32>
        %swap3A_274 = vector.shape_cast %add3A_269 : vector<16xf32> to vector<1x16xf32>
        tpu.vector_store %arg6[%swap3A_270, %swap3A_271], %swap3A_274 {strides = array<i32>} : memref<16x1024xf32, #tpu.memory_space<vmem>>, vector<1x16xf32>,
        %mul3A_275 = arith.constant 128 : i32
        %mul3A_276 = arith.muli %scan3A_174, %mul3A_275 : i32
        %add3A_277 = arith.constant 80 : i32
        %add3A_278 = arith.addi %mul3A_276, %add3A_277 : i32
        %get3A_279 = arith.index_cast %scan3A_152 : i32 to index
        %get3A_280 = arith.index_cast %add3A_278 : i32 to index
        %get3A_281 = tpu.vector_load %arg6[%get3A_279, %get3A_280] {strides = array<i32>} : memref<16x1024xf32, #tpu.memory_space<vmem>>, vector<1x16xf32>,
        %get3A_282 = vector.shape_cast %get3A_281 : vector<1x16xf32> to vector<16xf32>
        %mul3A_283 = arith.mulf %broadcast_in_dim3A, %get3A_282 : vector<16xf32>
        %get3A_284 = arith.index_cast %scan3A_152 : i32 to index
        %get3A_285 = arith.index_cast %add3A_278 : i32 to index
        %get3A_286 = tpu.vector_load %arg7[%get3A_284, %get3A_285] {strides = array<i32>} : memref<16x1024xf32, #tpu.memory_space<vmem>>, vector<1x16xf32>,
        %get3A_287 = vector.shape_cast %get3A_286 : vector<1x16xf32> to vector<16xf32>
        %mul3A_288 = arith.mulf %broadcast_in_dim3A_165, %get3A_287 : vector<16xf32>
        %add3A_289 = arith.addf %mul3A_283, %mul3A_288 : vector<16xf32>
        %swap3A_290 = arith.index_cast %scan3A_152 : i32 to index
        %swap3A_291 = arith.index_cast %add3A_278 : i32 to index
        %swap3A_292 = tpu.vector_load %arg6[%swap3A_290, %swap3A_291] {strides = array<i32>} : memref<16x1024xf32, #tpu.memory_space<vmem>>, vector<1x16xf32>,
        %swap3A_293 = vector.shape_cast %swap3A_292 : vector<1x16xf32> to vector<16xf32>
        %swap3A_294 = vector.shape_cast %add3A_289 : vector<16xf32> to vector<1x16xf32>
        tpu.vector_store %arg6[%swap3A_290, %swap3A_291], %swap3A_294 {strides = array<i32>} : memref<16x1024xf32, #tpu.memory_space<vmem>>, vector<1x16xf32>,
        %mul3A_295 = arith.constant 128 : i32
        %mul3A_296 = arith.muli %scan3A_174, %mul3A_295 : i32
        %add3A_297 = arith.constant 96 : i32
        %add3A_298 = arith.addi %mul3A_296, %add3A_297 : i32
        %get3A_299 = arith.index_cast %scan3A_152 : i32 to index
        %get3A_300 = arith.index_cast %add3A_298 : i32 to index
        %get3A_301 = tpu.vector_load %arg6[%get3A_299, %get3A_300] {strides = array<i32>} : memref<16x1024xf32, #tpu.memory_space<vmem>>, vector<1x16xf32>,
        %get3A_302 = vector.shape_cast %get3A_301 : vector<1x16xf32> to vector<16xf32>
        %mul3A_303 = arith.mulf %broadcast_in_dim3A, %get3A_302 : vector<16xf32>
        %get3A_304 = arith.index_cast %scan3A_152 : i32 to index
        %get3A_305 = arith.index_cast %add3A_298 : i32 to index
        %get3A_306 = tpu.vector_load %arg7[%get3A_304, %get3A_305] {strides = array<i32>} : memref<16x1024xf32, #tpu.memory_space<vmem>>, vector<1x16xf32>,
        %get3A_307 = vector.shape_cast %get3A_306 : vector<1x16xf32> to vector<16xf32>
        %mul3A_308 = arith.mulf %broadcast_in_dim3A_165, %get3A_307 : vector<16xf32>
        %add3A_309 = arith.addf %mul3A_303, %mul3A_308 : vector<16xf32>
        %swap3A_310 = arith.index_cast %scan3A_152 : i32 to index
        %swap3A_311 = arith.index_cast %add3A_298 : i32 to index
        %swap3A_312 = tpu.vector_load %arg6[%swap3A_310, %swap3A_311] {strides = array<i32>} : memref<16x1024xf32, #tpu.memory_space<vmem>>, vector<1x16xf32>,
        %swap3A_313 = vector.shape_cast %swap3A_312 : vector<1x16xf32> to vector<16xf32>
        %swap3A_314 = vector.shape_cast %add3A_309 : vector<16xf32> to vector<1x16xf32>
        tpu.vector_store %arg6[%swap3A_310, %swap3A_311], %swap3A_314 {strides = array<i32>} : memref<16x1024xf32, #tpu.memory_space<vmem>>, vector<1x16xf32>,
        %mul3A_315 = arith.constant 128 : i32
        %mul3A_316 = arith.muli %scan3A_174, %mul3A_315 : i32
        %add3A_317 = arith.constant 112 : i32
        %add3A_318 = arith.addi %mul3A_316, %add3A_317 : i32
        %get3A_319 = arith.index_cast %scan3A_152 : i32 to index
        %get3A_320 = arith.index_cast %add3A_318 : i32 to index
        %get3A_321 = tpu.vector_load %arg6[%get3A_319, %get3A_320] {strides = array<i32>} : memref<16x1024xf32, #tpu.memory_space<vmem>>, vector<1x16xf32>,
        %get3A_322 = vector.shape_cast %get3A_321 : vector<1x16xf32> to vector<16xf32>
        %mul3A_323 = arith.mulf %broadcast_in_dim3A, %get3A_322 : vector<16xf32>
        %get3A_324 = arith.index_cast %scan3A_152 : i32 to index
        %get3A_325 = arith.index_cast %add3A_318 : i32 to index
        %get3A_326 = tpu.vector_load %arg7[%get3A_324, %get3A_325] {strides = array<i32>} : memref<16x1024xf32, #tpu.memory_space<vmem>>, vector<1x16xf32>,
        %get3A_327 = vector.shape_cast %get3A_326 : vector<1x16xf32> to vector<16xf32>
        %mul3A_328 = arith.mulf %broadcast_in_dim3A_165, %get3A_327 : vector<16xf32>
        %add3A_329 = arith.addf %mul3A_323, %mul3A_328 : vector<16xf32>
        %swap3A_330 = arith.index_cast %scan3A_152 : i32 to index
        %swap3A_331 = arith.index_cast %add3A_318 : i32 to index
        %swap3A_332 = tpu.vector_load %arg6[%swap3A_330, %swap3A_331] {strides = array<i32>} : memref<16x1024xf32, #tpu.memory_space<vmem>>, vector<1x16xf32>,
        %swap3A_333 = vector.shape_cast %swap3A_332 : vector<1x16xf32> to vector<16xf32>
        %swap3A_334 = vector.shape_cast %add3A_329 : vector<16xf32> to vector<1x16xf32>
        tpu.vector_store %arg6[%swap3A_330, %swap3A_331], %swap3A_334 {strides = array<i32>} : memref<16x1024xf32, #tpu.memory_space<vmem>>, vector<1x16xf32>,
        %scan3A_335 = arith.constant 0 : i32
        scf.yield %scan3A_335 : i32
      }
      %scan3A_172 = arith.constant 8 : i32
      %scan3A_173 = arith.constant 0 : i32
      scf.yield %scan3A_173 : i32
    }
    %scan3A_40 = arith.constant 16 : i32
    %add3A_41 = arith.constant 0 : i32
    %add3A_42 = arith.addi %mul3A_2, %add3A_41 : i32
    %dma_start3A_43 = arith.constant 0 : i32
    %dma_start3A_44 = tpu.memref_slice %arg5[%add3A_42, %dma_start3A_43] : memref<2048x1024xf32, #tpu.memory_space<hbm>> -> memref<16x1024xf32, #tpu.memory_space<hbm>>
    %dma_start3A_45 = arith.constant 0 : i32
    %dma_start3A_46 = tpu.memref_slice %arg5[%add3A_42, %dma_start3A_45] : memref<2048x1024xf32, #tpu.memory_space<hbm>> -> memref<16x1024xf32, #tpu.memory_space<hbm>>
    tpu.enqueue_dma source(%arg6 : memref<16x1024xf32, #tpu.memory_space<vmem>>) target(%dma_start3A_46 : memref<16x1024xf32, #tpu.memory_space<hbm>>) target_semaphore(%arg18 : memref<!tpu.dma_semaphore, #tpu.memory_space<semaphore_mem>>)
    %dma_wait3A_47 = arith.constant 0 : i32
    %dma_wait3A_48 = tpu.memref_slice %arg5[%add3A_42, %dma_wait3A_47] : memref<2048x1024xf32, #tpu.memory_space<hbm>> -> memref<16x1024xf32, #tpu.memory_space<hbm>>
    %dma_wait3A_49 = arith.constant 0 : i32
    %dma_wait3A_50 = tpu.memref_slice %arg5[%add3A_42, %dma_wait3A_49] : memref<2048x1024xf32, #tpu.memory_space<hbm>> -> memref<16x1024xf32, #tpu.memory_space<hbm>>
    tpu.wait_dma2 semaphore(%arg18 : memref<!tpu.dma_semaphore, #tpu.memory_space<semaphore_mem>>) src(%arg6 : memref<16x1024xf32, #tpu.memory_space<vmem>>) dst(%dma_wait3A_50 : memref<16x1024xf32, #tpu.memory_space<hbm>>)
    %dma_start3A_51 = arith.constant 32 : i32
    %dma_start3A_52 = tpu.memref_slice %arg10[%dma_start3A_51] : memref<64xi32, #tpu.memory_space<vmem>> -> memref<16xi32, #tpu.memory_space<vmem>>
    %dma_start3A_53 = arith.constant 0 : i32
    %dma_start3A_54 = arith.constant 0 : i32
    %dma_start3A_55 = tpu.memref_slice %arg2[%dma_start3A_53, %dma_start3A_54] : memref<8192x1024xf32, #tpu.memory_space<hbm>> -> memref<8192x1024xf32, #tpu.memory_space<hbm>>
    tpu.enqueue_indirect_dma source(%dma_start3A_55 : memref<8192x1024xf32, #tpu.memory_space<hbm>>) target(%arg6 : memref<16x1024xf32, #tpu.memory_space<vmem>>) offsets(%dma_start3A_52 : memref<16xi32, #tpu.memory_space<vmem>>) semaphore(%arg14 : memref<!tpu.dma_semaphore, #tpu.memory_space<semaphore_mem>>)
    %dma_start3A_56 = arith.constant 32 : i32
    %dma_start3A_57 = tpu.memref_slice %arg11[%dma_start3A_56] : memref<64xi32, #tpu.memory_space<vmem>> -> memref<16xi32, #tpu.memory_space<vmem>>
    %dma_start3A_58 = arith.constant 0 : i32
    %dma_start3A_59 = arith.constant 0 : i32
    %dma_start3A_60 = tpu.memref_slice %arg2[%dma_start3A_58, %dma_start3A_59] : memref<8192x1024xf32, #tpu.memory_space<hbm>> -> memref<8192x1024xf32, #tpu.memory_space<hbm>>
    tpu.enqueue_indirect_dma source(%dma_start3A_60 : memref<8192x1024xf32, #tpu.memory_space<hbm>>) target(%arg7 : memref<16x1024xf32, #tpu.memory_space<vmem>>) offsets(%dma_start3A_57 : memref<16xi32, #tpu.memory_space<vmem>>) semaphore(%arg15 : memref<!tpu.dma_semaphore, #tpu.memory_space<semaphore_mem>>)
    %dma_wait3A_61 = arith.constant 16 : i32
    %dma_wait3A_62 = tpu.memref_slice %arg10[%dma_wait3A_61] : memref<64xi32, #tpu.memory_space<vmem>> -> memref<16xi32, #tpu.memory_space<vmem>>
    %dma_wait3A_63 = arith.constant 0 : i32
    %dma_wait3A_64 = arith.constant 0 : i32
    %dma_wait3A_65 = tpu.memref_slice %arg2[%dma_wait3A_63, %dma_wait3A_64] : memref<8192x1024xf32, #tpu.memory_space<hbm>> -> memref<8192x1024xf32, #tpu.memory_space<hbm>>
    tpu.wait_indirect_dma semaphore(%arg16 : memref<!tpu.dma_semaphore, #tpu.memory_space<semaphore_mem>>) src(%dma_wait3A_65 : memref<8192x1024xf32, #tpu.memory_space<hbm>>) dst(%arg8 : memref<16x1024xf32, #tpu.memory_space<vmem>>)
    %dma_wait3A_66 = arith.constant 16 : i32
    %dma_wait3A_67 = tpu.memref_slice %arg11[%dma_wait3A_66] : memref<64xi32, #tpu.memory_space<vmem>> -> memref<16xi32, #tpu.memory_space<vmem>>
    %dma_wait3A_68 = arith.constant 0 : i32
    %dma_wait3A_69 = arith.constant 0 : i32
    %dma_wait3A_70 = tpu.memref_slice %arg2[%dma_wait3A_68, %dma_wait3A_69] : memref<8192x1024xf32, #tpu.memory_space<hbm>> -> memref<8192x1024xf32, #tpu.memory_space<hbm>>
    tpu.wait_indirect_dma semaphore(%arg17 : memref<!tpu.dma_semaphore, #tpu.memory_space<semaphore_mem>>) src(%dma_wait3A_70 : memref<8192x1024xf32, #tpu.memory_space<hbm>>) dst(%arg9 : memref<16x1024xf32, #tpu.memory_space<vmem>>)
    %scan3A_71 = arith.constant 0 : i32
    %scan3A_72 = arith.constant 0 : i32
    %scan3A_73 = arith.constant 16 : i32
    %scan3A_74 = arith.addi %scan3A_72, %scan3A_73 : i32
    %scan3A_75 = arith.constant 1 : i32
    %scan3A_76 = scf.for %scan3A_152 = %scan3A_72 to %scan3A_74 step %scan3A_75 iter_args(%scan3A_153 = %scan3A_71) -> (i32)  : i32 {
      %add3A_154 = arith.constant 16 : i32
      %add3A_155 = arith.addi %add3A_154, %scan3A_152 : i32
      %get3A = arith.index_cast %add3A_155 : i32 to index
      %get3A_156 = tpu.vector_load %arg12[%get3A] {strides = array<i32>} : memref<80xf32, #tpu.memory_space<vmem>>, vector<16xf32>,
      %get3A_157 = vector.shape_cast %get3A_156 : vector<16xf32> to vector<16xf32>
      %slice3A = vector.extract_strided_slice %get3A_157 {offsets = [0], sizes = [1], strides = [1]} : vector<16xf32> to vector<1xf32>
      %squeeze3A = vector.extract %slice3A[0] : f32 from vector<1xf32>
      %broadcast_in_dim3A = vector.broadcast %squeeze3A : f32 to vector<16xf32>
      %add3A_158 = arith.constant 16 : i32
      %add3A_159 = arith.addi %add3A_158, %scan3A_152 : i32
      %get3A_160 = arith.index_cast %add3A_159 : i32 to index
      %get3A_161 = tpu.vector_load %arg13[%get3A_160] {strides = array<i32>} : memref<80xf32, #tpu.memory_space<vmem>>, vector<16xf32>,
      %get3A_162 = vector.shape_cast %get3A_161 : vector<16xf32> to vector<16xf32>
      %slice3A_163 = vector.extract_strided_slice %get3A_162 {offsets = [0], sizes = [1], strides = [1]} : vector<16xf32> to vector<1xf32>
      %squeeze3A_164 = vector.extract %slice3A_163[0] : f32 from vector<1xf32>
      %broadcast_in_dim3A_165 = vector.broadcast %squeeze3A_164 : f32 to vector<16xf32>
      %scan3A_166 = arith.constant 0 : i32
      %scan3A_167 = arith.constant 0 : i32
      %scan3A_168 = arith.constant 8 : i32
      %scan3A_169 = arith.addi %scan3A_167, %scan3A_168 : i32
      %scan3A_170 = arith.constant 1 : i32
      %scan3A_171 = scf.for %scan3A_174 = %scan3A_167 to %scan3A_169 step %scan3A_170 iter_args(%scan3A_175 = %scan3A_166) -> (i32)  : i32 {
        %mul3A_176 = arith.constant 128 : i32
        %mul3A_177 = arith.muli %scan3A_174, %mul3A_176 : i32
        %add3A_178 = arith.constant 0 : i32
        %add3A_179 = arith.addi %mul3A_177, %add3A_178 : i32
        %get3A_180 = arith.index_cast %scan3A_152 : i32 to index
        %get3A_181 = arith.index_cast %add3A_179 : i32 to index
        %get3A_182 = tpu.vector_load %arg8[%get3A_180, %get3A_181] {strides = array<i32>} : memref<16x1024xf32, #tpu.memory_space<vmem>>, vector<1x16xf32>,
        %get3A_183 = vector.shape_cast %get3A_182 : vector<1x16xf32> to vector<16xf32>
        %mul3A_184 = arith.mulf %broadcast_in_dim3A, %get3A_183 : vector<16xf32>
        %get3A_185 = arith.index_cast %scan3A_152 : i32 to index
        %get3A_186 = arith.index_cast %add3A_179 : i32 to index
        %get3A_187 = tpu.vector_load %arg9[%get3A_185, %get3A_186] {strides = array<i32>} : memref<16x1024xf32, #tpu.memory_space<vmem>>, vector<1x16xf32>,
        %get3A_188 = vector.shape_cast %get3A_187 : vector<1x16xf32> to vector<16xf32>
        %mul3A_189 = arith.mulf %broadcast_in_dim3A_165, %get3A_188 : vector<16xf32>
        %add3A_190 = arith.addf %mul3A_184, %mul3A_189 : vector<16xf32>
        %swap3A = arith.index_cast %scan3A_152 : i32 to index
        %swap3A_191 = arith.index_cast %add3A_179 : i32 to index
        %swap3A_192 = tpu.vector_load %arg8[%swap3A, %swap3A_191] {strides = array<i32>} : memref<16x1024xf32, #tpu.memory_space<vmem>>, vector<1x16xf32>,
        %swap3A_193 = vector.shape_cast %swap3A_192 : vector<1x16xf32> to vector<16xf32>
        %swap3A_194 = vector.shape_cast %add3A_190 : vector<16xf32> to vector<1x16xf32>
        tpu.vector_store %arg8[%swap3A, %swap3A_191], %swap3A_194 {strides = array<i32>} : memref<16x1024xf32, #tpu.memory_space<vmem>>, vector<1x16xf32>,
        %mul3A_195 = arith.constant 128 : i32
        %mul3A_196 = arith.muli %scan3A_174, %mul3A_195 : i32
        %add3A_197 = arith.constant 16 : i32
        %add3A_198 = arith.addi %mul3A_196, %add3A_197 : i32
        %get3A_199 = arith.index_cast %scan3A_152 : i32 to index
        %get3A_200 = arith.index_cast %add3A_198 : i32 to index
        %get3A_201 = tpu.vector_load %arg8[%get3A_199, %get3A_200] {strides = array<i32>} : memref<16x1024xf32, #tpu.memory_space<vmem>>, vector<1x16xf32>,
        %get3A_202 = vector.shape_cast %get3A_201 : vector<1x16xf32> to vector<16xf32>
        %mul3A_203 = arith.mulf %broadcast_in_dim3A, %get3A_202 : vector<16xf32>
        %get3A_204 = arith.index_cast %scan3A_152 : i32 to index
        %get3A_205 = arith.index_cast %add3A_198 : i32 to index
        %get3A_206 = tpu.vector_load %arg9[%get3A_204, %get3A_205] {strides = array<i32>} : memref<16x1024xf32, #tpu.memory_space<vmem>>, vector<1x16xf32>,
        %get3A_207 = vector.shape_cast %get3A_206 : vector<1x16xf32> to vector<16xf32>
        %mul3A_208 = arith.mulf %broadcast_in_dim3A_165, %get3A_207 : vector<16xf32>
        %add3A_209 = arith.addf %mul3A_203, %mul3A_208 : vector<16xf32>
        %swap3A_210 = arith.index_cast %scan3A_152 : i32 to index
        %swap3A_211 = arith.index_cast %add3A_198 : i32 to index
        %swap3A_212 = tpu.vector_load %arg8[%swap3A_210, %swap3A_211] {strides = array<i32>} : memref<16x1024xf32, #tpu.memory_space<vmem>>, vector<1x16xf32>,
        %swap3A_213 = vector.shape_cast %swap3A_212 : vector<1x16xf32> to vector<16xf32>
        %swap3A_214 = vector.shape_cast %add3A_209 : vector<16xf32> to vector<1x16xf32>
        tpu.vector_store %arg8[%swap3A_210, %swap3A_211], %swap3A_214 {strides = array<i32>} : memref<16x1024xf32, #tpu.memory_space<vmem>>, vector<1x16xf32>,
        %mul3A_215 = arith.constant 128 : i32
        %mul3A_216 = arith.muli %scan3A_174, %mul3A_215 : i32
        %add3A_217 = arith.constant 32 : i32
        %add3A_218 = arith.addi %mul3A_216, %add3A_217 : i32
        %get3A_219 = arith.index_cast %scan3A_152 : i32 to index
        %get3A_220 = arith.index_cast %add3A_218 : i32 to index
        %get3A_221 = tpu.vector_load %arg8[%get3A_219, %get3A_220] {strides = array<i32>} : memref<16x1024xf32, #tpu.memory_space<vmem>>, vector<1x16xf32>,
        %get3A_222 = vector.shape_cast %get3A_221 : vector<1x16xf32> to vector<16xf32>
        %mul3A_223 = arith.mulf %broadcast_in_dim3A, %get3A_222 : vector<16xf32>
        %get3A_224 = arith.index_cast %scan3A_152 : i32 to index
        %get3A_225 = arith.index_cast %add3A_218 : i32 to index
        %get3A_226 = tpu.vector_load %arg9[%get3A_224, %get3A_225] {strides = array<i32>} : memref<16x1024xf32, #tpu.memory_space<vmem>>, vector<1x16xf32>,
        %get3A_227 = vector.shape_cast %get3A_226 : vector<1x16xf32> to vector<16xf32>
        %mul3A_228 = arith.mulf %broadcast_in_dim3A_165, %get3A_227 : vector<16xf32>
        %add3A_229 = arith.addf %mul3A_223, %mul3A_228 : vector<16xf32>
        %swap3A_230 = arith.index_cast %scan3A_152 : i32 to index
        %swap3A_231 = arith.index_cast %add3A_218 : i32 to index
        %swap3A_232 = tpu.vector_load %arg8[%swap3A_230, %swap3A_231] {strides = array<i32>} : memref<16x1024xf32, #tpu.memory_space<vmem>>, vector<1x16xf32>,
        %swap3A_233 = vector.shape_cast %swap3A_232 : vector<1x16xf32> to vector<16xf32>
        %swap3A_234 = vector.shape_cast %add3A_229 : vector<16xf32> to vector<1x16xf32>
        tpu.vector_store %arg8[%swap3A_230, %swap3A_231], %swap3A_234 {strides = array<i32>} : memref<16x1024xf32, #tpu.memory_space<vmem>>, vector<1x16xf32>,
        %mul3A_235 = arith.constant 128 : i32
        %mul3A_236 = arith.muli %scan3A_174, %mul3A_235 : i32
        %add3A_237 = arith.constant 48 : i32
        %add3A_238 = arith.addi %mul3A_236, %add3A_237 : i32
        %get3A_239 = arith.index_cast %scan3A_152 : i32 to index
        %get3A_240 = arith.index_cast %add3A_238 : i32 to index
        %get3A_241 = tpu.vector_load %arg8[%get3A_239, %get3A_240] {strides = array<i32>} : memref<16x1024xf32, #tpu.memory_space<vmem>>, vector<1x16xf32>,
        %get3A_242 = vector.shape_cast %get3A_241 : vector<1x16xf32> to vector<16xf32>
        %mul3A_243 = arith.mulf %broadcast_in_dim3A, %get3A_242 : vector<16xf32>
        %get3A_244 = arith.index_cast %scan3A_152 : i32 to index
        %get3A_245 = arith.index_cast %add3A_238 : i32 to index
        %get3A_246 = tpu.vector_load %arg9[%get3A_244, %get3A_245] {strides = array<i32>} : memref<16x1024xf32, #tpu.memory_space<vmem>>, vector<1x16xf32>,
        %get3A_247 = vector.shape_cast %get3A_246 : vector<1x16xf32> to vector<16xf32>
        %mul3A_248 = arith.mulf %broadcast_in_dim3A_165, %get3A_247 : vector<16xf32>
        %add3A_249 = arith.addf %mul3A_243, %mul3A_248 : vector<16xf32>
        %swap3A_250 = arith.index_cast %scan3A_152 : i32 to index
        %swap3A_251 = arith.index_cast %add3A_238 : i32 to index
        %swap3A_252 = tpu.vector_load %arg8[%swap3A_250, %swap3A_251] {strides = array<i32>} : memref<16x1024xf32, #tpu.memory_space<vmem>>, vector<1x16xf32>,
        %swap3A_253 = vector.shape_cast %swap3A_252 : vector<1x16xf32> to vector<16xf32>
        %swap3A_254 = vector.shape_cast %add3A_249 : vector<16xf32> to vector<1x16xf32>
        tpu.vector_store %arg8[%swap3A_250, %swap3A_251], %swap3A_254 {strides = array<i32>} : memref<16x1024xf32, #tpu.memory_space<vmem>>, vector<1x16xf32>,
        %mul3A_255 = arith.constant 128 : i32
        %mul3A_256 = arith.muli %scan3A_174, %mul3A_255 : i32
        %add3A_257 = arith.constant 64 : i32
        %add3A_258 = arith.addi %mul3A_256, %add3A_257 : i32
        %get3A_259 = arith.index_cast %scan3A_152 : i32 to index
        %get3A_260 = arith.index_cast %add3A_258 : i32 to index
        %get3A_261 = tpu.vector_load %arg8[%get3A_259, %get3A_260] {strides = array<i32>} : memref<16x1024xf32, #tpu.memory_space<vmem>>, vector<1x16xf32>,
        %get3A_262 = vector.shape_cast %get3A_261 : vector<1x16xf32> to vector<16xf32>
        %mul3A_263 = arith.mulf %broadcast_in_dim3A, %get3A_262 : vector<16xf32>
        %get3A_264 = arith.index_cast %scan3A_152 : i32 to index
        %get3A_265 = arith.index_cast %add3A_258 : i32 to index
        %get3A_266 = tpu.vector_load %arg9[%get3A_264, %get3A_265] {strides = array<i32>} : memref<16x1024xf32, #tpu.memory_space<vmem>>, vector<1x16xf32>,
        %get3A_267 = vector.shape_cast %get3A_266 : vector<1x16xf32> to vector<16xf32>
        %mul3A_268 = arith.mulf %broadcast_in_dim3A_165, %get3A_267 : vector<16xf32>
        %add3A_269 = arith.addf %mul3A_263, %mul3A_268 : vector<16xf32>
        %swap3A_270 = arith.index_cast %scan3A_152 : i32 to index
        %swap3A_271 = arith.index_cast %add3A_258 : i32 to index
        %swap3A_272 = tpu.vector_load %arg8[%swap3A_270, %swap3A_271] {strides = array<i32>} : memref<16x1024xf32, #tpu.memory_space<vmem>>, vector<1x16xf32>,
        %swap3A_273 = vector.shape_cast %swap3A_272 : vector<1x16xf32> to vector<16xf32>
        %swap3A_274 = vector.shape_cast %add3A_269 : vector<16xf32> to vector<1x16xf32>
        tpu.vector_store %arg8[%swap3A_270, %swap3A_271], %swap3A_274 {strides = array<i32>} : memref<16x1024xf32, #tpu.memory_space<vmem>>, vector<1x16xf32>,
        %mul3A_275 = arith.constant 128 : i32
        %mul3A_276 = arith.muli %scan3A_174, %mul3A_275 : i32
        %add3A_277 = arith.constant 80 : i32
        %add3A_278 = arith.addi %mul3A_276, %add3A_277 : i32
        %get3A_279 = arith.index_cast %scan3A_152 : i32 to index
        %get3A_280 = arith.index_cast %add3A_278 : i32 to index
        %get3A_281 = tpu.vector_load %arg8[%get3A_279, %get3A_280] {strides = array<i32>} : memref<16x1024xf32, #tpu.memory_space<vmem>>, vector<1x16xf32>,
        %get3A_282 = vector.shape_cast %get3A_281 : vector<1x16xf32> to vector<16xf32>
        %mul3A_283 = arith.mulf %broadcast_in_dim3A, %get3A_282 : vector<16xf32>
        %get3A_284 = arith.index_cast %scan3A_152 : i32 to index
        %get3A_285 = arith.index_cast %add3A_278 : i32 to index
        %get3A_286 = tpu.vector_load %arg9[%get3A_284, %get3A_285] {strides = array<i32>} : memref<16x1024xf32, #tpu.memory_space<vmem>>, vector<1x16xf32>,
        %get3A_287 = vector.shape_cast %get3A_286 : vector<1x16xf32> to vector<16xf32>
        %mul3A_288 = arith.mulf %broadcast_in_dim3A_165, %get3A_287 : vector<16xf32>
        %add3A_289 = arith.addf %mul3A_283, %mul3A_288 : vector<16xf32>
        %swap3A_290 = arith.index_cast %scan3A_152 : i32 to index
        %swap3A_291 = arith.index_cast %add3A_278 : i32 to index
        %swap3A_292 = tpu.vector_load %arg8[%swap3A_290, %swap3A_291] {strides = array<i32>} : memref<16x1024xf32, #tpu.memory_space<vmem>>, vector<1x16xf32>,
        %swap3A_293 = vector.shape_cast %swap3A_292 : vector<1x16xf32> to vector<16xf32>
        %swap3A_294 = vector.shape_cast %add3A_289 : vector<16xf32> to vector<1x16xf32>
        tpu.vector_store %arg8[%swap3A_290, %swap3A_291], %swap3A_294 {strides = array<i32>} : memref<16x1024xf32, #tpu.memory_space<vmem>>, vector<1x16xf32>,
        %mul3A_295 = arith.constant 128 : i32
        %mul3A_296 = arith.muli %scan3A_174, %mul3A_295 : i32
        %add3A_297 = arith.constant 96 : i32
        %add3A_298 = arith.addi %mul3A_296, %add3A_297 : i32
        %get3A_299 = arith.index_cast %scan3A_152 : i32 to index
        %get3A_300 = arith.index_cast %add3A_298 : i32 to index
        %get3A_301 = tpu.vector_load %arg8[%get3A_299, %get3A_300] {strides = array<i32>} : memref<16x1024xf32, #tpu.memory_space<vmem>>, vector<1x16xf32>,
        %get3A_302 = vector.shape_cast %get3A_301 : vector<1x16xf32> to vector<16xf32>
        %mul3A_303 = arith.mulf %broadcast_in_dim3A, %get3A_302 : vector<16xf32>
        %get3A_304 = arith.index_cast %scan3A_152 : i32 to index
        %get3A_305 = arith.index_cast %add3A_298 : i32 to index
        %get3A_306 = tpu.vector_load %arg9[%get3A_304, %get3A_305] {strides = array<i32>} : memref<16x1024xf32, #tpu.memory_space<vmem>>, vector<1x16xf32>,
        %get3A_307 = vector.shape_cast %get3A_306 : vector<1x16xf32> to vector<16xf32>
        %mul3A_308 = arith.mulf %broadcast_in_dim3A_165, %get3A_307 : vector<16xf32>
        %add3A_309 = arith.addf %mul3A_303, %mul3A_308 : vector<16xf32>
        %swap3A_310 = arith.index_cast %scan3A_152 : i32 to index
        %swap3A_311 = arith.index_cast %add3A_298 : i32 to index
        %swap3A_312 = tpu.vector_load %arg8[%swap3A_310, %swap3A_311] {strides = array<i32>} : memref<16x1024xf32, #tpu.memory_space<vmem>>, vector<1x16xf32>,
        %swap3A_313 = vector.shape_cast %swap3A_312 : vector<1x16xf32> to vector<16xf32>
        %swap3A_314 = vector.shape_cast %add3A_309 : vector<16xf32> to vector<1x16xf32>
        tpu.vector_store %arg8[%swap3A_310, %swap3A_311], %swap3A_314 {strides = array<i32>} : memref<16x1024xf32, #tpu.memory_space<vmem>>, vector<1x16xf32>,
        %mul3A_315 = arith.constant 128 : i32
        %mul3A_316 = arith.muli %scan3A_174, %mul3A_315 : i32
        %add3A_317 = arith.constant 112 : i32
        %add3A_318 = arith.addi %mul3A_316, %add3A_317 : i32
        %get3A_319 = arith.index_cast %scan3A_152 : i32 to index
        %get3A_320 = arith.index_cast %add3A_318 : i32 to index
        %get3A_321 = tpu.vector_load %arg8[%get3A_319, %get3A_320] {strides = array<i32>} : memref<16x1024xf32, #tpu.memory_space<vmem>>, vector<1x16xf32>,
        %get3A_322 = vector.shape_cast %get3A_321 : vector<1x16xf32> to vector<16xf32>
        %mul3A_323 = arith.mulf %broadcast_in_dim3A, %get3A_322 : vector<16xf32>
        %get3A_324 = arith.index_cast %scan3A_152 : i32 to index
        %get3A_325 = arith.index_cast %add3A_318 : i32 to index
        %get3A_326 = tpu.vector_load %arg9[%get3A_324, %get3A_325] {strides = array<i32>} : memref<16x1024xf32, #tpu.memory_space<vmem>>, vector<1x16xf32>,
        %get3A_327 = vector.shape_cast %get3A_326 : vector<1x16xf32> to vector<16xf32>
        %mul3A_328 = arith.mulf %broadcast_in_dim3A_165, %get3A_327 : vector<16xf32>
        %add3A_329 = arith.addf %mul3A_323, %mul3A_328 : vector<16xf32>
        %swap3A_330 = arith.index_cast %scan3A_152 : i32 to index
        %swap3A_331 = arith.index_cast %add3A_318 : i32 to index
        %swap3A_332 = tpu.vector_load %arg8[%swap3A_330, %swap3A_331] {strides = array<i32>} : memref<16x1024xf32, #tpu.memory_space<vmem>>, vector<1x16xf32>,
        %swap3A_333 = vector.shape_cast %swap3A_332 : vector<1x16xf32> to vector<16xf32>
        %swap3A_334 = vector.shape_cast %add3A_329 : vector<16xf32> to vector<1x16xf32>
        tpu.vector_store %arg8[%swap3A_330, %swap3A_331], %swap3A_334 {strides = array<i32>} : memref<16x1024xf32, #tpu.memory_space<vmem>>, vector<1x16xf32>,
        %scan3A_335 = arith.constant 0 : i32
        scf.yield %scan3A_335 : i32
      }
      %scan3A_172 = arith.constant 8 : i32
      %scan3A_173 = arith.constant 0 : i32
      scf.yield %scan3A_173 : i32
    }
    %scan3A_77 = arith.constant 16 : i32
    %add3A_78 = arith.constant 16 : i32
    %add3A_79 = arith.addi %mul3A_2, %add3A_78 : i32
    %dma_start3A_80 = arith.constant 0 : i32
    %dma_start3A_81 = tpu.memref_slice %arg5[%add3A_79, %dma_start3A_80] : memref<2048x1024xf32, #tpu.memory_space<hbm>> -> memref<16x1024xf32, #tpu.memory_space<hbm>>
    %dma_start3A_82 = arith.constant 0 : i32
    %dma_start3A_83 = tpu.memref_slice %arg5[%add3A_79, %dma_start3A_82] : memref<2048x1024xf32, #tpu.memory_space<hbm>> -> memref<16x1024xf32, #tpu.memory_space<hbm>>
    tpu.enqueue_dma source(%arg8 : memref<16x1024xf32, #tpu.memory_space<vmem>>) target(%dma_start3A_83 : memref<16x1024xf32, #tpu.memory_space<hbm>>) target_semaphore(%arg19 : memref<!tpu.dma_semaphore, #tpu.memory_space<semaphore_mem>>)
    %dma_wait3A_84 = arith.constant 0 : i32
    %dma_wait3A_85 = tpu.memref_slice %arg5[%add3A_79, %dma_wait3A_84] : memref<2048x1024xf32, #tpu.memory_space<hbm>> -> memref<16x1024xf32, #tpu.memory_space<hbm>>
    %dma_wait3A_86 = arith.constant 0 : i32
    %dma_wait3A_87 = tpu.memref_slice %arg5[%add3A_79, %dma_wait3A_86] : memref<2048x1024xf32, #tpu.memory_space<hbm>> -> memref<16x1024xf32, #tpu.memory_space<hbm>>
    tpu.wait_dma2 semaphore(%arg19 : memref<!tpu.dma_semaphore, #tpu.memory_space<semaphore_mem>>) src(%arg8 : memref<16x1024xf32, #tpu.memory_space<vmem>>) dst(%dma_wait3A_87 : memref<16x1024xf32, #tpu.memory_space<hbm>>)
    %dma_start3A_88 = arith.constant 48 : i32
    %dma_start3A_89 = tpu.memref_slice %arg10[%dma_start3A_88] : memref<64xi32, #tpu.memory_space<vmem>> -> memref<16xi32, #tpu.memory_space<vmem>>
    %dma_start3A_90 = arith.constant 0 : i32
    %dma_start3A_91 = arith.constant 0 : i32
    %dma_start3A_92 = tpu.memref_slice %arg2[%dma_start3A_90, %dma_start3A_91] : memref<8192x1024xf32, #tpu.memory_space<hbm>> -> memref<8192x1024xf32, #tpu.memory_space<hbm>>
    tpu.enqueue_indirect_dma source(%dma_start3A_92 : memref<8192x1024xf32, #tpu.memory_space<hbm>>) target(%arg8 : memref<16x1024xf32, #tpu.memory_space<vmem>>) offsets(%dma_start3A_89 : memref<16xi32, #tpu.memory_space<vmem>>) semaphore(%arg16 : memref<!tpu.dma_semaphore, #tpu.memory_space<semaphore_mem>>)
    %dma_start3A_93 = arith.constant 48 : i32
    %dma_start3A_94 = tpu.memref_slice %arg11[%dma_start3A_93] : memref<64xi32, #tpu.memory_space<vmem>> -> memref<16xi32, #tpu.memory_space<vmem>>
    %dma_start3A_95 = arith.constant 0 : i32
    %dma_start3A_96 = arith.constant 0 : i32
    %dma_start3A_97 = tpu.memref_slice %arg2[%dma_start3A_95, %dma_start3A_96] : memref<8192x1024xf32, #tpu.memory_space<hbm>> -> memref<8192x1024xf32, #tpu.memory_space<hbm>>
    tpu.enqueue_indirect_dma source(%dma_start3A_97 : memref<8192x1024xf32, #tpu.memory_space<hbm>>) target(%arg9 : memref<16x1024xf32, #tpu.memory_space<vmem>>) offsets(%dma_start3A_94 : memref<16xi32, #tpu.memory_space<vmem>>) semaphore(%arg17 : memref<!tpu.dma_semaphore, #tpu.memory_space<semaphore_mem>>)
    %dma_wait3A_98 = arith.constant 32 : i32
    %dma_wait3A_99 = tpu.memref_slice %arg10[%dma_wait3A_98] : memref<64xi32, #tpu.memory_space<vmem>> -> memref<16xi32, #tpu.memory_space<vmem>>
    %dma_wait3A_100 = arith.constant 0 : i32
    %dma_wait3A_101 = arith.constant 0 : i32
    %dma_wait3A_102 = tpu.memref_slice %arg2[%dma_wait3A_100, %dma_wait3A_101] : memref<8192x1024xf32, #tpu.memory_space<hbm>> -> memref<8192x1024xf32, #tpu.memory_space<hbm>>
    tpu.wait_indirect_dma semaphore(%arg14 : memref<!tpu.dma_semaphore, #tpu.memory_space<semaphore_mem>>) src(%dma_wait3A_102 : memref<8192x1024xf32, #tpu.memory_space<hbm>>) dst(%arg6 : memref<16x1024xf32, #tpu.memory_space<vmem>>)
    %dma_wait3A_103 = arith.constant 32 : i32
    %dma_wait3A_104 = tpu.memref_slice %arg11[%dma_wait3A_103] : memref<64xi32, #tpu.memory_space<vmem>> -> memref<16xi32, #tpu.memory_space<vmem>>
    %dma_wait3A_105 = arith.constant 0 : i32
    %dma_wait3A_106 = arith.constant 0 : i32
    %dma_wait3A_107 = tpu.memref_slice %arg2[%dma_wait3A_105, %dma_wait3A_106] : memref<8192x1024xf32, #tpu.memory_space<hbm>> -> memref<8192x1024xf32, #tpu.memory_space<hbm>>
    tpu.wait_indirect_dma semaphore(%arg15 : memref<!tpu.dma_semaphore, #tpu.memory_space<semaphore_mem>>) src(%dma_wait3A_107 : memref<8192x1024xf32, #tpu.memory_space<hbm>>) dst(%arg7 : memref<16x1024xf32, #tpu.memory_space<vmem>>)
    %scan3A_108 = arith.constant 0 : i32
    %scan3A_109 = arith.constant 0 : i32
    %scan3A_110 = arith.constant 16 : i32
    %scan3A_111 = arith.addi %scan3A_109, %scan3A_110 : i32
    %scan3A_112 = arith.constant 1 : i32
    %scan3A_113 = scf.for %scan3A_152 = %scan3A_109 to %scan3A_111 step %scan3A_112 iter_args(%scan3A_153 = %scan3A_108) -> (i32)  : i32 {
      %add3A_154 = arith.constant 32 : i32
      %add3A_155 = arith.addi %add3A_154, %scan3A_152 : i32
      %get3A = arith.index_cast %add3A_155 : i32 to index
      %get3A_156 = tpu.vector_load %arg12[%get3A] {strides = array<i32>} : memref<80xf32, #tpu.memory_space<vmem>>, vector<16xf32>,
      %get3A_157 = vector.shape_cast %get3A_156 : vector<16xf32> to vector<16xf32>
      %slice3A = vector.extract_strided_slice %get3A_157 {offsets = [0], sizes = [1], strides = [1]} : vector<16xf32> to vector<1xf32>
      %squeeze3A = vector.extract %slice3A[0] : f32 from vector<1xf32>
      %broadcast_in_dim3A = vector.broadcast %squeeze3A : f32 to vector<16xf32>
      %add3A_158 = arith.constant 32 : i32
      %add3A_159 = arith.addi %add3A_158, %scan3A_152 : i32
      %get3A_160 = arith.index_cast %add3A_159 : i32 to index
      %get3A_161 = tpu.vector_load %arg13[%get3A_160] {strides = array<i32>} : memref<80xf32, #tpu.memory_space<vmem>>, vector<16xf32>,
      %get3A_162 = vector.shape_cast %get3A_161 : vector<16xf32> to vector<16xf32>
      %slice3A_163 = vector.extract_strided_slice %get3A_162 {offsets = [0], sizes = [1], strides = [1]} : vector<16xf32> to vector<1xf32>
      %squeeze3A_164 = vector.extract %slice3A_163[0] : f32 from vector<1xf32>
      %broadcast_in_dim3A_165 = vector.broadcast %squeeze3A_164 : f32 to vector<16xf32>
      %scan3A_166 = arith.constant 0 : i32
      %scan3A_167 = arith.constant 0 : i32
      %scan3A_168 = arith.constant 8 : i32
      %scan3A_169 = arith.addi %scan3A_167, %scan3A_168 : i32
      %scan3A_170 = arith.constant 1 : i32
      %scan3A_171 = scf.for %scan3A_174 = %scan3A_167 to %scan3A_169 step %scan3A_170 iter_args(%scan3A_175 = %scan3A_166) -> (i32)  : i32 {
        %mul3A_176 = arith.constant 128 : i32
        %mul3A_177 = arith.muli %scan3A_174, %mul3A_176 : i32
        %add3A_178 = arith.constant 0 : i32
        %add3A_179 = arith.addi %mul3A_177, %add3A_178 : i32
        %get3A_180 = arith.index_cast %scan3A_152 : i32 to index
        %get3A_181 = arith.index_cast %add3A_179 : i32 to index
        %get3A_182 = tpu.vector_load %arg6[%get3A_180, %get3A_181] {strides = array<i32>} : memref<16x1024xf32, #tpu.memory_space<vmem>>, vector<1x16xf32>,
        %get3A_183 = vector.shape_cast %get3A_182 : vector<1x16xf32> to vector<16xf32>
        %mul3A_184 = arith.mulf %broadcast_in_dim3A, %get3A_183 : vector<16xf32>
        %get3A_185 = arith.index_cast %scan3A_152 : i32 to index
        %get3A_186 = arith.index_cast %add3A_179 : i32 to index
        %get3A_187 = tpu.vector_load %arg7[%get3A_185, %get3A_186] {strides = array<i32>} : memref<16x1024xf32, #tpu.memory_space<vmem>>, vector<1x16xf32>,
        %get3A_188 = vector.shape_cast %get3A_187 : vector<1x16xf32> to vector<16xf32>
        %mul3A_189 = arith.mulf %broadcast_in_dim3A_165, %get3A_188 : vector<16xf32>
        %add3A_190 = arith.addf %mul3A_184, %mul3A_189 : vector<16xf32>
        %swap3A = arith.index_cast %scan3A_152 : i32 to index
        %swap3A_191 = arith.index_cast %add3A_179 : i32 to index
        %swap3A_192 = tpu.vector_load %arg6[%swap3A, %swap3A_191] {strides = array<i32>} : memref<16x1024xf32, #tpu.memory_space<vmem>>, vector<1x16xf32>,
        %swap3A_193 = vector.shape_cast %swap3A_192 : vector<1x16xf32> to vector<16xf32>
        %swap3A_194 = vector.shape_cast %add3A_190 : vector<16xf32> to vector<1x16xf32>
        tpu.vector_store %arg6[%swap3A, %swap3A_191], %swap3A_194 {strides = array<i32>} : memref<16x1024xf32, #tpu.memory_space<vmem>>, vector<1x16xf32>,
        %mul3A_195 = arith.constant 128 : i32
        %mul3A_196 = arith.muli %scan3A_174, %mul3A_195 : i32
        %add3A_197 = arith.constant 16 : i32
        %add3A_198 = arith.addi %mul3A_196, %add3A_197 : i32
        %get3A_199 = arith.index_cast %scan3A_152 : i32 to index
        %get3A_200 = arith.index_cast %add3A_198 : i32 to index
        %get3A_201 = tpu.vector_load %arg6[%get3A_199, %get3A_200] {strides = array<i32>} : memref<16x1024xf32, #tpu.memory_space<vmem>>, vector<1x16xf32>,
        %get3A_202 = vector.shape_cast %get3A_201 : vector<1x16xf32> to vector<16xf32>
        %mul3A_203 = arith.mulf %broadcast_in_dim3A, %get3A_202 : vector<16xf32>
        %get3A_204 = arith.index_cast %scan3A_152 : i32 to index
        %get3A_205 = arith.index_cast %add3A_198 : i32 to index
        %get3A_206 = tpu.vector_load %arg7[%get3A_204, %get3A_205] {strides = array<i32>} : memref<16x1024xf32, #tpu.memory_space<vmem>>, vector<1x16xf32>,
        %get3A_207 = vector.shape_cast %get3A_206 : vector<1x16xf32> to vector<16xf32>
        %mul3A_208 = arith.mulf %broadcast_in_dim3A_165, %get3A_207 : vector<16xf32>
        %add3A_209 = arith.addf %mul3A_203, %mul3A_208 : vector<16xf32>
        %swap3A_210 = arith.index_cast %scan3A_152 : i32 to index
        %swap3A_211 = arith.index_cast %add3A_198 : i32 to index
        %swap3A_212 = tpu.vector_load %arg6[%swap3A_210, %swap3A_211] {strides = array<i32>} : memref<16x1024xf32, #tpu.memory_space<vmem>>, vector<1x16xf32>,
        %swap3A_213 = vector.shape_cast %swap3A_212 : vector<1x16xf32> to vector<16xf32>
        %swap3A_214 = vector.shape_cast %add3A_209 : vector<16xf32> to vector<1x16xf32>
        tpu.vector_store %arg6[%swap3A_210, %swap3A_211], %swap3A_214 {strides = array<i32>} : memref<16x1024xf32, #tpu.memory_space<vmem>>, vector<1x16xf32>,
        %mul3A_215 = arith.constant 128 : i32
        %mul3A_216 = arith.muli %scan3A_174, %mul3A_215 : i32
        %add3A_217 = arith.constant 32 : i32
        %add3A_218 = arith.addi %mul3A_216, %add3A_217 : i32
        %get3A_219 = arith.index_cast %scan3A_152 : i32 to index
        %get3A_220 = arith.index_cast %add3A_218 : i32 to index
        %get3A_221 = tpu.vector_load %arg6[%get3A_219, %get3A_220] {strides = array<i32>} : memref<16x1024xf32, #tpu.memory_space<vmem>>, vector<1x16xf32>,
        %get3A_222 = vector.shape_cast %get3A_221 : vector<1x16xf32> to vector<16xf32>
        %mul3A_223 = arith.mulf %broadcast_in_dim3A, %get3A_222 : vector<16xf32>
        %get3A_224 = arith.index_cast %scan3A_152 : i32 to index
        %get3A_225 = arith.index_cast %add3A_218 : i32 to index
        %get3A_226 = tpu.vector_load %arg7[%get3A_224, %get3A_225] {strides = array<i32>} : memref<16x1024xf32, #tpu.memory_space<vmem>>, vector<1x16xf32>,
        %get3A_227 = vector.shape_cast %get3A_226 : vector<1x16xf32> to vector<16xf32>
        %mul3A_228 = arith.mulf %broadcast_in_dim3A_165, %get3A_227 : vector<16xf32>
        %add3A_229 = arith.addf %mul3A_223, %mul3A_228 : vector<16xf32>
        %swap3A_230 = arith.index_cast %scan3A_152 : i32 to index
        %swap3A_231 = arith.index_cast %add3A_218 : i32 to index
        %swap3A_232 = tpu.vector_load %arg6[%swap3A_230, %swap3A_231] {strides = array<i32>} : memref<16x1024xf32, #tpu.memory_space<vmem>>, vector<1x16xf32>,
        %swap3A_233 = vector.shape_cast %swap3A_232 : vector<1x16xf32> to vector<16xf32>
        %swap3A_234 = vector.shape_cast %add3A_229 : vector<16xf32> to vector<1x16xf32>
        tpu.vector_store %arg6[%swap3A_230, %swap3A_231], %swap3A_234 {strides = array<i32>} : memref<16x1024xf32, #tpu.memory_space<vmem>>, vector<1x16xf32>,
        %mul3A_235 = arith.constant 128 : i32
        %mul3A_236 = arith.muli %scan3A_174, %mul3A_235 : i32
        %add3A_237 = arith.constant 48 : i32
        %add3A_238 = arith.addi %mul3A_236, %add3A_237 : i32
        %get3A_239 = arith.index_cast %scan3A_152 : i32 to index
        %get3A_240 = arith.index_cast %add3A_238 : i32 to index
        %get3A_241 = tpu.vector_load %arg6[%get3A_239, %get3A_240] {strides = array<i32>} : memref<16x1024xf32, #tpu.memory_space<vmem>>, vector<1x16xf32>,
        %get3A_242 = vector.shape_cast %get3A_241 : vector<1x16xf32> to vector<16xf32>
        %mul3A_243 = arith.mulf %broadcast_in_dim3A, %get3A_242 : vector<16xf32>
        %get3A_244 = arith.index_cast %scan3A_152 : i32 to index
        %get3A_245 = arith.index_cast %add3A_238 : i32 to index
        %get3A_246 = tpu.vector_load %arg7[%get3A_244, %get3A_245] {strides = array<i32>} : memref<16x1024xf32, #tpu.memory_space<vmem>>, vector<1x16xf32>,
        %get3A_247 = vector.shape_cast %get3A_246 : vector<1x16xf32> to vector<16xf32>
        %mul3A_248 = arith.mulf %broadcast_in_dim3A_165, %get3A_247 : vector<16xf32>
        %add3A_249 = arith.addf %mul3A_243, %mul3A_248 : vector<16xf32>
        %swap3A_250 = arith.index_cast %scan3A_152 : i32 to index
        %swap3A_251 = arith.index_cast %add3A_238 : i32 to index
        %swap3A_252 = tpu.vector_load %arg6[%swap3A_250, %swap3A_251] {strides = array<i32>} : memref<16x1024xf32, #tpu.memory_space<vmem>>, vector<1x16xf32>,
        %swap3A_253 = vector.shape_cast %swap3A_252 : vector<1x16xf32> to vector<16xf32>
        %swap3A_254 = vector.shape_cast %add3A_249 : vector<16xf32> to vector<1x16xf32>
        tpu.vector_store %arg6[%swap3A_250, %swap3A_251], %swap3A_254 {strides = array<i32>} : memref<16x1024xf32, #tpu.memory_space<vmem>>, vector<1x16xf32>,
        %mul3A_255 = arith.constant 128 : i32
        %mul3A_256 = arith.muli %scan3A_174, %mul3A_255 : i32
        %add3A_257 = arith.constant 64 : i32
        %add3A_258 = arith.addi %mul3A_256, %add3A_257 : i32
        %get3A_259 = arith.index_cast %scan3A_152 : i32 to index
        %get3A_260 = arith.index_cast %add3A_258 : i32 to index
        %get3A_261 = tpu.vector_load %arg6[%get3A_259, %get3A_260] {strides = array<i32>} : memref<16x1024xf32, #tpu.memory_space<vmem>>, vector<1x16xf32>,
        %get3A_262 = vector.shape_cast %get3A_261 : vector<1x16xf32> to vector<16xf32>
        %mul3A_263 = arith.mulf %broadcast_in_dim3A, %get3A_262 : vector<16xf32>
        %get3A_264 = arith.index_cast %scan3A_152 : i32 to index
        %get3A_265 = arith.index_cast %add3A_258 : i32 to index
        %get3A_266 = tpu.vector_load %arg7[%get3A_264, %get3A_265] {strides = array<i32>} : memref<16x1024xf32, #tpu.memory_space<vmem>>, vector<1x16xf32>,
        %get3A_267 = vector.shape_cast %get3A_266 : vector<1x16xf32> to vector<16xf32>
        %mul3A_268 = arith.mulf %broadcast_in_dim3A_165, %get3A_267 : vector<16xf32>
        %add3A_269 = arith.addf %mul3A_263, %mul3A_268 : vector<16xf32>
        %swap3A_270 = arith.index_cast %scan3A_152 : i32 to index
        %swap3A_271 = arith.index_cast %add3A_258 : i32 to index
        %swap3A_272 = tpu.vector_load %arg6[%swap3A_270, %swap3A_271] {strides = array<i32>} : memref<16x1024xf32, #tpu.memory_space<vmem>>, vector<1x16xf32>,
        %swap3A_273 = vector.shape_cast %swap3A_272 : vector<1x16xf32> to vector<16xf32>
        %swap3A_274 = vector.shape_cast %add3A_269 : vector<16xf32> to vector<1x16xf32>
        tpu.vector_store %arg6[%swap3A_270, %swap3A_271], %swap3A_274 {strides = array<i32>} : memref<16x1024xf32, #tpu.memory_space<vmem>>, vector<1x16xf32>,
        %mul3A_275 = arith.constant 128 : i32
        %mul3A_276 = arith.muli %scan3A_174, %mul3A_275 : i32
        %add3A_277 = arith.constant 80 : i32
        %add3A_278 = arith.addi %mul3A_276, %add3A_277 : i32
        %get3A_279 = arith.index_cast %scan3A_152 : i32 to index
        %get3A_280 = arith.index_cast %add3A_278 : i32 to index
        %get3A_281 = tpu.vector_load %arg6[%get3A_279, %get3A_280] {strides = array<i32>} : memref<16x1024xf32, #tpu.memory_space<vmem>>, vector<1x16xf32>,
        %get3A_282 = vector.shape_cast %get3A_281 : vector<1x16xf32> to vector<16xf32>
        %mul3A_283 = arith.mulf %broadcast_in_dim3A, %get3A_282 : vector<16xf32>
        %get3A_284 = arith.index_cast %scan3A_152 : i32 to index
        %get3A_285 = arith.index_cast %add3A_278 : i32 to index
        %get3A_286 = tpu.vector_load %arg7[%get3A_284, %get3A_285] {strides = array<i32>} : memref<16x1024xf32, #tpu.memory_space<vmem>>, vector<1x16xf32>,
        %get3A_287 = vector.shape_cast %get3A_286 : vector<1x16xf32> to vector<16xf32>
        %mul3A_288 = arith.mulf %broadcast_in_dim3A_165, %get3A_287 : vector<16xf32>
        %add3A_289 = arith.addf %mul3A_283, %mul3A_288 : vector<16xf32>
        %swap3A_290 = arith.index_cast %scan3A_152 : i32 to index
        %swap3A_291 = arith.index_cast %add3A_278 : i32 to index
        %swap3A_292 = tpu.vector_load %arg6[%swap3A_290, %swap3A_291] {strides = array<i32>} : memref<16x1024xf32, #tpu.memory_space<vmem>>, vector<1x16xf32>,
        %swap3A_293 = vector.shape_cast %swap3A_292 : vector<1x16xf32> to vector<16xf32>
        %swap3A_294 = vector.shape_cast %add3A_289 : vector<16xf32> to vector<1x16xf32>
        tpu.vector_store %arg6[%swap3A_290, %swap3A_291], %swap3A_294 {strides = array<i32>} : memref<16x1024xf32, #tpu.memory_space<vmem>>, vector<1x16xf32>,
        %mul3A_295 = arith.constant 128 : i32
        %mul3A_296 = arith.muli %scan3A_174, %mul3A_295 : i32
        %add3A_297 = arith.constant 96 : i32
        %add3A_298 = arith.addi %mul3A_296, %add3A_297 : i32
        %get3A_299 = arith.index_cast %scan3A_152 : i32 to index
        %get3A_300 = arith.index_cast %add3A_298 : i32 to index
        %get3A_301 = tpu.vector_load %arg6[%get3A_299, %get3A_300] {strides = array<i32>} : memref<16x1024xf32, #tpu.memory_space<vmem>>, vector<1x16xf32>,
        %get3A_302 = vector.shape_cast %get3A_301 : vector<1x16xf32> to vector<16xf32>
        %mul3A_303 = arith.mulf %broadcast_in_dim3A, %get3A_302 : vector<16xf32>
        %get3A_304 = arith.index_cast %scan3A_152 : i32 to index
        %get3A_305 = arith.index_cast %add3A_298 : i32 to index
        %get3A_306 = tpu.vector_load %arg7[%get3A_304, %get3A_305] {strides = array<i32>} : memref<16x1024xf32, #tpu.memory_space<vmem>>, vector<1x16xf32>,
        %get3A_307 = vector.shape_cast %get3A_306 : vector<1x16xf32> to vector<16xf32>
        %mul3A_308 = arith.mulf %broadcast_in_dim3A_165, %get3A_307 : vector<16xf32>
        %add3A_309 = arith.addf %mul3A_303, %mul3A_308 : vector<16xf32>
        %swap3A_310 = arith.index_cast %scan3A_152 : i32 to index
        %swap3A_311 = arith.index_cast %add3A_298 : i32 to index
        %swap3A_312 = tpu.vector_load %arg6[%swap3A_310, %swap3A_311] {strides = array<i32>} : memref<16x1024xf32, #tpu.memory_space<vmem>>, vector<1x16xf32>,
        %swap3A_313 = vector.shape_cast %swap3A_312 : vector<1x16xf32> to vector<16xf32>
        %swap3A_314 = vector.shape_cast %add3A_309 : vector<16xf32> to vector<1x16xf32>
        tpu.vector_store %arg6[%swap3A_310, %swap3A_311], %swap3A_314 {strides = array<i32>} : memref<16x1024xf32, #tpu.memory_space<vmem>>, vector<1x16xf32>,
        %mul3A_315 = arith.constant 128 : i32
        %mul3A_316 = arith.muli %scan3A_174, %mul3A_315 : i32
        %add3A_317 = arith.constant 112 : i32
        %add3A_318 = arith.addi %mul3A_316, %add3A_317 : i32
        %get3A_319 = arith.index_cast %scan3A_152 : i32 to index
        %get3A_320 = arith.index_cast %add3A_318 : i32 to index
        %get3A_321 = tpu.vector_load %arg6[%get3A_319, %get3A_320] {strides = array<i32>} : memref<16x1024xf32, #tpu.memory_space<vmem>>, vector<1x16xf32>,
        %get3A_322 = vector.shape_cast %get3A_321 : vector<1x16xf32> to vector<16xf32>
        %mul3A_323 = arith.mulf %broadcast_in_dim3A, %get3A_322 : vector<16xf32>
        %get3A_324 = arith.index_cast %scan3A_152 : i32 to index
        %get3A_325 = arith.index_cast %add3A_318 : i32 to index
        %get3A_326 = tpu.vector_load %arg7[%get3A_324, %get3A_325] {strides = array<i32>} : memref<16x1024xf32, #tpu.memory_space<vmem>>, vector<1x16xf32>,
        %get3A_327 = vector.shape_cast %get3A_326 : vector<1x16xf32> to vector<16xf32>
        %mul3A_328 = arith.mulf %broadcast_in_dim3A_165, %get3A_327 : vector<16xf32>
        %add3A_329 = arith.addf %mul3A_323, %mul3A_328 : vector<16xf32>
        %swap3A_330 = arith.index_cast %scan3A_152 : i32 to index
        %swap3A_331 = arith.index_cast %add3A_318 : i32 to index
        %swap3A_332 = tpu.vector_load %arg6[%swap3A_330, %swap3A_331] {strides = array<i32>} : memref<16x1024xf32, #tpu.memory_space<vmem>>, vector<1x16xf32>,
        %swap3A_333 = vector.shape_cast %swap3A_332 : vector<1x16xf32> to vector<16xf32>
        %swap3A_334 = vector.shape_cast %add3A_329 : vector<16xf32> to vector<1x16xf32>
        tpu.vector_store %arg6[%swap3A_330, %swap3A_331], %swap3A_334 {strides = array<i32>} : memref<16x1024xf32, #tpu.memory_space<vmem>>, vector<1x16xf32>,
        %scan3A_335 = arith.constant 0 : i32
        scf.yield %scan3A_335 : i32
      }
      %scan3A_172 = arith.constant 8 : i32
      %scan3A_173 = arith.constant 0 : i32
      scf.yield %scan3A_173 : i32
    }
    %scan3A_114 = arith.constant 16 : i32
    %add3A_115 = arith.constant 32 : i32
    %add3A_116 = arith.addi %mul3A_2, %add3A_115 : i32
    %dma_start3A_117 = arith.constant 0 : i32
    %dma_start3A_118 = tpu.memref_slice %arg5[%add3A_116, %dma_start3A_117] : memref<2048x1024xf32, #tpu.memory_space<hbm>> -> memref<16x1024xf32, #tpu.memory_space<hbm>>
    %dma_start3A_119 = arith.constant 0 : i32
    %dma_start3A_120 = tpu.memref_slice %arg5[%add3A_116, %dma_start3A_119] : memref<2048x1024xf32, #tpu.memory_space<hbm>> -> memref<16x1024xf32, #tpu.memory_space<hbm>>
    tpu.enqueue_dma source(%arg6 : memref<16x1024xf32, #tpu.memory_space<vmem>>) target(%dma_start3A_120 : memref<16x1024xf32, #tpu.memory_space<hbm>>) target_semaphore(%arg18 : memref<!tpu.dma_semaphore, #tpu.memory_space<semaphore_mem>>)
    %dma_wait3A_121 = arith.constant 48 : i32
    %dma_wait3A_122 = tpu.memref_slice %arg10[%dma_wait3A_121] : memref<64xi32, #tpu.memory_space<vmem>> -> memref<16xi32, #tpu.memory_space<vmem>>
    %dma_wait3A_123 = arith.constant 0 : i32
    %dma_wait3A_124 = arith.constant 0 : i32
    %dma_wait3A_125 = tpu.memref_slice %arg2[%dma_wait3A_123, %dma_wait3A_124] : memref<8192x1024xf32, #tpu.memory_space<hbm>> -> memref<8192x1024xf32, #tpu.memory_space<hbm>>
    tpu.wait_indirect_dma semaphore(%arg16 : memref<!tpu.dma_semaphore, #tpu.memory_space<semaphore_mem>>) src(%dma_wait3A_125 : memref<8192x1024xf32, #tpu.memory_space<hbm>>) dst(%arg8 : memref<16x1024xf32, #tpu.memory_space<vmem>>)
    %dma_wait3A_126 = arith.constant 48 : i32
    %dma_wait3A_127 = tpu.memref_slice %arg11[%dma_wait3A_126] : memref<64xi32, #tpu.memory_space<vmem>> -> memref<16xi32, #tpu.memory_space<vmem>>
    %dma_wait3A_128 = arith.constant 0 : i32
    %dma_wait3A_129 = arith.constant 0 : i32
    %dma_wait3A_130 = tpu.memref_slice %arg2[%dma_wait3A_128, %dma_wait3A_129] : memref<8192x1024xf32, #tpu.memory_space<hbm>> -> memref<8192x1024xf32, #tpu.memory_space<hbm>>
    tpu.wait_indirect_dma semaphore(%arg17 : memref<!tpu.dma_semaphore, #tpu.memory_space<semaphore_mem>>) src(%dma_wait3A_130 : memref<8192x1024xf32, #tpu.memory_space<hbm>>) dst(%arg9 : memref<16x1024xf32, #tpu.memory_space<vmem>>)
    %scan3A_131 = arith.constant 0 : i32
    %scan3A_132 = arith.constant 0 : i32
    %scan3A_133 = arith.constant 16 : i32
    %scan3A_134 = arith.addi %scan3A_132, %scan3A_133 : i32
    %scan3A_135 = arith.constant 1 : i32
    %scan3A_136 = scf.for %scan3A_152 = %scan3A_132 to %scan3A_134 step %scan3A_135 iter_args(%scan3A_153 = %scan3A_131) -> (i32)  : i32 {
      %add3A_154 = arith.constant 48 : i32
      %add3A_155 = arith.addi %add3A_154, %scan3A_152 : i32
      %get3A = arith.index_cast %add3A_155 : i32 to index
      %get3A_156 = tpu.vector_load %arg12[%get3A] {strides = array<i32>} : memref<80xf32, #tpu.memory_space<vmem>>, vector<16xf32>,
      %get3A_157 = vector.shape_cast %get3A_156 : vector<16xf32> to vector<16xf32>
      %slice3A = vector.extract_strided_slice %get3A_157 {offsets = [0], sizes = [1], strides = [1]} : vector<16xf32> to vector<1xf32>
      %squeeze3A = vector.extract %slice3A[0] : f32 from vector<1xf32>
      %broadcast_in_dim3A = vector.broadcast %squeeze3A : f32 to vector<16xf32>
      %add3A_158 = arith.constant 48 : i32
      %add3A_159 = arith.addi %add3A_158, %scan3A_152 : i32
      %get3A_160 = arith.index_cast %add3A_159 : i32 to index
      %get3A_161 = tpu.vector_load %arg13[%get3A_160] {strides = array<i32>} : memref<80xf32, #tpu.memory_space<vmem>>, vector<16xf32>,
      %get3A_162 = vector.shape_cast %get3A_161 : vector<16xf32> to vector<16xf32>
      %slice3A_163 = vector.extract_strided_slice %get3A_162 {offsets = [0], sizes = [1], strides = [1]} : vector<16xf32> to vector<1xf32>
      %squeeze3A_164 = vector.extract %slice3A_163[0] : f32 from vector<1xf32>
      %broadcast_in_dim3A_165 = vector.broadcast %squeeze3A_164 : f32 to vector<16xf32>
      %scan3A_166 = arith.constant 0 : i32
      %scan3A_167 = arith.constant 0 : i32
      %scan3A_168 = arith.constant 8 : i32
      %scan3A_169 = arith.addi %scan3A_167, %scan3A_168 : i32
      %scan3A_170 = arith.constant 1 : i32
      %scan3A_171 = scf.for %scan3A_174 = %scan3A_167 to %scan3A_169 step %scan3A_170 iter_args(%scan3A_175 = %scan3A_166) -> (i32)  : i32 {
        %mul3A_176 = arith.constant 128 : i32
        %mul3A_177 = arith.muli %scan3A_174, %mul3A_176 : i32
        %add3A_178 = arith.constant 0 : i32
        %add3A_179 = arith.addi %mul3A_177, %add3A_178 : i32
        %get3A_180 = arith.index_cast %scan3A_152 : i32 to index
        %get3A_181 = arith.index_cast %add3A_179 : i32 to index
        %get3A_182 = tpu.vector_load %arg8[%get3A_180, %get3A_181] {strides = array<i32>} : memref<16x1024xf32, #tpu.memory_space<vmem>>, vector<1x16xf32>,
        %get3A_183 = vector.shape_cast %get3A_182 : vector<1x16xf32> to vector<16xf32>
        %mul3A_184 = arith.mulf %broadcast_in_dim3A, %get3A_183 : vector<16xf32>
        %get3A_185 = arith.index_cast %scan3A_152 : i32 to index
        %get3A_186 = arith.index_cast %add3A_179 : i32 to index
        %get3A_187 = tpu.vector_load %arg9[%get3A_185, %get3A_186] {strides = array<i32>} : memref<16x1024xf32, #tpu.memory_space<vmem>>, vector<1x16xf32>,
        %get3A_188 = vector.shape_cast %get3A_187 : vector<1x16xf32> to vector<16xf32>
        %mul3A_189 = arith.mulf %broadcast_in_dim3A_165, %get3A_188 : vector<16xf32>
        %add3A_190 = arith.addf %mul3A_184, %mul3A_189 : vector<16xf32>
        %swap3A = arith.index_cast %scan3A_152 : i32 to index
        %swap3A_191 = arith.index_cast %add3A_179 : i32 to index
        %swap3A_192 = tpu.vector_load %arg8[%swap3A, %swap3A_191] {strides = array<i32>} : memref<16x1024xf32, #tpu.memory_space<vmem>>, vector<1x16xf32>,
        %swap3A_193 = vector.shape_cast %swap3A_192 : vector<1x16xf32> to vector<16xf32>
        %swap3A_194 = vector.shape_cast %add3A_190 : vector<16xf32> to vector<1x16xf32>
        tpu.vector_store %arg8[%swap3A, %swap3A_191], %swap3A_194 {strides = array<i32>} : memref<16x1024xf32, #tpu.memory_space<vmem>>, vector<1x16xf32>,
        %mul3A_195 = arith.constant 128 : i32
        %mul3A_196 = arith.muli %scan3A_174, %mul3A_195 : i32
        %add3A_197 = arith.constant 16 : i32
        %add3A_198 = arith.addi %mul3A_196, %add3A_197 : i32
        %get3A_199 = arith.index_cast %scan3A_152 : i32 to index
        %get3A_200 = arith.index_cast %add3A_198 : i32 to index
        %get3A_201 = tpu.vector_load %arg8[%get3A_199, %get3A_200] {strides = array<i32>} : memref<16x1024xf32, #tpu.memory_space<vmem>>, vector<1x16xf32>,
        %get3A_202 = vector.shape_cast %get3A_201 : vector<1x16xf32> to vector<16xf32>
        %mul3A_203 = arith.mulf %broadcast_in_dim3A, %get3A_202 : vector<16xf32>
        %get3A_204 = arith.index_cast %scan3A_152 : i32 to index
        %get3A_205 = arith.index_cast %add3A_198 : i32 to index
        %get3A_206 = tpu.vector_load %arg9[%get3A_204, %get3A_205] {strides = array<i32>} : memref<16x1024xf32, #tpu.memory_space<vmem>>, vector<1x16xf32>,
        %get3A_207 = vector.shape_cast %get3A_206 : vector<1x16xf32> to vector<16xf32>
        %mul3A_208 = arith.mulf %broadcast_in_dim3A_165, %get3A_207 : vector<16xf32>
        %add3A_209 = arith.addf %mul3A_203, %mul3A_208 : vector<16xf32>
        %swap3A_210 = arith.index_cast %scan3A_152 : i32 to index
        %swap3A_211 = arith.index_cast %add3A_198 : i32 to index
        %swap3A_212 = tpu.vector_load %arg8[%swap3A_210, %swap3A_211] {strides = array<i32>} : memref<16x1024xf32, #tpu.memory_space<vmem>>, vector<1x16xf32>,
        %swap3A_213 = vector.shape_cast %swap3A_212 : vector<1x16xf32> to vector<16xf32>
        %swap3A_214 = vector.shape_cast %add3A_209 : vector<16xf32> to vector<1x16xf32>
        tpu.vector_store %arg8[%swap3A_210, %swap3A_211], %swap3A_214 {strides = array<i32>} : memref<16x1024xf32, #tpu.memory_space<vmem>>, vector<1x16xf32>,
        %mul3A_215 = arith.constant 128 : i32
        %mul3A_216 = arith.muli %scan3A_174, %mul3A_215 : i32
        %add3A_217 = arith.constant 32 : i32
        %add3A_218 = arith.addi %mul3A_216, %add3A_217 : i32
        %get3A_219 = arith.index_cast %scan3A_152 : i32 to index
        %get3A_220 = arith.index_cast %add3A_218 : i32 to index
        %get3A_221 = tpu.vector_load %arg8[%get3A_219, %get3A_220] {strides = array<i32>} : memref<16x1024xf32, #tpu.memory_space<vmem>>, vector<1x16xf32>,
        %get3A_222 = vector.shape_cast %get3A_221 : vector<1x16xf32> to vector<16xf32>
        %mul3A_223 = arith.mulf %broadcast_in_dim3A, %get3A_222 : vector<16xf32>
        %get3A_224 = arith.index_cast %scan3A_152 : i32 to index
        %get3A_225 = arith.index_cast %add3A_218 : i32 to index
        %get3A_226 = tpu.vector_load %arg9[%get3A_224, %get3A_225] {strides = array<i32>} : memref<16x1024xf32, #tpu.memory_space<vmem>>, vector<1x16xf32>,
        %get3A_227 = vector.shape_cast %get3A_226 : vector<1x16xf32> to vector<16xf32>
        %mul3A_228 = arith.mulf %broadcast_in_dim3A_165, %get3A_227 : vector<16xf32>
        %add3A_229 = arith.addf %mul3A_223, %mul3A_228 : vector<16xf32>
        %swap3A_230 = arith.index_cast %scan3A_152 : i32 to index
        %swap3A_231 = arith.index_cast %add3A_218 : i32 to index
        %swap3A_232 = tpu.vector_load %arg8[%swap3A_230, %swap3A_231] {strides = array<i32>} : memref<16x1024xf32, #tpu.memory_space<vmem>>, vector<1x16xf32>,
        %swap3A_233 = vector.shape_cast %swap3A_232 : vector<1x16xf32> to vector<16xf32>
        %swap3A_234 = vector.shape_cast %add3A_229 : vector<16xf32> to vector<1x16xf32>
        tpu.vector_store %arg8[%swap3A_230, %swap3A_231], %swap3A_234 {strides = array<i32>} : memref<16x1024xf32, #tpu.memory_space<vmem>>, vector<1x16xf32>,
        %mul3A_235 = arith.constant 128 : i32
        %mul3A_236 = arith.muli %scan3A_174, %mul3A_235 : i32
        %add3A_237 = arith.constant 48 : i32
        %add3A_238 = arith.addi %mul3A_236, %add3A_237 : i32
        %get3A_239 = arith.index_cast %scan3A_152 : i32 to index
        %get3A_240 = arith.index_cast %add3A_238 : i32 to index
        %get3A_241 = tpu.vector_load %arg8[%get3A_239, %get3A_240] {strides = array<i32>} : memref<16x1024xf32, #tpu.memory_space<vmem>>, vector<1x16xf32>,
        %get3A_242 = vector.shape_cast %get3A_241 : vector<1x16xf32> to vector<16xf32>
        %mul3A_243 = arith.mulf %broadcast_in_dim3A, %get3A_242 : vector<16xf32>
        %get3A_244 = arith.index_cast %scan3A_152 : i32 to index
        %get3A_245 = arith.index_cast %add3A_238 : i32 to index
        %get3A_246 = tpu.vector_load %arg9[%get3A_244, %get3A_245] {strides = array<i32>} : memref<16x1024xf32, #tpu.memory_space<vmem>>, vector<1x16xf32>,
        %get3A_247 = vector.shape_cast %get3A_246 : vector<1x16xf32> to vector<16xf32>
        %mul3A_248 = arith.mulf %broadcast_in_dim3A_165, %get3A_247 : vector<16xf32>
        %add3A_249 = arith.addf %mul3A_243, %mul3A_248 : vector<16xf32>
        %swap3A_250 = arith.index_cast %scan3A_152 : i32 to index
        %swap3A_251 = arith.index_cast %add3A_238 : i32 to index
        %swap3A_252 = tpu.vector_load %arg8[%swap3A_250, %swap3A_251] {strides = array<i32>} : memref<16x1024xf32, #tpu.memory_space<vmem>>, vector<1x16xf32>,
        %swap3A_253 = vector.shape_cast %swap3A_252 : vector<1x16xf32> to vector<16xf32>
        %swap3A_254 = vector.shape_cast %add3A_249 : vector<16xf32> to vector<1x16xf32>
        tpu.vector_store %arg8[%swap3A_250, %swap3A_251], %swap3A_254 {strides = array<i32>} : memref<16x1024xf32, #tpu.memory_space<vmem>>, vector<1x16xf32>,
        %mul3A_255 = arith.constant 128 : i32
        %mul3A_256 = arith.muli %scan3A_174, %mul3A_255 : i32
        %add3A_257 = arith.constant 64 : i32
        %add3A_258 = arith.addi %mul3A_256, %add3A_257 : i32
        %get3A_259 = arith.index_cast %scan3A_152 : i32 to index
        %get3A_260 = arith.index_cast %add3A_258 : i32 to index
        %get3A_261 = tpu.vector_load %arg8[%get3A_259, %get3A_260] {strides = array<i32>} : memref<16x1024xf32, #tpu.memory_space<vmem>>, vector<1x16xf32>,
        %get3A_262 = vector.shape_cast %get3A_261 : vector<1x16xf32> to vector<16xf32>
        %mul3A_263 = arith.mulf %broadcast_in_dim3A, %get3A_262 : vector<16xf32>
        %get3A_264 = arith.index_cast %scan3A_152 : i32 to index
        %get3A_265 = arith.index_cast %add3A_258 : i32 to index
        %get3A_266 = tpu.vector_load %arg9[%get3A_264, %get3A_265] {strides = array<i32>} : memref<16x1024xf32, #tpu.memory_space<vmem>>, vector<1x16xf32>,
        %get3A_267 = vector.shape_cast %get3A_266 : vector<1x16xf32> to vector<16xf32>
        %mul3A_268 = arith.mulf %broadcast_in_dim3A_165, %get3A_267 : vector<16xf32>
        %add3A_269 = arith.addf %mul3A_263, %mul3A_268 : vector<16xf32>
        %swap3A_270 = arith.index_cast %scan3A_152 : i32 to index
        %swap3A_271 = arith.index_cast %add3A_258 : i32 to index
        %swap3A_272 = tpu.vector_load %arg8[%swap3A_270, %swap3A_271] {strides = array<i32>} : memref<16x1024xf32, #tpu.memory_space<vmem>>, vector<1x16xf32>,
        %swap3A_273 = vector.shape_cast %swap3A_272 : vector<1x16xf32> to vector<16xf32>
        %swap3A_274 = vector.shape_cast %add3A_269 : vector<16xf32> to vector<1x16xf32>
        tpu.vector_store %arg8[%swap3A_270, %swap3A_271], %swap3A_274 {strides = array<i32>} : memref<16x1024xf32, #tpu.memory_space<vmem>>, vector<1x16xf32>,
        %mul3A_275 = arith.constant 128 : i32
        %mul3A_276 = arith.muli %scan3A_174, %mul3A_275 : i32
        %add3A_277 = arith.constant 80 : i32
        %add3A_278 = arith.addi %mul3A_276, %add3A_277 : i32
        %get3A_279 = arith.index_cast %scan3A_152 : i32 to index
        %get3A_280 = arith.index_cast %add3A_278 : i32 to index
        %get3A_281 = tpu.vector_load %arg8[%get3A_279, %get3A_280] {strides = array<i32>} : memref<16x1024xf32, #tpu.memory_space<vmem>>, vector<1x16xf32>,
        %get3A_282 = vector.shape_cast %get3A_281 : vector<1x16xf32> to vector<16xf32>
        %mul3A_283 = arith.mulf %broadcast_in_dim3A, %get3A_282 : vector<16xf32>
        %get3A_284 = arith.index_cast %scan3A_152 : i32 to index
        %get3A_285 = arith.index_cast %add3A_278 : i32 to index
        %get3A_286 = tpu.vector_load %arg9[%get3A_284, %get3A_285] {strides = array<i32>} : memref<16x1024xf32, #tpu.memory_space<vmem>>, vector<1x16xf32>,
        %get3A_287 = vector.shape_cast %get3A_286 : vector<1x16xf32> to vector<16xf32>
        %mul3A_288 = arith.mulf %broadcast_in_dim3A_165, %get3A_287 : vector<16xf32>
        %add3A_289 = arith.addf %mul3A_283, %mul3A_288 : vector<16xf32>
        %swap3A_290 = arith.index_cast %scan3A_152 : i32 to index
        %swap3A_291 = arith.index_cast %add3A_278 : i32 to index
        %swap3A_292 = tpu.vector_load %arg8[%swap3A_290, %swap3A_291] {strides = array<i32>} : memref<16x1024xf32, #tpu.memory_space<vmem>>, vector<1x16xf32>,
        %swap3A_293 = vector.shape_cast %swap3A_292 : vector<1x16xf32> to vector<16xf32>
        %swap3A_294 = vector.shape_cast %add3A_289 : vector<16xf32> to vector<1x16xf32>
        tpu.vector_store %arg8[%swap3A_290, %swap3A_291], %swap3A_294 {strides = array<i32>} : memref<16x1024xf32, #tpu.memory_space<vmem>>, vector<1x16xf32>,
        %mul3A_295 = arith.constant 128 : i32
        %mul3A_296 = arith.muli %scan3A_174, %mul3A_295 : i32
        %add3A_297 = arith.constant 96 : i32
        %add3A_298 = arith.addi %mul3A_296, %add3A_297 : i32
        %get3A_299 = arith.index_cast %scan3A_152 : i32 to index
        %get3A_300 = arith.index_cast %add3A_298 : i32 to index
        %get3A_301 = tpu.vector_load %arg8[%get3A_299, %get3A_300] {strides = array<i32>} : memref<16x1024xf32, #tpu.memory_space<vmem>>, vector<1x16xf32>,
        %get3A_302 = vector.shape_cast %get3A_301 : vector<1x16xf32> to vector<16xf32>
        %mul3A_303 = arith.mulf %broadcast_in_dim3A, %get3A_302 : vector<16xf32>
        %get3A_304 = arith.index_cast %scan3A_152 : i32 to index
        %get3A_305 = arith.index_cast %add3A_298 : i32 to index
        %get3A_306 = tpu.vector_load %arg9[%get3A_304, %get3A_305] {strides = array<i32>} : memref<16x1024xf32, #tpu.memory_space<vmem>>, vector<1x16xf32>,
        %get3A_307 = vector.shape_cast %get3A_306 : vector<1x16xf32> to vector<16xf32>
        %mul3A_308 = arith.mulf %broadcast_in_dim3A_165, %get3A_307 : vector<16xf32>
        %add3A_309 = arith.addf %mul3A_303, %mul3A_308 : vector<16xf32>
        %swap3A_310 = arith.index_cast %scan3A_152 : i32 to index
        %swap3A_311 = arith.index_cast %add3A_298 : i32 to index
        %swap3A_312 = tpu.vector_load %arg8[%swap3A_310, %swap3A_311] {strides = array<i32>} : memref<16x1024xf32, #tpu.memory_space<vmem>>, vector<1x16xf32>,
        %swap3A_313 = vector.shape_cast %swap3A_312 : vector<1x16xf32> to vector<16xf32>
        %swap3A_314 = vector.shape_cast %add3A_309 : vector<16xf32> to vector<1x16xf32>
        tpu.vector_store %arg8[%swap3A_310, %swap3A_311], %swap3A_314 {strides = array<i32>} : memref<16x1024xf32, #tpu.memory_space<vmem>>, vector<1x16xf32>,
        %mul3A_315 = arith.constant 128 : i32
        %mul3A_316 = arith.muli %scan3A_174, %mul3A_315 : i32
        %add3A_317 = arith.constant 112 : i32
        %add3A_318 = arith.addi %mul3A_316, %add3A_317 : i32
        %get3A_319 = arith.index_cast %scan3A_152 : i32 to index
        %get3A_320 = arith.index_cast %add3A_318 : i32 to index
        %get3A_321 = tpu.vector_load %arg8[%get3A_319, %get3A_320] {strides = array<i32>} : memref<16x1024xf32, #tpu.memory_space<vmem>>, vector<1x16xf32>,
        %get3A_322 = vector.shape_cast %get3A_321 : vector<1x16xf32> to vector<16xf32>
        %mul3A_323 = arith.mulf %broadcast_in_dim3A, %get3A_322 : vector<16xf32>
        %get3A_324 = arith.index_cast %scan3A_152 : i32 to index
        %get3A_325 = arith.index_cast %add3A_318 : i32 to index
        %get3A_326 = tpu.vector_load %arg9[%get3A_324, %get3A_325] {strides = array<i32>} : memref<16x1024xf32, #tpu.memory_space<vmem>>, vector<1x16xf32>,
        %get3A_327 = vector.shape_cast %get3A_326 : vector<1x16xf32> to vector<16xf32>
        %mul3A_328 = arith.mulf %broadcast_in_dim3A_165, %get3A_327 : vector<16xf32>
        %add3A_329 = arith.addf %mul3A_323, %mul3A_328 : vector<16xf32>
        %swap3A_330 = arith.index_cast %scan3A_152 : i32 to index
        %swap3A_331 = arith.index_cast %add3A_318 : i32 to index
        %swap3A_332 = tpu.vector_load %arg8[%swap3A_330, %swap3A_331] {strides = array<i32>} : memref<16x1024xf32, #tpu.memory_space<vmem>>, vector<1x16xf32>,
        %swap3A_333 = vector.shape_cast %swap3A_332 : vector<1x16xf32> to vector<16xf32>
        %swap3A_334 = vector.shape_cast %add3A_329 : vector<16xf32> to vector<1x16xf32>
        tpu.vector_store %arg8[%swap3A_330, %swap3A_331], %swap3A_334 {strides = array<i32>} : memref<16x1024xf32, #tpu.memory_space<vmem>>, vector<1x16xf32>,
        %scan3A_335 = arith.constant 0 : i32
        scf.yield %scan3A_335 : i32
      }
      %scan3A_172 = arith.constant 8 : i32
      %scan3A_173 = arith.constant 0 : i32
      scf.yield %scan3A_173 : i32
    }
    %scan3A_137 = arith.constant 16 : i32
    %add3A_138 = arith.constant 48 : i32
    %add3A_139 = arith.addi %mul3A_2, %add3A_138 : i32
    %dma_start3A_140 = arith.constant 0 : i32
    %dma_start3A_141 = tpu.memref_slice %arg5[%add3A_139, %dma_start3A_140] : memref<2048x1024xf32, #tpu.memory_space<hbm>> -> memref<16x1024xf32, #tpu.memory_space<hbm>>
    %dma_start3A_142 = arith.constant 0 : i32
    %dma_start3A_143 = tpu.memref_slice %arg5[%add3A_139, %dma_start3A_142] : memref<2048x1024xf32, #tpu.memory_space<hbm>> -> memref<16x1024xf32, #tpu.memory_space<hbm>>
    tpu.enqueue_dma source(%arg8 : memref<16x1024xf32, #tpu.memory_space<vmem>>) target(%dma_start3A_143 : memref<16x1024xf32, #tpu.memory_space<hbm>>) target_semaphore(%arg19 : memref<!tpu.dma_semaphore, #tpu.memory_space<semaphore_mem>>)
    %dma_wait3A_144 = arith.constant 0 : i32
    %dma_wait3A_145 = tpu.memref_slice %arg5[%add3A_116, %dma_wait3A_144] : memref<2048x1024xf32, #tpu.memory_space<hbm>> -> memref<16x1024xf32, #tpu.memory_space<hbm>>
    %dma_wait3A_146 = arith.constant 0 : i32
    %dma_wait3A_147 = tpu.memref_slice %arg5[%add3A_116, %dma_wait3A_146] : memref<2048x1024xf32, #tpu.memory_space<hbm>> -> memref<16x1024xf32, #tpu.memory_space<hbm>>
    tpu.wait_dma2 semaphore(%arg18 : memref<!tpu.dma_semaphore, #tpu.memory_space<semaphore_mem>>) src(%arg6 : memref<16x1024xf32, #tpu.memory_space<vmem>>) dst(%dma_wait3A_147 : memref<16x1024xf32, #tpu.memory_space<hbm>>)
    %dma_wait3A_148 = arith.constant 0 : i32
    %dma_wait3A_149 = tpu.memref_slice %arg5[%add3A_139, %dma_wait3A_148] : memref<2048x1024xf32, #tpu.memory_space<hbm>> -> memref<16x1024xf32, #tpu.memory_space<hbm>>
    %dma_wait3A_150 = arith.constant 0 : i32
    %dma_wait3A_151 = tpu.memref_slice %arg5[%add3A_139, %dma_wait3A_150] : memref<2048x1024xf32, #tpu.memory_space<hbm>> -> memref<16x1024xf32, #tpu.memory_space<hbm>>
    tpu.wait_dma2 semaphore(%arg19 : memref<!tpu.dma_semaphore, #tpu.memory_space<semaphore_mem>>) src(%arg8 : memref<16x1024xf32, #tpu.memory_space<vmem>>) dst(%dma_wait3A_151 : memref<16x1024xf32, #tpu.memory_space<hbm>>)
    return
  }
}

module attributes {stable_mosaic.version = 14 : i64} {
  func.func @_k1_body(%arg0: i32, %arg1: i32, %arg2: memref<1x1x256xi32, #tpu.memory_space<vmem>>, %arg3: memref<1x1x256xi32, #tpu.memory_space<vmem>>, %arg4: memref<1x40xi32, #tpu.memory_space<vmem>>, %arg5: memref<16x1xf32, #tpu.memory_space<vmem>>, %arg6: memref<16x1xf32, #tpu.memory_space<vmem>>, %arg7: memref<16x1xf32, #tpu.memory_space<vmem>>) attributes {dimension_semantics = [#tpu.dimension_semantics<arbitrary>, #tpu.dimension_semantics<arbitrary>], iteration_bounds = array<i64: 2, 16>, scalar_prefetch = 0 : i64, scratch_operands = 3 : i64, tpu.core_type = #tpu.core_type<tc>, window_params = [{transform_indices = @transform_0, window_bounds = array<i64: 1, 1, 256>}, {transform_indices = @transform_1, window_bounds = array<i64: 1, 1, 256>}, {pipeline_mode = #tpu.pipeline_mode<synchronous>, transform_indices = @transform_2, window_bounds = array<i64: 1, 40>}]} {
    %get3A = arith.constant 0 : index
    %get3A_0 = arith.constant 0 : index
    %get3A_1 = arith.constant 0 : index
    %get3A_2 = vector.load %arg2[%get3A, %get3A_0, %get3A_1] : memref<1x1x256xi32, #tpu.memory_space<vmem>>, vector<1x1x256xi32>
    %get3A_3 = vector.shape_cast %get3A_2 : vector<1x1x256xi32> to vector<1x256xi32>
    %iota3A = tpu.iota {dimensions = array<i32: 0>} : vector<16x256xi32>
    %eq3A = vector.broadcast %get3A_3 : vector<1x256xi32> to vector<16x256xi32>
    %eq3A_4 = arith.cmpi eq, %iota3A, %eq3A : vector<16x256xi32>
    %convert_element_type3A = arith.extui %eq3A_4 : vector<16x256xi1> to vector<16x256xi32>
    %convert_element_type3A_5 = arith.sitofp %convert_element_type3A : vector<16x256xi32> to vector<16x256xf32>
    %eq3A_6 = arith.constant 0 : i32
    %eq3A_7 = arith.cmpi eq, %arg0, %eq3A_6 : i32
    %convert_element_type3A_8 = arith.extui %eq3A_7 : i1 to i32
    %cond3A = arith.constant 0 : i32
    %cond3A_9 = arith.cmpi ne, %convert_element_type3A_8, %cond3A : i32
    scf.if %cond3A_9 {
      %reduce_sum3A = arith.constant dense<0.000000e+00> : vector<16xf32>
      %reduce_sum3A_22 = vector.multi_reduction <add>, %convert_element_type3A_5, %reduce_sum3A [1] : vector<16x256xf32> to vector<16xf32>
      %broadcast_in_dim3A = vector.shape_cast %reduce_sum3A_22 : vector<16xf32> to vector<16x1xf32>
      %eq3A_23 = arith.constant 0 : i32
      %eq3A_24 = arith.cmpi eq, %arg1, %eq3A_23 : i32
      %get3A_25 = arith.constant 0 : index
      %get3A_26 = arith.constant 0 : index
      %get3A_27 = vector.load %arg5[%get3A_25, %get3A_26] : memref<16x1xf32, #tpu.memory_space<vmem>>, vector<16x1xf32>
      %add3A = arith.addf %get3A_27, %broadcast_in_dim3A : vector<16x1xf32>
      %select_n3A = arith.select %eq3A_24, %broadcast_in_dim3A, %add3A : vector<16x1xf32>
      %swap3A = arith.constant 0 : index
      %swap3A_28 = arith.constant 0 : index
      %swap3A_29 = vector.load %arg5[%swap3A, %swap3A_28] : memref<16x1xf32, #tpu.memory_space<vmem>>, vector<16x1xf32>
      tpu.vector_store %arg5[%swap3A, %swap3A_28], %select_n3A {strides = array<i32>} : memref<16x1xf32, #tpu.memory_space<vmem>>, vector<16x1xf32>,
    } else {
    }
    %eq3A_10 = arith.constant 1 : i32
    %eq3A_11 = arith.cmpi eq, %arg0, %eq3A_10 : i32
    %eq3A_12 = arith.constant 0 : i32
    %eq3A_13 = arith.cmpi eq, %arg1, %eq3A_12 : i32
    %and3A = arith.andi %eq3A_11, %eq3A_13 : i1
    %convert_element_type3A_14 = arith.extui %and3A : i1 to i32
    %cond3A_15 = arith.constant 0 : i32
    %cond3A_16 = arith.cmpi ne, %convert_element_type3A_14, %cond3A_15 : i32
    scf.if %cond3A_16 {
      %get3A_22 = arith.constant 0 : index
      %get3A_23 = arith.constant 0 : index
      %get3A_24 = vector.load %arg5[%get3A_22, %get3A_23] : memref<16x1xf32, #tpu.memory_space<vmem>>, vector<16x1xf32>
      %add3A = arith.constant 2.550000e+02 : f32
      %add3A_25 = vector.broadcast %add3A : f32 to vector<16x1xf32>
      %add3A_26 = arith.addf %get3A_24, %add3A_25 : vector<16x1xf32>
      %div3A = arith.constant 2.560000e+02 : f32
      %div3A_27 = vector.broadcast %div3A : f32 to vector<16x1xf32>
      %div3A_28 = arith.divf %add3A_26, %div3A_27 : vector<16x1xf32>
      %floor3A = math.floor %div3A_28 : vector<16x1xf32>
      %iota3A_29 = tpu.iota {dimensions = array<i32: 0>} : vector<16x16xi32>
      %iota3A_30 = tpu.iota {dimensions = array<i32: 1>} : vector<16x16xi32>
      %lt3A = arith.cmpi slt, %iota3A_30, %iota3A_29 : vector<16x16xi32>
      %convert_element_type3A_31 = arith.extui %lt3A : vector<16x16xi1> to vector<16x16xi32>
      %convert_element_type3A_32 = arith.sitofp %convert_element_type3A_31 : vector<16x16xi32> to vector<16x16xf32>
      %dot_general3A = arith.constant dense<0.000000e+00> : vector<16x1xf32>
      %dot_general3A_33 = tpu.matmul %convert_element_type3A_32, %floor3A, %dot_general3A {dimension_numbers = #tpu.dot_dimension_numbers<[1], [0], [0], [1], [0, 0, 1, 1], [], []>, transpose_lhs_hint = false} : vector<16x16xf32>, vector<16x1xf32>, vector<16x1xf32> -> vector<16x1xf32>
      %mul3A = arith.constant 2.560000e+02 : f32
      %mul3A_34 = vector.broadcast %mul3A : f32 to vector<16x1xf32>
      %mul3A_35 = arith.mulf %mul3A_34, %dot_general3A_33 : vector<16x1xf32>
      %swap3A = arith.constant 0 : index
      %swap3A_36 = arith.constant 0 : index
      %swap3A_37 = vector.load %arg7[%swap3A, %swap3A_36] : memref<16x1xf32, #tpu.memory_space<vmem>>, vector<16x1xf32>
      tpu.vector_store %arg7[%swap3A, %swap3A_36], %mul3A_35 {strides = array<i32>} : memref<16x1xf32, #tpu.memory_space<vmem>>, vector<16x1xf32>,
      %broadcast_in_dim3A = arith.constant 0.000000e+00 : f32
      %broadcast_in_dim3A_38 = vector.broadcast %broadcast_in_dim3A : f32 to vector<16x1xf32>
      %swap3A_39 = arith.constant 0 : index
      %swap3A_40 = arith.constant 0 : index
      %swap3A_41 = vector.load %arg6[%swap3A_39, %swap3A_40] : memref<16x1xf32, #tpu.memory_space<vmem>>, vector<16x1xf32>
      tpu.vector_store %arg6[%swap3A_39, %swap3A_40], %broadcast_in_dim3A_38 {strides = array<i32>} : memref<16x1xf32, #tpu.memory_space<vmem>>, vector<16x1xf32>,
      %iota3A_42 = tpu.iota {dimensions = array<i32: 1>} : vector<16x40xi32>
      %convert_element_type3A_43 = arith.sitofp %iota3A_42 : vector<16x40xi32> to vector<16x40xf32>
      %le3A = vector.broadcast %dot_general3A_33 : vector<16x1xf32> to vector<16x40xf32>
      %le3A_44 = arith.cmpf ole, %le3A, %convert_element_type3A_43 : vector<16x40xf32>
      %convert_element_type3A_45 = arith.extui %le3A_44 : vector<16x40xi1> to vector<16x40xi32>
      %convert_element_type3A_46 = arith.sitofp %convert_element_type3A_45 : vector<16x40xi32> to vector<16x40xf32>
      %reduce_sum3A = arith.constant dense<0.000000e+00> : vector<40xf32>
      %reduce_sum3A_47 = vector.multi_reduction <add>, %convert_element_type3A_46, %reduce_sum3A [0] : vector<16x40xf32> to vector<40xf32>
      %broadcast_in_dim3A_48 = vector.shape_cast %reduce_sum3A_47 : vector<40xf32> to vector<1x40xf32>
      %sub3A = arith.constant 1.000000e+00 : f32
      %sub3A_49 = vector.broadcast %sub3A : f32 to vector<1x40xf32>
      %sub3A_50 = arith.subf %broadcast_in_dim3A_48, %sub3A_49 : vector<1x40xf32>
      %reduce_sum3A_51 = vector.shape_cast %floor3A : vector<16x1xf32> to vector<1x16x1xf32>
      %reduce_sum3A_52 = arith.constant dense<0.000000e+00> : vector<1xf32>
      %reduce_sum3A_53 = vector.multi_reduction <add>, %reduce_sum3A_51, %reduce_sum3A_52 [1, 2] : vector<1x16x1xf32> to vector<1xf32>
      %reduce_sum3A_54 = vector.shape_cast %reduce_sum3A_53 : vector<1xf32> to vector<1x1x1xf32>
      %reduce_sum3A_55 = vector.extract %reduce_sum3A_54[0, 0, 0] : f32 from vector<1x1x1xf32>
      %iota3A_56 = tpu.iota {dimensions = array<i32: 1>} : vector<1x40xi32>
      %eq3A_57 = arith.constant 32 : i32
      %eq3A_58 = vector.broadcast %eq3A_57 : i32 to vector<1x40xi32>
      %eq3A_59 = arith.cmpi eq, %iota3A_56, %eq3A_58 : vector<1x40xi32>
      %broadcast_in_dim3A_60 = vector.broadcast %reduce_sum3A_55 : f32 to vector<1x40xf32>
      %select_n3A = arith.select %eq3A_59, %broadcast_in_dim3A_60, %sub3A_50 : vector<1x40xi1>, vector<1x40xf32>
      %convert_element_type3A_61 = arith.fptosi %select_n3A : vector<1x40xf32> to vector<1x40xi32>
      %swap3A_62 = arith.constant 0 : index
      %swap3A_63 = arith.constant 0 : index
      %swap3A_64 = vector.load %arg4[%swap3A_62, %swap3A_63] : memref<1x40xi32, #tpu.memory_space<vmem>>, vector<1x40xi32>
      tpu.vector_store %arg4[%swap3A_62, %swap3A_63], %convert_element_type3A_61 {strides = array<i32>} : memref<1x40xi32, #tpu.memory_space<vmem>>, vector<1x40xi32>,
    } else {
    }
    %eq3A_17 = arith.constant 1 : i32
    %eq3A_18 = arith.cmpi eq, %arg0, %eq3A_17 : i32
    %convert_element_type3A_19 = arith.extui %eq3A_18 : i1 to i32
    %cond3A_20 = arith.constant 0 : i32
    %cond3A_21 = arith.cmpi ne, %convert_element_type3A_19, %cond3A_20 : i32
    scf.if %cond3A_21 {
      %iota3A_22 = tpu.iota {dimensions = array<i32: 0>} : vector<256x256xi32>
      %iota3A_23 = tpu.iota {dimensions = array<i32: 1>} : vector<256x256xi32>
      %lt3A = arith.cmpi slt, %iota3A_22, %iota3A_23 : vector<256x256xi32>
      %convert_element_type3A_24 = arith.extui %lt3A : vector<256x256xi1> to vector<256x256xi32>
      %convert_element_type3A_25 = arith.sitofp %convert_element_type3A_24 : vector<256x256xi32> to vector<256x256xf32>
      %dot_general3A = arith.constant dense<0.000000e+00> : vector<16x256xf32>
      %dot_general3A_26 = tpu.matmul %convert_element_type3A_5, %convert_element_type3A_25, %dot_general3A {dimension_numbers = #tpu.dot_dimension_numbers<[1], [0], [0], [1], [0, 0, 1, 1], [], []>, transpose_lhs_hint = false} : vector<16x256xf32>, vector<256x256xf32>, vector<16x256xf32> -> vector<16x256xf32>
      %get3A_27 = arith.constant 0 : index
      %get3A_28 = arith.constant 0 : index
      %get3A_29 = vector.load %arg6[%get3A_27, %get3A_28] : memref<16x1xf32, #tpu.memory_space<vmem>>, vector<16x1xf32>
      %get3A_30 = arith.constant 0 : index
      %get3A_31 = arith.constant 0 : index
      %get3A_32 = vector.load %arg7[%get3A_30, %get3A_31] : memref<16x1xf32, #tpu.memory_space<vmem>>, vector<16x1xf32>
      %add3A = arith.addf %get3A_29, %get3A_32 : vector<16x1xf32>
      %add3A_33 = vector.broadcast %add3A : vector<16x1xf32> to vector<16x256xf32>
      %add3A_34 = arith.addf %dot_general3A_26, %add3A_33 : vector<16x256xf32>
      %mul3A = arith.mulf %convert_element_type3A_5, %add3A_34 : vector<16x256xf32>
      %reduce_sum3A = arith.constant dense<0.000000e+00> : vector<256xf32>
      %reduce_sum3A_35 = vector.multi_reduction <add>, %mul3A, %reduce_sum3A [0] : vector<16x256xf32> to vector<256xf32>
      %broadcast_in_dim3A = vector.shape_cast %reduce_sum3A_35 : vector<256xf32> to vector<1x256xf32>
      %convert_element_type3A_36 = arith.fptosi %broadcast_in_dim3A : vector<1x256xf32> to vector<1x256xi32>
      %reshape3A = vector.shape_cast %convert_element_type3A_36 : vector<1x256xi32> to vector<1x1x256xi32>
      %swap3A = arith.constant 0 : index
      %swap3A_37 = arith.constant 0 : index
      %swap3A_38 = arith.constant 0 : index
      %swap3A_39 = vector.load %arg3[%swap3A, %swap3A_37, %swap3A_38] : memref<1x1x256xi32, #tpu.memory_space<vmem>>, vector<1x1x256xi32>
      tpu.vector_store %arg3[%swap3A, %swap3A_37, %swap3A_38], %reshape3A {strides = array<i32>} : memref<1x1x256xi32, #tpu.memory_space<vmem>>, vector<1x1x256xi32>,
      %get3A_40 = arith.constant 0 : index
      %get3A_41 = arith.constant 0 : index
      %get3A_42 = vector.load %arg6[%get3A_40, %get3A_41] : memref<16x1xf32, #tpu.memory_space<vmem>>, vector<16x1xf32>
      %reduce_sum3A_43 = arith.constant dense<0.000000e+00> : vector<16xf32>
      %reduce_sum3A_44 = vector.multi_reduction <add>, %convert_element_type3A_5, %reduce_sum3A_43 [1] : vector<16x256xf32> to vector<16xf32>
      %broadcast_in_dim3A_45 = vector.shape_cast %reduce_sum3A_44 : vector<16xf32> to vector<16x1xf32>
      %add3A_46 = arith.addf %get3A_42, %broadcast_in_dim3A_45 : vector<16x1xf32>
      %swap3A_47 = arith.constant 0 : index
      %swap3A_48 = arith.constant 0 : index
      %swap3A_49 = vector.load %arg6[%swap3A_47, %swap3A_48] : memref<16x1xf32, #tpu.memory_space<vmem>>, vector<16x1xf32>
      tpu.vector_store %arg6[%swap3A_47, %swap3A_48], %add3A_46 {strides = array<i32>} : memref<16x1xf32, #tpu.memory_space<vmem>>, vector<16x1xf32>,
    } else {
    }
    return
  }
  func.func @transform_0(%arg0: i32, %arg1: i32) -> (i32, i32, i32) {
    %c0_i32 = arith.constant 0 : i32
    %c0_i32_0 = arith.constant 0 : i32
    %c0_i32_1 = arith.constant 0 : i32
    return %arg1, %c0_i32, %c0_i32_0 : i32, i32, i32
  }
  func.func @transform_1(%arg0: i32, %arg1: i32) -> (i32, i32, i32) {
    %c0_i32 = arith.constant 0 : i32
    %c0_i32_0 = arith.constant 0 : i32
    %c0_i32_1 = arith.constant 0 : i32
    return %arg1, %c0_i32, %c0_i32_0 : i32, i32, i32
  }
  func.func @transform_2(%arg0: i32, %arg1: i32) -> (i32, i32) {
    %c0_i32 = arith.constant 0 : i32
    %c0_i32_0 = arith.constant 0 : i32
    %c0_i32_1 = arith.constant 0 : i32
    return %c0_i32, %c0_i32_0 : i32, i32
  }
}

module attributes {stable_mosaic.version = 14 : i64} {
  func.func @_k3_body(%arg0: i32, %arg1: memref<40xi32, #tpu.memory_space<smem>>, %arg2: memref<256x1024xf32, #tpu.memory_space<vmem>>, %arg3: memref<1x1024x2048xf32, #tpu.memory_space<vmem>>, %arg4: memref<1x1024x1024xf32, #tpu.memory_space<vmem>>, %arg5: memref<1x1024x4xf32, #tpu.memory_space<vmem>>, %arg6: memref<1x4x2048xf32, #tpu.memory_space<vmem>>, %arg7: memref<1x1024x4xf32, #tpu.memory_space<vmem>>, %arg8: memref<1x4x1024xf32, #tpu.memory_space<vmem>>, %arg9: memref<1x1x2048xf32, #tpu.memory_space<vmem>>, %arg10: memref<1x1x1024xf32, #tpu.memory_space<vmem>>, %arg11: memref<2048x1024xbf16, #tpu.memory_space<vmem>>, %arg12: memref<256x1024xf32, #tpu.memory_space<vmem>>) attributes {dimension_semantics = [#tpu.dimension_semantics<arbitrary>], iteration_bounds = array<i64: 32>, scalar_prefetch = 1 : i64, scratch_operands = 0 : i64, tpu.core_type = #tpu.core_type<tc>, window_params = [{transform_indices = @transform_0, window_bounds = array<i64: 256, 1024>}, {transform_indices = @transform_1, window_bounds = array<i64: 1, 1024, 2048>}, {transform_indices = @transform_2, window_bounds = array<i64: 1, 1024, 1024>}, {transform_indices = @transform_3, window_bounds = array<i64: 1, 1024, 4>}, {transform_indices = @transform_4, window_bounds = array<i64: 1, 4, 2048>}, {transform_indices = @transform_5, window_bounds = array<i64: 1, 1024, 4>}, {transform_indices = @transform_6, window_bounds = array<i64: 1, 4, 1024>}, {transform_indices = @transform_7, window_bounds = array<i64: 1, 1, 2048>}, {transform_indices = @transform_8, window_bounds = array<i64: 1, 1, 1024>}, {pipeline_mode = #tpu.pipeline_mode<synchronous>, transform_indices = @transform_9, window_bounds = array<i64: 2048, 1024>}, {transform_indices = @transform_10, window_bounds = array<i64: 256, 1024>}]} {
    %get3A = arith.constant 32 : index
    %get3A_0 = memref.load %arg1[%get3A] : memref<40xi32, #tpu.memory_space<smem>>
    %lt3A = arith.cmpi slt, %arg0, %get3A_0 : i32
    %convert_element_type3A = arith.extui %lt3A : i1 to i32
    %cond3A = arith.constant 0 : i32
    %cond3A_1 = arith.cmpi ne, %convert_element_type3A, %cond3A : i32
    scf.if %cond3A_1 {
      %get3A_2 = arith.constant 0 : index
      %get3A_3 = arith.constant 0 : index
      %get3A_4 = vector.load %arg2[%get3A_2, %get3A_3] : memref<256x1024xf32, #tpu.memory_space<vmem>>, vector<256x1024xf32>
      %convert_element_type3A_5 = arith.truncf %get3A_4 : vector<256x1024xf32> to vector<256x1024xbf16>
      %get3A_6 = arith.constant 0 : index
      %get3A_7 = arith.constant 0 : index
      %get3A_8 = arith.constant 0 : index
      %get3A_9 = vector.load %arg3[%get3A_6, %get3A_7, %get3A_8] : memref<1x1024x2048xf32, #tpu.memory_space<vmem>>, vector<1x1024x2048xf32>
      %get3A_10 = vector.shape_cast %get3A_9 : vector<1x1024x2048xf32> to vector<1024x2048xf32>
      %convert_element_type3A_11 = arith.truncf %get3A_10 : vector<1024x2048xf32> to vector<1024x2048xbf16>
      %get3A_12 = arith.constant 0 : index
      %get3A_13 = arith.constant 0 : index
      %get3A_14 = arith.constant 0 : index
      %get3A_15 = vector.load %arg5[%get3A_12, %get3A_13, %get3A_14] : memref<1x1024x4xf32, #tpu.memory_space<vmem>>, vector<1x1024x4xf32>
      %get3A_16 = vector.shape_cast %get3A_15 : vector<1x1024x4xf32> to vector<1024x4xf32>
      %convert_element_type3A_17 = arith.truncf %get3A_16 : vector<1024x4xf32> to vector<1024x4xbf16>
      %dot_general3A = arith.constant dense<0.000000e+00> : vector<256x4xf32>
      %dot_general3A_18 = tpu.matmul %convert_element_type3A_5, %convert_element_type3A_17, %dot_general3A {dimension_numbers = #tpu.dot_dimension_numbers<[1], [0], [0], [1], [0, 0, 1, 1], [], []>, transpose_lhs_hint = false} : vector<256x1024xbf16>, vector<1024x4xbf16>, vector<256x4xf32> -> vector<256x4xf32>
      %mul3A = arith.constant 2.500000e-01 : f32
      %mul3A_19 = vector.broadcast %mul3A : f32 to vector<256x4xf32>
      %mul3A_20 = arith.mulf %dot_general3A_18, %mul3A_19 : vector<256x4xf32>
      %convert_element_type3A_21 = arith.truncf %mul3A_20 : vector<256x4xf32> to vector<256x4xbf16>
      %dot_general3A_22 = arith.constant dense<0.000000e+00> : vector<256x2048xf32>
      %dot_general3A_23 = tpu.matmul %convert_element_type3A_5, %convert_element_type3A_11, %dot_general3A_22 {dimension_numbers = #tpu.dot_dimension_numbers<[1], [0], [0], [1], [0, 0, 1, 1], [], []>, transpose_lhs_hint = false} : vector<256x1024xbf16>, vector<1024x2048xbf16>, vector<256x2048xf32> -> vector<256x2048xf32>
      %get3A_24 = arith.constant 0 : index
      %get3A_25 = arith.constant 0 : index
      %get3A_26 = arith.constant 0 : index
      %get3A_27 = vector.load %arg6[%get3A_24, %get3A_25, %get3A_26] : memref<1x4x2048xf32, #tpu.memory_space<vmem>>, vector<1x4x2048xf32>
      %get3A_28 = vector.shape_cast %get3A_27 : vector<1x4x2048xf32> to vector<4x2048xf32>
      %convert_element_type3A_29 = arith.truncf %get3A_28 : vector<4x2048xf32> to vector<4x2048xbf16>
      %dot_general3A_30 = arith.constant dense<0.000000e+00> : vector<256x2048xf32>
      %dot_general3A_31 = tpu.matmul %convert_element_type3A_21, %convert_element_type3A_29, %dot_general3A_30 {dimension_numbers = #tpu.dot_dimension_numbers<[1], [0], [0], [1], [0, 0, 1, 1], [], []>, transpose_lhs_hint = false} : vector<256x4xbf16>, vector<4x2048xbf16>, vector<256x2048xf32> -> vector<256x2048xf32>
      %add3A = arith.addf %dot_general3A_23, %dot_general3A_31 : vector<256x2048xf32>
      %get3A_32 = arith.constant 0 : index
      %get3A_33 = arith.constant 0 : index
      %get3A_34 = arith.constant 0 : index
      %get3A_35 = vector.load %arg9[%get3A_32, %get3A_33, %get3A_34] : memref<1x1x2048xf32, #tpu.memory_space<vmem>>, vector<1x1x2048xf32>
      %get3A_36 = vector.shape_cast %get3A_35 : vector<1x1x2048xf32> to vector<1x2048xf32>
      %add3A_37 = vector.broadcast %get3A_36 : vector<1x2048xf32> to vector<256x2048xf32>
      %add3A_38 = arith.addf %add3A, %add3A_37 : vector<256x2048xf32>
      %slice3A = vector.extract_strided_slice %add3A_38 {offsets = [0, 1], sizes = [256, 2047], strides = [1, 1]} : vector<256x2048xf32> to vector<256x2047xf32>
      %slice3A_39 = vector.extract_strided_slice %add3A_38 {offsets = [0, 0], sizes = [256, 1], strides = [1, 1]} : vector<256x2048xf32> to vector<256x1xf32>
      %concatenate3A = tpu.concatenate %slice3A, %slice3A_39 in 1 : vector<256x2047xf32>, vector<256x1xf32> -> vector<256x2048xf32>
      %min3A = arith.constant 7.000000e+00 : f32
      %min3A_40 = vector.broadcast %min3A : f32 to vector<256x2048xf32>
      %min3A_41 = arith.minimumf %add3A_38, %min3A_40 : vector<256x2048xf32>
      %jit3A = arith.constant -7.000000e+00 : f32
      %jit3A_42 = arith.constant 7.000000e+00 : f32
      %max3A = vector.broadcast %jit3A : f32 to vector<256x2048xf32>
      %max3A_43 = arith.maximumf %max3A, %concatenate3A : vector<256x2048xf32>
      %min3A_44 = vector.broadcast %jit3A_42 : f32 to vector<256x2048xf32>
      %min3A_45 = arith.minimumf %min3A_44, %max3A_43 : vector<256x2048xf32>
      %mul3A_46 = arith.constant -1.702000e+00 : f32
      %mul3A_47 = vector.broadcast %mul3A_46 : f32 to vector<256x2048xf32>
      %mul3A_48 = arith.mulf %mul3A_47, %min3A_41 : vector<256x2048xf32>
      %exp3A = math.exp %mul3A_48 : vector<256x2048xf32>
      %add3A_49 = arith.constant 1.000000e+00 : f32
      %add3A_50 = vector.broadcast %add3A_49 : f32 to vector<256x2048xf32>
      %add3A_51 = arith.addf %add3A_50, %exp3A : vector<256x2048xf32>
      %div3A = arith.constant 1.000000e+00 : f32
      %div3A_52 = vector.broadcast %div3A : f32 to vector<256x2048xf32>
      %div3A_53 = arith.divf %div3A_52, %add3A_51 : vector<256x2048xf32>
      %mul3A_54 = arith.mulf %min3A_41, %div3A_53 : vector<256x2048xf32>
      %add3A_55 = arith.constant 1.000000e+00 : f32
      %add3A_56 = vector.broadcast %add3A_55 : f32 to vector<256x2048xf32>
      %add3A_57 = arith.addf %min3A_45, %add3A_56 : vector<256x2048xf32>
      %mul3A_58 = arith.mulf %add3A_57, %mul3A_54 : vector<256x2048xf32>
      %convert_element_type3A_59 = arith.truncf %mul3A_58 : vector<256x2048xf32> to vector<256x2048xbf16>
      %get3A_60 = arith.constant 0 : index
      %get3A_61 = arith.constant 0 : index
      %get3A_62 = vector.load %arg11[%get3A_60, %get3A_61] : memref<2048x1024xbf16, #tpu.memory_space<vmem>>, vector<2048x1024xbf16>
      %dot_general3A_63 = arith.constant dense<0.000000e+00> : vector<256x1024xf32>
      %dot_general3A_64 = tpu.matmul %convert_element_type3A_59, %get3A_62, %dot_general3A_63 {dimension_numbers = #tpu.dot_dimension_numbers<[1], [0], [0], [1], [0, 0, 1, 1], [], []>, transpose_lhs_hint = false} : vector<256x2048xbf16>, vector<2048x1024xbf16>, vector<256x1024xf32> -> vector<256x1024xf32>
      %convert_element_type3A_65 = arith.truncf %dot_general3A_64 : vector<256x1024xf32> to vector<256x1024xbf16>
      %get3A_66 = arith.constant 0 : index
      %get3A_67 = arith.constant 0 : index
      %get3A_68 = arith.constant 0 : index
      %get3A_69 = vector.load %arg7[%get3A_66, %get3A_67, %get3A_68] : memref<1x1024x4xf32, #tpu.memory_space<vmem>>, vector<1x1024x4xf32>
      %get3A_70 = vector.shape_cast %get3A_69 : vector<1x1024x4xf32> to vector<1024x4xf32>
      %convert_element_type3A_71 = arith.truncf %get3A_70 : vector<1024x4xf32> to vector<1024x4xbf16>
      %dot_general3A_72 = arith.constant dense<0.000000e+00> : vector<256x4xf32>
      %dot_general3A_73 = tpu.matmul %convert_element_type3A_65, %convert_element_type3A_71, %dot_general3A_72 {dimension_numbers = #tpu.dot_dimension_numbers<[1], [0], [0], [1], [0, 0, 1, 1], [], []>, transpose_lhs_hint = false} : vector<256x1024xbf16>, vector<1024x4xbf16>, vector<256x4xf32> -> vector<256x4xf32>
      %mul3A_74 = arith.constant 2.500000e-01 : f32
      %mul3A_75 = vector.broadcast %mul3A_74 : f32 to vector<256x4xf32>
      %mul3A_76 = arith.mulf %dot_general3A_73, %mul3A_75 : vector<256x4xf32>
      %convert_element_type3A_77 = arith.truncf %mul3A_76 : vector<256x4xf32> to vector<256x4xbf16>
      %get3A_78 = arith.constant 0 : index
      %get3A_79 = arith.constant 0 : index
      %get3A_80 = arith.constant 0 : index
      %get3A_81 = vector.load %arg4[%get3A_78, %get3A_79, %get3A_80] : memref<1x1024x1024xf32, #tpu.memory_space<vmem>>, vector<1x1024x1024xf32>
      %get3A_82 = vector.shape_cast %get3A_81 : vector<1x1024x1024xf32> to vector<1024x1024xf32>
      %convert_element_type3A_83 = arith.truncf %get3A_82 : vector<1024x1024xf32> to vector<1024x1024xbf16>
      %dot_general3A_84 = arith.constant dense<0.000000e+00> : vector<256x1024xf32>
      %dot_general3A_85 = tpu.matmul %convert_element_type3A_65, %convert_element_type3A_83, %dot_general3A_84 {dimension_numbers = #tpu.dot_dimension_numbers<[1], [0], [0], [1], [0, 0, 1, 1], [], []>, transpose_lhs_hint = false} : vector<256x1024xbf16>, vector<1024x1024xbf16>, vector<256x1024xf32> -> vector<256x1024xf32>
      %get3A_86 = arith.constant 0 : index
      %get3A_87 = arith.constant 0 : index
      %get3A_88 = arith.constant 0 : index
      %get3A_89 = vector.load %arg8[%get3A_86, %get3A_87, %get3A_88] : memref<1x4x1024xf32, #tpu.memory_space<vmem>>, vector<1x4x1024xf32>
      %get3A_90 = vector.shape_cast %get3A_89 : vector<1x4x1024xf32> to vector<4x1024xf32>
      %convert_element_type3A_91 = arith.truncf %get3A_90 : vector<4x1024xf32> to vector<4x1024xbf16>
      %dot_general3A_92 = arith.constant dense<0.000000e+00> : vector<256x1024xf32>
      %dot_general3A_93 = tpu.matmul %convert_element_type3A_77, %convert_element_type3A_91, %dot_general3A_92 {dimension_numbers = #tpu.dot_dimension_numbers<[1], [0], [0], [1], [0, 0, 1, 1], [], []>, transpose_lhs_hint = false} : vector<256x4xbf16>, vector<4x1024xbf16>, vector<256x1024xf32> -> vector<256x1024xf32>
      %add3A_94 = arith.addf %dot_general3A_85, %dot_general3A_93 : vector<256x1024xf32>
      %get3A_95 = arith.constant 0 : index
      %get3A_96 = arith.constant 0 : index
      %get3A_97 = arith.constant 0 : index
      %get3A_98 = vector.load %arg10[%get3A_95, %get3A_96, %get3A_97] : memref<1x1x1024xf32, #tpu.memory_space<vmem>>, vector<1x1x1024xf32>
      %get3A_99 = vector.shape_cast %get3A_98 : vector<1x1x1024xf32> to vector<1x1024xf32>
      %add3A_100 = vector.broadcast %get3A_99 : vector<1x1024xf32> to vector<256x1024xf32>
      %add3A_101 = arith.addf %add3A_94, %add3A_100 : vector<256x1024xf32>
      %swap3A = arith.constant 0 : index
      %swap3A_102 = arith.constant 0 : index
      %swap3A_103 = vector.load %arg12[%swap3A, %swap3A_102] : memref<256x1024xf32, #tpu.memory_space<vmem>>, vector<256x1024xf32>
      tpu.vector_store %arg12[%swap3A, %swap3A_102], %add3A_101 {strides = array<i32>} : memref<256x1024xf32, #tpu.memory_space<vmem>>, vector<256x1024xf32>,
    } else {
    }
    return
  }
  func.func @transform_0(%arg0: i32, %arg1: memref<40xi32, #tpu.memory_space<smem>>) -> (i32, i32) {
    %c0_i32 = arith.constant 0 : i32
    %c0_i32_0 = arith.constant 0 : i32
    return %arg0, %c0_i32 : i32, i32
  }
  func.func @transform_1(%arg0: i32, %arg1: memref<40xi32, #tpu.memory_space<smem>>) -> (i32, i32, i32) {
    %get3A = arith.index_cast %arg0 : i32 to index
    %get3A_0 = memref.load %arg1[%get3A] : memref<40xi32, #tpu.memory_space<smem>>
    %c0_i32 = arith.constant 0 : i32
    %c0_i32_1 = arith.constant 0 : i32
    %c0_i32_2 = arith.constant 0 : i32
    return %get3A_0, %c0_i32, %c0_i32_1 : i32, i32, i32
  }
  func.func @transform_2(%arg0: i32, %arg1: memref<40xi32, #tpu.memory_space<smem>>) -> (i32, i32, i32) {
    %get3A = arith.index_cast %arg0 : i32 to index
    %get3A_0 = memref.load %arg1[%get3A] : memref<40xi32, #tpu.memory_space<smem>>
    %c0_i32 = arith.constant 0 : i32
    %c0_i32_1 = arith.constant 0 : i32
    %c0_i32_2 = arith.constant 0 : i32
    return %get3A_0, %c0_i32, %c0_i32_1 : i32, i32, i32
  }
  func.func @transform_3(%arg0: i32, %arg1: memref<40xi32, #tpu.memory_space<smem>>) -> (i32, i32, i32) {
    %get3A = arith.index_cast %arg0 : i32 to index
    %get3A_0 = memref.load %arg1[%get3A] : memref<40xi32, #tpu.memory_space<smem>>
    %c0_i32 = arith.constant 0 : i32
    %c0_i32_1 = arith.constant 0 : i32
    %c0_i32_2 = arith.constant 0 : i32
    return %get3A_0, %c0_i32, %c0_i32_1 : i32, i32, i32
  }
  func.func @transform_4(%arg0: i32, %arg1: memref<40xi32, #tpu.memory_space<smem>>) -> (i32, i32, i32) {
    %get3A = arith.index_cast %arg0 : i32 to index
    %get3A_0 = memref.load %arg1[%get3A] : memref<40xi32, #tpu.memory_space<smem>>
    %c0_i32 = arith.constant 0 : i32
    %c0_i32_1 = arith.constant 0 : i32
    %c0_i32_2 = arith.constant 0 : i32
    return %get3A_0, %c0_i32, %c0_i32_1 : i32, i32, i32
  }
  func.func @transform_5(%arg0: i32, %arg1: memref<40xi32, #tpu.memory_space<smem>>) -> (i32, i32, i32) {
    %get3A = arith.index_cast %arg0 : i32 to index
    %get3A_0 = memref.load %arg1[%get3A] : memref<40xi32, #tpu.memory_space<smem>>
    %c0_i32 = arith.constant 0 : i32
    %c0_i32_1 = arith.constant 0 : i32
    %c0_i32_2 = arith.constant 0 : i32
    return %get3A_0, %c0_i32, %c0_i32_1 : i32, i32, i32
  }
  func.func @transform_6(%arg0: i32, %arg1: memref<40xi32, #tpu.memory_space<smem>>) -> (i32, i32, i32) {
    %get3A = arith.index_cast %arg0 : i32 to index
    %get3A_0 = memref.load %arg1[%get3A] : memref<40xi32, #tpu.memory_space<smem>>
    %c0_i32 = arith.constant 0 : i32
    %c0_i32_1 = arith.constant 0 : i32
    %c0_i32_2 = arith.constant 0 : i32
    return %get3A_0, %c0_i32, %c0_i32_1 : i32, i32, i32
  }
  func.func @transform_7(%arg0: i32, %arg1: memref<40xi32, #tpu.memory_space<smem>>) -> (i32, i32, i32) {
    %get3A = arith.index_cast %arg0 : i32 to index
    %get3A_0 = memref.load %arg1[%get3A] : memref<40xi32, #tpu.memory_space<smem>>
    %c0_i32 = arith.constant 0 : i32
    %c0_i32_1 = arith.constant 0 : i32
    %c0_i32_2 = arith.constant 0 : i32
    return %get3A_0, %c0_i32, %c0_i32_1 : i32, i32, i32
  }
  func.func @transform_8(%arg0: i32, %arg1: memref<40xi32, #tpu.memory_space<smem>>) -> (i32, i32, i32) {
    %get3A = arith.index_cast %arg0 : i32 to index
    %get3A_0 = memref.load %arg1[%get3A] : memref<40xi32, #tpu.memory_space<smem>>
    %c0_i32 = arith.constant 0 : i32
    %c0_i32_1 = arith.constant 0 : i32
    %c0_i32_2 = arith.constant 0 : i32
    return %get3A_0, %c0_i32, %c0_i32_1 : i32, i32, i32
  }
  func.func @transform_9(%arg0: i32, %arg1: memref<40xi32, #tpu.memory_space<smem>>) -> (i32, i32) {
    %c0_i32 = arith.constant 0 : i32
    %c0_i32_0 = arith.constant 0 : i32
    %c0_i32_1 = arith.constant 0 : i32
    return %c0_i32, %c0_i32_0 : i32, i32
  }
  func.func @transform_10(%arg0: i32, %arg1: memref<40xi32, #tpu.memory_space<smem>>) -> (i32, i32) {
    %c0_i32 = arith.constant 0 : i32
    %c0_i32_0 = arith.constant 0 : i32
    return %arg0, %c0_i32 : i32, i32
  }
}

</mosaic_0001>

<sc_bundles>
// kernel: kernel.6.cloned.1.call-start
scs
__scs_entry_jumppad:
0x0: {  	(pc) =	sbr.rel $0x88, $3  }
0x1: {  	(tag) =	ssettag $0x0;
	lr =	simm.s32 $0x1  }
0x2: {  	[smem:$0x3F96] =	sst lr;
	_ =	strace $0xD0000000  }
0x3: {  	_ = 	snop  }
0x4: {  	_ = 	snop  }
0x5: {  	_ = 	snop  }
0x6: {  	_ = 	snop  }
0x7: {  	_ = 	snop  }
__scs_overlays_trampoline_lowered:
0x8: {  	[smem:$0x3FA5] =	sst s0  }
0x9: {  	[smem:$0x3FA6] =	sst s1  }
0xa: {  	[smem:$0x3FA7] =	sst s2  }
0xb: {  	[smem:$0x3FA8] =	sst s3  }
0xc: {  	[smem:$0x3FA9] =	sst s4  }
0xd: {  	[smem:$0x3FAA] =	sst s5  }
0xe: {  	[smem:$0x3FAB] =	sst s6  }
0xf: {  	[smem:$0x3FAC] =	sst s7  }
0x10: {  	[smem:$0x3FAD] =	sst s8  }
0x11: {  	[smem:$0x3FAE] =	sst s9;
	s0 =	simm.s32 @!p0 $0x0  }
0x12: {  	s1 =	sld [smem:$0x3F94];
	s0 =	simm.s32 @p0 $0x1  }
0x13: {  	[smem:$0x3FAF] =	sst s0;
	s0 =	simm.s32 @!p1 $0x0  }
0x14: {  	s2 =	sld [smem:$0x3F93];
	s0 =	simm.s32 @p1 $0x1  }
0x15: {  	[smem:$0x3FB0] =	sst s0;
	s0 =	simm.s32 @!p2 $0x0  }
0x16: {  	s3 =	sld [smem:$0x3FDB];
	s0 =	simm.s32 @p2 $0x1  }
0x17: {  	s4 =	simm.s32 $0x1BF5;
	[smem:$0x3FB2] =	sst s0  }
0x18: {  	s0 =	sld [smem:$0x3F95];
	_ =	swait.ge [sflag:s4], $0x0  }
0x19: {  	s7 =	sld [smem:$0x3F96]  }
0x1a: {  	s8 =	sadd.s32 $0xFFFFE003, lr  }
0x1b: {  	s9 =	sadd.s32 $0xFFFFFEF7, lr;
	s5 =	simm.s32 $0xFFFFFFFF;
	p2 =	slt.u32 s8, $0xFFFFF086  }
0x1c: {  	p1 =	slt.u32 s9, $0xF7A;
	s5 =	simm.s32 @!p2 $0x0  }
0x1d: {  	s5 =	simm.s32 @p1 $0x1;
	p0 =	seq.s32 s7, s2  }
0x1e: {  	s7 =	smul.u32 @!p0 $0xF7A, s2;
	p2 =	seq.s32 @!p0 s5, $0x0  }
0x1f: {  	s9 =	smul.u32 $0xF7A, s1;
	s8 =	simm.s32 @!p0 $0x1BF5;
	p2 =	por !p2, p0  }
0x20: {  	[sflag:s8] =	ssyncset.s32 @!p0 $0xFFFFF086;
	s6 =	sadd.s32 @!p0 s3, s7;
	s7 =	simm.s32 @!p0 $0x108  }
0x21: {  	s3 =	sadd.s32 s3, s9;
	s6 =	sadd.s32 @!p0 $0x88, s6;
	s7 =	simm.s32 @p2 $0x1082  }
0x22: {  	[simem:s7], [sflag:s8] =	dma.local @!p0 [hbm:s6], $0xF7A  }
0x23: {  	s9 =	sor.u32 $0xD0000000, s2;
	s6 =	simm.s32 $0x108;
	_ =	swait.ge @!p0 [sflag:s8], $0x0  }
0x24: {  	s3 =	sadd.s32 $0x88, s3;
	s6 =	simm.s32 @!p1 $0x1082;
	[sflag:s4] =	ssyncset.s32 $0xFFFFF086  }
0x25: {  	[simem:s6], [sflag:s4] =	dma.local [hbm:s3], $0xF7A  }
0x26: {  	[smem:$0x3F96] =	sst s1;
	(tag) =	ssettag s2;
	_ =	strace s9  }
0x27: {  	s1 =	sld [smem:$0x3FA6]  }
0x28: {  	s2 =	sld [smem:$0x3FA7]  }
0x29: {  	s4 =	sld [smem:$0x3FA9]  }
0x2a: {  	p0 =	seq.s32 s5, $0x0;
	s5 =	sld [smem:$0x3FAA]  }
0x2b: {  	s6 =	sld [smem:$0x3FAB]  }
0x2c: {  	s7 =	sld [smem:$0x3FAC]  }
0x2d: {  	s3 =	simm.s32 $0x108;
	s8 =	sld [smem:$0x3FAD]  }
0x2e: {  	s3 =	simm.s32 @!p0 $0x1082;
	s9 =	sld [smem:$0x3FAE]  }
0x2f: {  	lr =	sadd.s32 s0, s3;
	s0 =	sld [smem:$0x3FA5]  }
0x30: {  	s3 =	sld [smem:$0x3FA8]  }
0x31: {  	[smem:$0x3FB1] =	sst s10  }
0x32: {  	s10 =	sld [smem:$0x3FAF];
	_ =	sdelay $0x3  }
0x33: {  	p0 =	seq.s32 s10, $0x1;
	s10 =	sld [smem:$0x3FB1];
	_ =	sdelay $0x3  }
0x34: {  	[smem:$0x3FB1] =	sst s10  }
0x35: {  	s10 =	sld [smem:$0x3FB0];
	_ =	sdelay $0x3  }
0x36: {  	p1 =	seq.s32 s10, $0x1;
	s10 =	sld [smem:$0x3FB1];
	_ =	sdelay $0x3  }
0x37: {  	[smem:$0x3FB1] =	sst s10  }
0x38: {  	s10 =	sld [smem:$0x3FB2]  }
0x39: {  	_ = 	snop;
	(pc) =	sbr.ind lr, $3  }
0x3a: {  	_ = 	snop  }
0x3b: {  	_ = 	snop  }
0x3c: {  	p2 =	seq.s32 s10, $0x1;
	s10 =	sld [smem:$0x3FB1]  }
0x3d: {  	_ =	shalt  }
0x3e: {  	_ =	shalt  }
0x3f: {  	_ =	shalt  }
0x40: {  	_ =	shalt  }
0x41: {  	_ =	shalt  }
0x42: {  	_ =	shalt  }
0x43: {  	_ =	shalt  }
0x44: {  	_ =	shalt  }
0x45: {  	_ =	shalt  }
0x46: {  	_ =	shalt  }
0x47: {  	_ =	shalt  }
0x48: {  	_ =	shalt  }
0x49: {  	_ =	shalt  }
0x4a: {  	_ =	shalt  }
0x4b: {  	_ =	shalt  }
0x4c: {  	_ =	shalt  }
0x4d: {  	_ =	shalt  }
0x4e: {  	_ =	shalt  }
0x4f: {  	_ =	shalt  }
0x50: {  	_ =	shalt  }
0x51: {  	_ =	shalt  }
0x52: {  	_ =	shalt  }
0x53: {  	_ =	shalt  }
0x54: {  	_ =	shalt  }
0x55: {  	_ =	shalt  }
0x56: {  	_ =	shalt  }
0x57: {  	_ =	shalt  }
0x58: {  	_ =	shalt  }
0x59: {  	_ =	shalt  }
0x5a: {  	_ =	shalt  }
0x5b: {  	_ =	shalt  }
0x5c: {  	_ =	shalt  }
0x5d: {  	_ =	shalt  }
0x5e: {  	_ =	shalt  }
0x5f: {  	_ =	shalt  }
0x60: {  	_ =	shalt  }
0x61: {  	_ =	shalt  }
0x62: {  	_ =	shalt  }
0x63: {  	_ =	shalt  }
0x64: {  	_ =	shalt  }
0x65: {  	_ =	shalt  }
0x66: {  	_ =	shalt  }
0x67: {  	_ =	shalt  }
0x68: {  	_ =	shalt  }
0x69: {  	_ =	shalt  }
0x6a: {  	_ =	shalt  }
0x6b: {  	_ =	shalt  }
0x6c: {  	_ =	shalt  }
0x6d: {  	_ =	shalt  }
0x6e: {  	_ =	shalt  }
0x6f: {  	_ =	shalt  }
0x70: {  	_ =	shalt  }
0x71: {  	_ =	shalt  }
0x72: {  	_ =	shalt  }
0x73: {  	_ =	shalt  }
0x74: {  	_ =	shalt  }
0x75: {  	_ =	shalt  }
0x76: {  	_ =	shalt  }
0x77: {  	_ =	shalt  }
0x78: {  	_ =	shalt  }
0x79: {  	_ =	shalt  }
0x7a: {  	_ =	shalt  }
0x7b: {  	_ =	shalt  }
0x7c: {  	_ =	shalt  }
0x7d: {  	_ =	shalt  }
0x7e: {  	_ =	shalt  }
0x7f: {  	_ =	shalt  }
0x80: {  	_ =	shalt  }
0x81: {  	_ =	shalt  }
0x82: {  	_ =	shalt  }
0x83: {  	_ =	shalt  }
0x84: {  	_ =	shalt  }
0x85: {  	_ =	shalt  }
0x86: {  	_ =	shalt  }
0x87: {  	_ =	shalt  }
.Lfunc_end0:
.L_simem_size_0:
called_computation_lowered:
.L_overlay_start_0:
0x88: {  	s2 =	sld [smem:$0x3FD9]  }
0x89: {  	s3 =	sld [smem:$0x3FFE];
	_ =	sdelay $0x1  }
0x8a: {  	s1 =	srdreg.scid  }
0x8b: {  	s0 =	sand.u32 $0x1, s1  }
0x8c: {  	s17 =	sshll.u32 s0, $0xA;
	s2 =	sadd.s32 s3, s2  }
0x8d: {  	s2 =	sadd.s32 s2, s17  }
0x8e: {  	[smem:$0x3FBD] =	sst s2  }
0x8f: {  	_ = 	snop  }
0x90: {  	s2 =	sld [smem:$0x3FC9];
	(tm) =	ssettm $0x1  }
0x91: {  	s18 =	sld [smem:$0x3FFB];
	_ =	sdelay $0x3  }
0x92: {  	_ =	strace s18  }
0x93: {  	s3 =	sld [smem:$0x3FFC];
	_ =	sdelay $0x3  }
0x94: {  	_ =	strace s3  }
0x95: {  	s3 =	sld [smem:$0x3FFD];
	_ =	sdelay $0x3  }
0x96: {  	_ =	strace s3  }
0x97: {  	_ =	strace $0x8FFFFFFF  }
0x98: {  	s19 =	sld [smem:$0x3FDB];
	_ =	sdelay $0x1  }
0x99: {  	s4 =	simm.s32 $_scs_section_size  }
0x9a: {  	s5 =	simm.s32 $_size__tile_overlayer_lowered;
	s6 =	simm.s32 $_tile_overlayer_lowered  }
0x9b: {  	s22 =	simm.s32 $0x1BFF;
	s21 =	sshll.u32 s6, $0x1;
	s3 =	sadd.s32 s4, s19  }
0x9c: {  	s7 =	simm.s32 $0x0;
	s20 =	sshll.u32 s5, $0x1;
	s5 =	sadd.s32 s21, s3  }
0x9d: {  	[timem:s7], [sflag:s22] =	dma.local [hbm:s5], s20  }
0x9e: {  	_ =	swait.ge [sflag:s22], s20  }
0x9f: {  	s4 =	ssub.s32 $0x0, s20;
	[sflag:s22] =	ssyncset.done $0x0  }
0xa0: {  	[sflag:s22] =	ssyncadd.s32 s4;
	_ =	sdelay $0x1  }
0xa1: {  	s23 =	simm.s32 $0x1B8B  }
0xa2: {  	_ =	swait.ge [sflag:s23], $0x1  }
0xa3: {  	[sflag:s23] =	ssyncset.done $0x0  }
0xa4: {  	s25 =	simm.s32 $0x1B8E;
	s24 =	sld [smem:$0x3FFE];
	[sflag:s23] =	ssyncadd.s32 $0xFFFFFFFF  }
0xa5: {  	s26 =	simm.s32 $execute0_lowered;
	[smem:$0x3FD2] =	sst s25  }
0xa6: {  	s5 =	sshll.u32 s26, $0x1;
	_ =	strace $0x80000046;
	[dreg:$0x1] =	wrdreg $0xFFFFFFFF  }
0xa7: {  	s28 =	simm.s32 $_size_execute0_lowered;
	s3 =	sadd.s32 s3, s5;
	[dreg:$0x0] =	wrdreg $0x0  }
0xa8: {  	s5 =	sshll.u32 s28, $0x1;
	[dreg:$0x2] =	wrdreg s3  }
0xa9: {  	[dreg:$0x3] =	wrdreg s5  }
0xaa: {  	[dreg:$0x4] =	wrdreg $0xC0  }
0xab: {  	_ =	task [dreg:s7], $0x5FFFF  }
0xac: {  	[dreg:$0x1] =	wrdreg $0xFFFFFFFF  }
0xad: {  	[dreg:$0x0] =	wrdreg $0x60  }
0xae: {  	[dreg:$0x2] =	wrdreg s2  }
0xaf: {  	[dreg:$0x3] =	wrdreg s24  }
0xb0: {  	[dreg:$0x4] =	wrdreg $0x9  }
0xb1: {  	_ =	task.clear_ibuf [dreg:s7], $0x5FFFF;
	_ =	strace $0x90000046  }
0xb2: {  	s29 =	simm.s32 $0x9;
	_ =	strace $0x80000048  }
0xb3: {  	_ =	swait.ge [sflag:s29], $0x1  }
0xb4: {  	[sflag:s29] =	ssyncadd.s32 $0xFFFFFFFF  }
0xb5: {  	_ =	strace $0x90000048  }
0xb6: {  	_ =	sfence  }
0xb7: {  	s30 =	sld [smem:$0x0];
	_ =	sdelay $0x2  }
0xb8: {  	s31 =	sshll.u32 s1, $0xD;
	s1 =	sshrl.u32 s1, $0x2  }
0xb9: {  	s3 =	sand.u32 $0x4000, s31;
	s1 =	sadd.s32 s1, s30  }
0xba: {  	s0 =	sor.u32 s3, s0;
	s1 =	sshll.u32 s1, $0x11  }
0xbb: {  	s0 =	sor.u32 s1, s0  }
0xbc: {  	s0 =	sadd.s32 $0x8F2B, s0  }
0xbd: {  	[sflag:s0] =	ssyncadd.remote.s32 $0x1  }
0xbe: {  	_ =	sfence.sel $0xFFFF  }
0xbf: {  	[dreg:$0x0] =	wrdreg $0xFFFFFFFF;
	(pc) =	sbr.abs _section_cstart, $3  }
0xc0: {  	[dreg:$0x1] =	wrdreg $0xFFFFFFFF  }
0xc1: {  	_ =	task.clear_ibuf [dreg:s7], $0x2FFFF;
	_ =	strace $0x9FFFFFFF  }
0xc2: {  	(tm) =	ssettm $0x7FFFFFFF  }
0xc3: {  	_ =	shalt  }
tec
execute0_lowered:
.L_overlay_start_1:
0x0: {  	(tag) =	ssettag $0x1  }
0x1: {  	s0 =	srdreg.scid  }
0x2: {  	s2 =	stileid.u32;
	s1 =	rddreg [dreg:$0x0]  }
0x3: {  	s6 =	rddreg [dreg:$0x1];
	s25 =	simm.s32 $0x10000;
	s26 =	simm.s32 $0x10080  }
0x4: {  	s8 =	simm.s32 $0x3;
	s20 =	simm.s32 $0x1800;
	s21 =	simm.s32 $0x2000  }
0x5: {  	s22 =	simm.s32 $0x2800;
	s23 =	simm.s32 $0x3000;
	s28 =	simm.s32 $0x5000  }
0x6: {  	s29 =	simm.s32 $0x5800;
	s30 =	simm.s32 $0x6000;
	s31 =	simm.s32 $0x6800  }
0x7: {  	s9 =	simm.s32 $0x8000;
	s10 =	simm.s32 $0x8800;
	s11 =	simm.s32 $0x9000  }
0x8: {  	s12 =	simm.s32 $0x9800;
	s13 =	simm.s32 $0xA000;
	s14 =	simm.s32 $0xA800  }
0x9: {  	s15 =	simm.s32 $0xB000;
	s16 =	simm.s32 $0xB800;
	s0 =	sand.u32 $0x1, s0  }
0xa: {  	s17 =	simm.s32 $0xC000;
	s2 =	sshll.u32 s2, $0x7;
	s3 =	sshll.u32 s0, $0x6  }
0xb: {  	s0 =	ssub.s32 $0x2, s0;
	s3 =	sor.u32 s3, s2;
	s2 =	simm.s32 $0x0  }
0xc: {  	s24 =	sshrl.u32 s0, $0x1;
	s4 =	sshrl.u32 s3, $0x3;
	[smem:$0x7FF] =	sst s2  }
0xd: {  	s3 =	sshll.u32 s3, $0x7;
	s0 =	ssub.s32 s0, s24;
	s24 =	simm.s32 $0x3800  }
0xe: {  	s4 =	sadd.s32 s4, s6;
	_ =	strace $0x80000047;
	[dreg:$0x6] =	wrdreg s25  }
0xf: {  	s1 =	sadd.s32 s1, s3;
	s3 =	sadd.s32 $0x1E00, s6;
	[dreg:$0x7] =	wrdreg s26  }
0x10: {  	s7 =	smax.u32 s0, $0x1;
	s5 =	sadd.s32 $0x1C00, s4;
	[dreg:$0x5] =	wrdreg s1  }
0x11: {  	v2 =	vlaneseq.u32;
	s25 =	simm.s32 $0x4000;
	s4 =	sadd.s32 $0x1D00, s4;
	[dreg:$0x3] =	wrdreg s5  }
0x12: {  	vm0 =	vmmov $0xffff;
	v1 =	vshrl.u32 v2, $0x3;
	s26 =	simm.s32 $0x4800;
	s1 =	simm.s32 $0x7000;
	[dreg:$0x4] =	wrdreg s4  }
0x13: {  	v0 =	vand.u32 $0x7, v2;
	v2 =	vor.u32 $0x8, v2;
	v1 =	vmul.u32 $0x8, v1;
	s4 =	sadd.s32 $0x1F00, s6;
	s5 =	sadd.s32 $0x2000, s6;
	s6 =	sadd.s32 $0x2100, s6  }
.LBB2_1:
0x14: {  	s18 =	rddreg [dreg:$0x3]  }
0x15: {  	s19 =	rddreg [dreg:$0x6]  }
0x16: {  	[tilespmem:s19], [sflag:$0x3] =	stream.linear.gather [hbm4b:s18+s2], $0x40, $0x38;
	[tilespmem:$0x10100] =	vst v63  }
0x17: {  	_ =	swait.ge [sflag:s8], $0x40  }
0x18: {  	s19 =	rddreg [dreg:$0x4];
	[sflag:s8] =	ssyncset.done $0x0  }
0x19: {  	s0 =	rddreg [dreg:$0x7];
	[sflag:s8] =	ssyncadd.s32 $0xFFFFFFC0  }
0x1a: {  	[tilespmem:s0], [sflag:$0x3] =	stream.linear.gather [hbm4b:s19+s2], $0x40, $0x38;
	[tilespmem:$0x10100] =	vst v63  }
0x1b: {  	_ =	swait.ge [sflag:s8], $0x40  }
0x1c: {  	[sflag:s8] =	ssyncset.done $0x0  }
0x1d: {  	s0 =	rddreg [dreg:$0x5];
	[sflag:s8] =	ssyncadd.s32 $0xFFFFFFC0  }
0x1e: {  	[tilespmem:s2], [sflag:$0x3] =	stream.linear.gather [hbm4b:s0+s2], $0x10000, $0x38;
	[tilespmem:$0x10100] =	vst v63  }
0x1f: {  	_ =	swait.ge [sflag:s8], $0x10000  }
0x20: {  	[sflag:s8] =	ssyncset.done $0x0  }
0x21: {  	[sflag:s8] =	ssyncadd.s32 $0xFFFF0000  }
0x22: {  	v3 =	vld [tilespmem:$0x10000];
	_ =	sdelay $0x4  }
0x23: {  	v4 =	vshll.u32 v3, $0x3  }
0x24: {  	v3 =	vand.u32 $0x7, v3;
	v4 =	vand.u32 $0xFFFFFFC0, v4  }
0x25: {  	v3 =	vor.u32 v3, v4  }
0x26: {  	v4 =	vperm.xlane v3, v0;
	_ =	sdelay $0x1  }
0x27: {  	v4 =	vadd.s32 v1, v4;
	_ =	sdelay $0x4  }
0x28: {  	[hbm4b:s3+s2] =	stream.indirect_vreg.scatter [tilespmem:s2], [sflag:$0x1], $0x80, v4, vm0, $0xb8;
	[tilespmem:$0x10100] =	vst v63  }
0x29: {  	s18 =	simm.s32 $0x800;
	v3 =	vperm.xlane v3, v2  }
0x2a: {  	[hbm4b:s4+s2] =	stream.indirect_vreg.scatter [tilespmem:s18], [sflag:$0x1], $0x80, v4, vm0, $0xb8;
	[tilespmem:$0x10100] =	vst v63  }
0x2b: {  	s19 =	simm.s32 $0x1000;
	v3 =	vadd.s32 v1, v3  }
0x2c: {  	[hbm4b:s5+s2] =	stream.indirect_vreg.scatter [tilespmem:s19], [sflag:$0x1], $0x80, v4, vm0, $0xb8;
	[tilespmem:$0x10100] =	vst v63  }
0x2d: {  	_ = 	snop  }
0x2e: {  	[hbm4b:s6+s2] =	stream.indirect_vreg.scatter [tilespmem:s20], [sflag:$0x1], $0x80, v4, vm0, $0xb8;
	[tilespmem:$0x10100] =	vst v63  }
0x2f: {  	_ = 	snop  }
0x30: {  	[hbm4b:s3+s2] =	stream.indirect_vreg.scatter [tilespmem:s21], [sflag:$0x1], $0x80, v3, vm0, $0xb8;
	[tilespmem:$0x10100] =	vst v63  }
0x31: {  	_ = 	snop  }
0x32: {  	[hbm4b:s4+s2] =	stream.indirect_vreg.scatter [tilespmem:s22], [sflag:$0x1], $0x80, v3, vm0, $0xb8;
	[tilespmem:$0x10100] =	vst v63  }
0x33: {  	_ = 	snop  }
0x34: {  	[hbm4b:s5+s2] =	stream.indirect_vreg.scatter [tilespmem:s23], [sflag:$0x1], $0x80, v3, vm0, $0xb8;
	[tilespmem:$0x10100] =	vst v63  }
0x35: {  	_ = 	snop  }
0x36: {  	[hbm4b:s6+s2] =	stream.indirect_vreg.scatter [tilespmem:s24], [sflag:$0x1], $0x80, v3, vm0, $0xb8;
	[tilespmem:$0x10100] =	vst v63  }
0x37: {  	v3 =	vld [tilespmem:$0x10010];
	_ =	sdelay $0x4  }
0x38: {  	v57 =	vshll.u32 v3, $0x3  }
0x39: {  	v3 =	vand.u32 $0x7, v3;
	v4 =	vand.u32 $0xFFFFFFC0, v57  }
0x3a: {  	v3 =	vor.u32 v3, v4  }
0x3b: {  	v4 =	vperm.xlane v3, v0;
	_ =	sdelay $0x1  }
0x3c: {  	v4 =	vadd.s32 v1, v4;
	_ =	sdelay $0x4  }
0x3d: {  	[hbm4b:s3+s2] =	stream.indirect_vreg.scatter [tilespmem:s25], [sflag:$0x1], $0x80, v4, vm0, $0xb8;
	[tilespmem:$0x10100] =	vst v63  }
0x3e: {  	v3 =	vperm.xlane v3, v2  }
0x3f: {  	[hbm4b:s4+s2] =	stream.indirect_vreg.scatter [tilespmem:s26], [sflag:$0x1], $0x80, v4, vm0, $0xb8;
	[tilespmem:$0x10100] =	vst v63  }
0x40: {  	v3 =	vadd.s32 v1, v3  }
0x41: {  	[hbm4b:s5+s2] =	stream.indirect_vreg.scatter [tilespmem:s28], [sflag:$0x1], $0x80, v4, vm0, $0xb8;
	[tilespmem:$0x10100] =	vst v63  }
0x42: {  	_ = 	snop  }
0x43: {  	[hbm4b:s6+s2] =	stream.indirect_vreg.scatter [tilespmem:s29], [sflag:$0x1], $0x80, v4, vm0, $0xb8;
	[tilespmem:$0x10100] =	vst v63  }
0x44: {  	_ = 	snop  }
0x45: {  	[hbm4b:s3+s2] =	stream.indirect_vreg.scatter [tilespmem:s30], [sflag:$0x1], $0x80, v3, vm0, $0xb8;
	[tilespmem:$0x10100] =	vst v63  }
0x46: {  	_ = 	snop  }
0x47: {  	[hbm4b:s4+s2] =	stream.indirect_vreg.scatter [tilespmem:s31], [sflag:$0x1], $0x80, v3, vm0, $0xb8;
	[tilespmem:$0x10100] =	vst v63  }
0x48: {  	_ = 	snop  }
0x49: {  	[hbm4b:s5+s2] =	stream.indirect_vreg.scatter [tilespmem:s1], [sflag:$0x1], $0x80, v3, vm0, $0xb8;
	[tilespmem:$0x10100] =	vst v63  }
0x4a: {  	s0 =	simm.s32 $0x7800  }
0x4b: {  	[hbm4b:s6+s2] =	stream.indirect_vreg.scatter [tilespmem:s0], [sflag:$0x1], $0x80, v3, vm0, $0xb8;
	[tilespmem:$0x10100] =	vst v63  }
0x4c: {  	v3 =	vld [tilespmem:$0x10020];
	_ =	sdelay $0x4  }
0x4d: {  	v58 =	vshll.u32 v3, $0x3  }
0x4e: {  	v3 =	vand.u32 $0x7, v3;
	v4 =	vand.u32 $0xFFFFFFC0, v58  }
0x4f: {  	v3 =	vor.u32 v3, v4  }
0x50: {  	v4 =	vperm.xlane v3, v0;
	_ =	sdelay $0x1  }
0x51: {  	v4 =	vadd.s32 v1, v4;
	_ =	sdelay $0x4  }
0x52: {  	[hbm4b:s3+s2] =	stream.indirect_vreg.scatter [tilespmem:s9], [sflag:$0x1], $0x80, v4, vm0, $0xb8;
	[tilespmem:$0x10100] =	vst v63  }
0x53: {  	v3 =	vperm.xlane v3, v2  }
0x54: {  	[hbm4b:s4+s2] =	stream.indirect_vreg.scatter [tilespmem:s10], [sflag:$0x1], $0x80, v4, vm0, $0xb8;
	[tilespmem:$0x10100] =	vst v63  }
0x55: {  	v3 =	vadd.s32 v1, v3  }
0x56: {  	[hbm4b:s5+s2] =	stream.indirect_vreg.scatter [tilespmem:s11], [sflag:$0x1], $0x80, v4, vm0, $0xb8;
	[tilespmem:$0x10100] =	vst v63  }
0x57: {  	_ = 	snop  }
0x58: {  	[hbm4b:s6+s2] =	stream.indirect_vreg.scatter [tilespmem:s12], [sflag:$0x1], $0x80, v4, vm0, $0xb8;
	[tilespmem:$0x10100] =	vst v63  }
0x59: {  	_ = 	snop  }
0x5a: {  	[hbm4b:s3+s2] =	stream.indirect_vreg.scatter [tilespmem:s13], [sflag:$0x1], $0x80, v3, vm0, $0xb8;
	[tilespmem:$0x10100] =	vst v63  }
0x5b: {  	_ = 	snop  }
0x5c: {  	[hbm4b:s4+s2] =	stream.indirect_vreg.scatter [tilespmem:s14], [sflag:$0x1], $0x80, v3, vm0, $0xb8;
	[tilespmem:$0x10100] =	vst v63  }
0x5d: {  	_ = 	snop  }
0x5e: {  	[hbm4b:s5+s2] =	stream.indirect_vreg.scatter [tilespmem:s15], [sflag:$0x1], $0x80, v3, vm0, $0xb8;
	[tilespmem:$0x10100] =	vst v63  }
0x5f: {  	_ = 	snop  }
0x60: {  	[hbm4b:s6+s2] =	stream.indirect_vreg.scatter [tilespmem:s16], [sflag:$0x1], $0x80, v3, vm0, $0xb8;
	[tilespmem:$0x10100] =	vst v63  }
0x61: {  	v3 =	vld [tilespmem:$0x10030];
	_ =	sdelay $0x4  }
0x62: {  	v59 =	vshll.u32 v3, $0x3  }
0x63: {  	v3 =	vand.u32 $0x7, v3;
	v4 =	vand.u32 $0xFFFFFFC0, v59  }
0x64: {  	v3 =	vor.u32 v3, v4  }
0x65: {  	v4 =	vperm.xlane v3, v0;
	_ =	sdelay $0x1  }
0x66: {  	v4 =	vadd.s32 v1, v4;
	_ =	sdelay $0x4  }
0x67: {  	[hbm4b:s3+s2] =	stream.indirect_vreg.scatter [tilespmem:s17], [sflag:$0x1], $0x80, v4, vm0, $0xb8;
	[tilespmem:$0x10100] =	vst v63  }
0x68: {  	s0 =	simm.s32 $0xC800;
	v3 =	vperm.xlane v3, v2  }
0x69: {  	[hbm4b:s4+s2] =	stream.indirect_vreg.scatter [tilespmem:s0], [sflag:$0x1], $0x80, v4, vm0, $0xb8;
	[tilespmem:$0x10100] =	vst v63  }
0x6a: {  	v3 =	vadd.s32 v1, v3;
	s0 =	simm.s32 $0xD000  }
0x6b: {  	[hbm4b:s5+s2] =	stream.indirect_vreg.scatter [tilespmem:s0], [sflag:$0x1], $0x80, v4, vm0, $0xb8;
	[tilespmem:$0x10100] =	vst v63  }
0x6c: {  	s0 =	simm.s32 $0xD800  }
0x6d: {  	[hbm4b:s6+s2] =	stream.indirect_vreg.scatter [tilespmem:s0], [sflag:$0x1], $0x80, v4, vm0, $0xb8;
	[tilespmem:$0x10100] =	vst v63  }
0x6e: {  	s0 =	simm.s32 $0xE000  }
0x6f: {  	[hbm4b:s3+s2] =	stream.indirect_vreg.scatter [tilespmem:s0], [sflag:$0x1], $0x80, v3, vm0, $0xb8;
	[tilespmem:$0x10100] =	vst v63  }
0x70: {  	s0 =	simm.s32 $0xE800  }
0x71: {  	[hbm4b:s4+s2] =	stream.indirect_vreg.scatter [tilespmem:s0], [sflag:$0x1], $0x80, v3, vm0, $0xb8;
	[tilespmem:$0x10100] =	vst v63  }
0x72: {  	s0 =	simm.s32 $0xF000  }
0x73: {  	[hbm4b:s5+s2] =	stream.indirect_vreg.scatter [tilespmem:s0], [sflag:$0x1], $0x80, v3, vm0, $0xb8;
	[tilespmem:$0x10100] =	vst v63  }
0x74: {  	s0 =	simm.s32 $0xF800  }
0x75: {  	[hbm4b:s6+s2] =	stream.indirect_vreg.scatter [tilespmem:s0], [sflag:$0x1], $0x80, v3, vm0, $0xb8;
	[tilespmem:$0x10100] =	vst v63  }
0x76: {  	v3 =	vld [tilespmem:$0x10080];
	_ =	sdelay $0x4  }
0x77: {  	v60 =	vshll.u32 v3, $0x3  }
0x78: {  	v3 =	vand.u32 $0x7, v3;
	v4 =	vand.u32 $0xFFFFFFC0, v60  }
0x79: {  	v3 =	vor.u32 v3, v4  }
0x7a: {  	v4 =	vperm.xlane v3, v0;
	_ =	sdelay $0x1  }
0x7b: {  	v4 =	vadd.s32 v1, v4;
	_ =	sdelay $0x4  }
0x7c: {  	[hbm4b:s3+s2] =	stream.indirect_vreg.scatter [tilespmem:s2], [sflag:$0x2], $0x80, v4, vm0, $0xb8;
	[tilespmem:$0x10100] =	vst v63  }
0x7d: {  	v3 =	vperm.xlane v3, v2  }
0x7e: {  	[hbm4b:s4+s2] =	stream.indirect_vreg.scatter [tilespmem:s18], [sflag:$0x2], $0x80, v4, vm0, $0xb8;
	[tilespmem:$0x10100] =	vst v63  }
0x7f: {  	v3 =	vadd.s32 v1, v3  }
0x80: {  	[hbm4b:s5+s2] =	stream.indirect_vreg.scatter [tilespmem:s19], [sflag:$0x2], $0x80, v4, vm0, $0xb8;
	[tilespmem:$0x10100] =	vst v63  }
0x81: {  	_ = 	snop  }
0x82: {  	[hbm4b:s6+s2] =	stream.indirect_vreg.scatter [tilespmem:s20], [sflag:$0x2], $0x80, v4, vm0, $0xb8;
	[tilespmem:$0x10100] =	vst v63  }
0x83: {  	_ = 	snop  }
0x84: {  	[hbm4b:s3+s2] =	stream.indirect_vreg.scatter [tilespmem:s21], [sflag:$0x2], $0x80, v3, vm0, $0xb8;
	[tilespmem:$0x10100] =	vst v63  }
0x85: {  	_ = 	snop  }
0x86: {  	[hbm4b:s4+s2] =	stream.indirect_vreg.scatter [tilespmem:s22], [sflag:$0x2], $0x80, v3, vm0, $0xb8;
	[tilespmem:$0x10100] =	vst v63  }
0x87: {  	_ = 	snop  }
0x88: {  	[hbm4b:s5+s2] =	stream.indirect_vreg.scatter [tilespmem:s23], [sflag:$0x2], $0x80, v3, vm0, $0xb8;
	[tilespmem:$0x10100] =	vst v63  }
0x89: {  	_ = 	snop  }
0x8a: {  	[hbm4b:s6+s2] =	stream.indirect_vreg.scatter [tilespmem:s24], [sflag:$0x2], $0x80, v3, vm0, $0xb8;
	[tilespmem:$0x10100] =	vst v63  }
0x8b: {  	v3 =	vld [tilespmem:$0x10090];
	_ =	sdelay $0x4  }
0x8c: {  	v61 =	vshll.u32 v3, $0x3  }
0x8d: {  	v3 =	vand.u32 $0x7, v3;
	v4 =	vand.u32 $0xFFFFFFC0, v61  }
0x8e: {  	v3 =	vor.u32 v3, v4  }
0x8f: {  	v4 =	vperm.xlane v3, v0;
	_ =	sdelay $0x1  }
0x90: {  	v4 =	vadd.s32 v1, v4;
	_ =	sdelay $0x4  }
0x91: {  	[hbm4b:s3+s2] =	stream.indirect_vreg.scatter [tilespmem:s25], [sflag:$0x2], $0x80, v4, vm0, $0xb8;
	[tilespmem:$0x10100] =	vst v63  }
0x92: {  	v3 =	vperm.xlane v3, v2  }
0x93: {  	[hbm4b:s4+s2] =	stream.indirect_vreg.scatter [tilespmem:s26], [sflag:$0x2], $0x80, v4, vm0, $0xb8;
	[tilespmem:$0x10100] =	vst v63  }
0x94: {  	v3 =	vadd.s32 v1, v3  }
0x95: {  	[hbm4b:s5+s2] =	stream.indirect_vreg.scatter [tilespmem:s28], [sflag:$0x2], $0x80, v4, vm0, $0xb8;
	[tilespmem:$0x10100] =	vst v63  }
0x96: {  	_ = 	snop  }
0x97: {  	[hbm4b:s6+s2] =	stream.indirect_vreg.scatter [tilespmem:s29], [sflag:$0x2], $0x80, v4, vm0, $0xb8;
	[tilespmem:$0x10100] =	vst v63  }
0x98: {  	_ = 	snop  }
0x99: {  	[hbm4b:s3+s2] =	stream.indirect_vreg.scatter [tilespmem:s30], [sflag:$0x2], $0x80, v3, vm0, $0xb8;
	[tilespmem:$0x10100] =	vst v63  }
0x9a: {  	_ = 	snop  }
0x9b: {  	[hbm4b:s4+s2] =	stream.indirect_vreg.scatter [tilespmem:s31], [sflag:$0x2], $0x80, v3, vm0, $0xb8;
	[tilespmem:$0x10100] =	vst v63  }
0x9c: {  	_ = 	snop  }
0x9d: {  	[hbm4b:s5+s2] =	stream.indirect_vreg.scatter [tilespmem:s1], [sflag:$0x2], $0x80, v3, vm0, $0xb8;
	[tilespmem:$0x10100] =	vst v63  }
0x9e: {  	s18 =	simm.s32 $0x7800  }
0x9f: {  	[hbm4b:s6+s2] =	stream.indirect_vreg.scatter [tilespmem:s18], [sflag:$0x2], $0x80, v3, vm0, $0xb8;
	[tilespmem:$0x10100] =	vst v63  }
0xa0: {  	v3 =	vld [tilespmem:$0x100A0];
	_ =	sdelay $0x4  }
0xa1: {  	v62 =	vshll.u32 v3, $0x3  }
0xa2: {  	v3 =	vand.u32 $0x7, v3;
	v4 =	vand.u32 $0xFFFFFFC0, v62  }
0xa3: {  	v3 =	vor.u32 v3, v4  }
0xa4: {  	v4 =	vperm.xlane v3, v0;
	_ =	sdelay $0x1  }
0xa5: {  	v4 =	vadd.s32 v1, v4;
	_ =	sdelay $0x4  }
0xa6: {  	[hbm4b:s3+s2] =	stream.indirect_vreg.scatter [tilespmem:s9], [sflag:$0x2], $0x80, v4, vm0, $0xb8;
	[tilespmem:$0x10100] =	vst v63  }
0xa7: {  	v3 =	vperm.xlane v3, v2  }
0xa8: {  	[hbm4b:s4+s2] =	stream.indirect_vreg.scatter [tilespmem:s10], [sflag:$0x2], $0x80, v4, vm0, $0xb8;
	[tilespmem:$0x10100] =	vst v63  }
0xa9: {  	v3 =	vadd.s32 v1, v3  }
0xaa: {  	[hbm4b:s5+s2] =	stream.indirect_vreg.scatter [tilespmem:s11], [sflag:$0x2], $0x80, v4, vm0, $0xb8;
	[tilespmem:$0x10100] =	vst v63  }
0xab: {  	_ = 	snop  }
0xac: {  	[hbm4b:s6+s2] =	stream.indirect_vreg.scatter [tilespmem:s12], [sflag:$0x2], $0x80, v4, vm0, $0xb8;
	[tilespmem:$0x10100] =	vst v63  }
0xad: {  	_ = 	snop  }
0xae: {  	[hbm4b:s3+s2] =	stream.indirect_vreg.scatter [tilespmem:s13], [sflag:$0x2], $0x80, v3, vm0, $0xb8;
	[tilespmem:$0x10100] =	vst v63  }
0xaf: {  	_ = 	snop  }
0xb0: {  	[hbm4b:s4+s2] =	stream.indirect_vreg.scatter [tilespmem:s14], [sflag:$0x2], $0x80, v3, vm0, $0xb8;
	[tilespmem:$0x10100] =	vst v63  }
0xb1: {  	_ = 	snop  }
0xb2: {  	[hbm4b:s5+s2] =	stream.indirect_vreg.scatter [tilespmem:s15], [sflag:$0x2], $0x80, v3, vm0, $0xb8;
	[tilespmem:$0x10100] =	vst v63  }
0xb3: {  	_ = 	snop  }
0xb4: {  	[hbm4b:s6+s2] =	stream.indirect_vreg.scatter [tilespmem:s16], [sflag:$0x2], $0x80, v3, vm0, $0xb8;
	[tilespmem:$0x10100] =	vst v63  }
0xb5: {  	v3 =	vld [tilespmem:$0x100B0];
	_ =	sdelay $0x4  }
0xb6: {  	v63 =	vshll.u32 v3, $0x3  }
0xb7: {  	v3 =	vand.u32 $0x7, v3;
	v4 =	vand.u32 $0xFFFFFFC0, v63  }
0xb8: {  	v3 =	vor.u32 v3, v4  }
0xb9: {  	v4 =	vperm.xlane v3, v0;
	_ =	sdelay $0x1  }
0xba: {  	v4 =	vadd.s32 v1, v4;
	_ =	sdelay $0x4  }
0xbb: {  	[hbm4b:s3+s2] =	stream.indirect_vreg.scatter [tilespmem:s17], [sflag:$0x2], $0x80, v4, vm0, $0xb8;
	[tilespmem:$0x10100] =	vst v63  }
0xbc: {  	s19 =	simm.s32 $0xC800;
	v3 =	vperm.xlane v3, v2  }
0xbd: {  	[hbm4b:s4+s2] =	stream.indirect_vreg.scatter [tilespmem:s19], [sflag:$0x2], $0x80, v4, vm0, $0xb8;
	[tilespmem:$0x10100] =	vst v63  }
0xbe: {  	s18 =	simm.s32 $0xD000;
	v3 =	vadd.s32 v1, v3  }
0xbf: {  	[hbm4b:s5+s2] =	stream.indirect_vreg.scatter [tilespmem:s18], [sflag:$0x2], $0x80, v4, vm0, $0xb8;
	[tilespmem:$0x10100] =	vst v63  }
0xc0: {  	s19 =	simm.s32 $0xD800  }
0xc1: {  	[hbm4b:s6+s2] =	stream.indirect_vreg.scatter [tilespmem:s19], [sflag:$0x2], $0x80, v4, vm0, $0xb8;
	[tilespmem:$0x10100] =	vst v63  }
0xc2: {  	s18 =	simm.s32 $0xE000  }
0xc3: {  	[hbm4b:s3+s2] =	stream.indirect_vreg.scatter [tilespmem:s18], [sflag:$0x2], $0x80, v3, vm0, $0xb8;
	[tilespmem:$0x10100] =	vst v63  }
0xc4: {  	s19 =	simm.s32 $0xE800  }
0xc5: {  	[hbm4b:s4+s2] =	stream.indirect_vreg.scatter [tilespmem:s19], [sflag:$0x2], $0x80, v3, vm0, $0xb8;
	[tilespmem:$0x10100] =	vst v63  }
0xc6: {  	s18 =	simm.s32 $0xF000  }
0xc7: {  	[hbm4b:s5+s2] =	stream.indirect_vreg.scatter [tilespmem:s18], [sflag:$0x2], $0x80, v3, vm0, $0xb8;
	[tilespmem:$0x10100] =	vst v63  }
0xc8: {  	s19 =	simm.s32 $0xF800;
	s18 =	simm.s32 $0x1  }
0xc9: {  	[hbm4b:s6+s2] =	stream.indirect_vreg.scatter [tilespmem:s19], [sflag:$0x2], $0x80, v3, vm0, $0xb8;
	[tilespmem:$0x10100] =	vst v63  }
0xca: {  	p0 =	sne.s32 s7, $0x1;
	_ =	swait.ge [sflag:s18], $0x10000  }
.Ltmp0:
0xcb: {  	[sflag:s18] =	ssyncset.done $0x0;
	(pc) =	sbr.rel @p0 .LBB2_1-.Ltmp0, $4  }
0xcc: {  	s19 =	simm.s32 $0x2;
	[sflag:s18] =	ssyncadd.s32 $0xFFFF0000  }
0xcd: {  	_ =	swait.ge [sflag:s19], $0x10000  }
0xce: {  	[sflag:s19] =	ssyncset.done $0x0  }
0xcf: {  	s7 =	sadd.s32 $0xFFFFFFFF, s7;
	[sflag:s19] =	ssyncadd.s32 $0xFFFF0000  }
0xd0: {  	_ =	sfence.sel $0x180000  }
0xd1: {  	[bflag:$0x0] =	sbarrier.arrive $0xFFFF  }
0xd2: {  	_ =	strace $0x90000047  }
0xd3: {  	s0 =	stileid.u32;
	[bflag:$0x2] =	sbarrier.arrive $0xFFFF  }
0xd4: {  	p0 =	sne.s32 s0, $0x0;
	s0 =	rddreg [dreg:$0x2]  }
0xd5: {  	s0 =	sadd.s32 @!p0 $0x100000, s0  }
0xd6: {  	[sflag:s0] =	ssyncadd.tile.s32 @!p0 $0x1;
	_ =	shalt  }
.Lfunc_end2:
_tile_overlayer_lowered:
.L_overlay_start_2:
0xd7: {  	(tag) =	ssettag $0x2  }
0xd8: {  	s0 =	rddreg [dreg:$0x0];
	s2 =	stileid.u32  }
0xd9: {  	s1 =	rddreg [dreg:$0x1];
	p0 =	sne.s32 s2, $0x0  }
0xda: {  	s3 =	rddreg [dreg:$0x2];
	[bflag:$0x3] =	sbarrier.arrive $0xFFFF;
	s2 =	simm.s32 @!p0 $0x1C03  }
0xdb: {  	[timem:s3], [sflag:s2] =	dma.local @!p0 [hbm:s0], s1  }
0xdc: {  	s0 =	simm.s32 @!p0 $0x3  }
0xdd: {  	_ =	swait.ge @!p0 [sflag:s0], s1  }
0xde: {  	s1 =	ssub.s32 @!p0 $0x0, s1;
	[sflag:s0] =	ssyncset.done @!p0 $0x0  }
0xdf: {  	[sflag:s0] =	ssyncadd.s32 @!p0 s1  }
0xe0: {  	[bflag:$0x3] =	sbarrier.arrive $0xFFFF  }
0xe1: {  	_ =	shalt  }

// kernel: kernel.9.cloned.1.call-start
scs
__scs_entry_jumppad:
0x0: {  	(pc) =	sbr.rel $0x88, $3  }
0x1: {  	(tag) =	ssettag $0x0;
	lr =	simm.s32 $0x1  }
0x2: {  	[smem:$0x3F96] =	sst lr;
	_ =	strace $0xD0000000  }
0x3: {  	_ = 	snop  }
0x4: {  	_ = 	snop  }
0x5: {  	_ = 	snop  }
0x6: {  	_ = 	snop  }
0x7: {  	_ = 	snop  }
__scs_overlays_trampoline_lowered:
0x8: {  	[smem:$0x3FA5] =	sst s0  }
0x9: {  	[smem:$0x3FA6] =	sst s1  }
0xa: {  	[smem:$0x3FA7] =	sst s2  }
0xb: {  	[smem:$0x3FA8] =	sst s3  }
0xc: {  	[smem:$0x3FA9] =	sst s4  }
0xd: {  	[smem:$0x3FAA] =	sst s5  }
0xe: {  	[smem:$0x3FAB] =	sst s6  }
0xf: {  	[smem:$0x3FAC] =	sst s7  }
0x10: {  	[smem:$0x3FAD] =	sst s8  }
0x11: {  	[smem:$0x3FAE] =	sst s9;
	s0 =	simm.s32 @!p0 $0x0  }
0x12: {  	s1 =	sld [smem:$0x3F94];
	s0 =	simm.s32 @p0 $0x1  }
0x13: {  	[smem:$0x3FAF] =	sst s0;
	s0 =	simm.s32 @!p1 $0x0  }
0x14: {  	s2 =	sld [smem:$0x3F93];
	s0 =	simm.s32 @p1 $0x1  }
0x15: {  	[smem:$0x3FB0] =	sst s0;
	s0 =	simm.s32 @!p2 $0x0  }
0x16: {  	s3 =	sld [smem:$0x3FDB];
	s0 =	simm.s32 @p2 $0x1  }
0x17: {  	s4 =	simm.s32 $0x1BF5;
	[smem:$0x3FB2] =	sst s0  }
0x18: {  	s0 =	sld [smem:$0x3F95];
	_ =	swait.ge [sflag:s4], $0x0  }
0x19: {  	s7 =	sld [smem:$0x3F96]  }
0x1a: {  	s8 =	sadd.s32 $0xFFFFE003, lr  }
0x1b: {  	s9 =	sadd.s32 $0xFFFFFEF7, lr;
	s5 =	simm.s32 $0xFFFFFFFF;
	p2 =	slt.u32 s8, $0xFFFFF086  }
0x1c: {  	p1 =	slt.u32 s9, $0xF7A;
	s5 =	simm.s32 @!p2 $0x0  }
0x1d: {  	s5 =	simm.s32 @p1 $0x1;
	p0 =	seq.s32 s7, s2  }
0x1e: {  	s7 =	smul.u32 @!p0 $0xF7A, s2;
	p2 =	seq.s32 @!p0 s5, $0x0  }
0x1f: {  	s9 =	smul.u32 $0xF7A, s1;
	s8 =	simm.s32 @!p0 $0x1BF5;
	p2 =	por !p2, p0  }
0x20: {  	[sflag:s8] =	ssyncset.s32 @!p0 $0xFFFFF086;
	s6 =	sadd.s32 @!p0 s3, s7;
	s7 =	simm.s32 @!p0 $0x108  }
0x21: {  	s3 =	sadd.s32 s3, s9;
	s6 =	sadd.s32 @!p0 $0x88, s6;
	s7 =	simm.s32 @p2 $0x1082  }
0x22: {  	[simem:s7], [sflag:s8] =	dma.local @!p0 [hbm:s6], $0xF7A  }
0x23: {  	s9 =	sor.u32 $0xD0000000, s2;
	s6 =	simm.s32 $0x108;
	_ =	swait.ge @!p0 [sflag:s8], $0x0  }
0x24: {  	s3 =	sadd.s32 $0x88, s3;
	s6 =	simm.s32 @!p1 $0x1082;
	[sflag:s4] =	ssyncset.s32 $0xFFFFF086  }
0x25: {  	[simem:s6], [sflag:s4] =	dma.local [hbm:s3], $0xF7A  }
0x26: {  	[smem:$0x3F96] =	sst s1;
	(tag) =	ssettag s2;
	_ =	strace s9  }
0x27: {  	s1 =	sld [smem:$0x3FA6]  }
0x28: {  	s2 =	sld [smem:$0x3FA7]  }
0x29: {  	s4 =	sld [smem:$0x3FA9]  }
0x2a: {  	p0 =	seq.s32 s5, $0x0;
	s5 =	sld [smem:$0x3FAA]  }
0x2b: {  	s6 =	sld [smem:$0x3FAB]  }
0x2c: {  	s7 =	sld [smem:$0x3FAC]  }
0x2d: {  	s3 =	simm.s32 $0x108;
	s8 =	sld [smem:$0x3FAD]  }
0x2e: {  	s3 =	simm.s32 @!p0 $0x1082;
	s9 =	sld [smem:$0x3FAE]  }
0x2f: {  	lr =	sadd.s32 s0, s3;
	s0 =	sld [smem:$0x3FA5]  }
0x30: {  	s3 =	sld [smem:$0x3FA8]  }
0x31: {  	[smem:$0x3FB1] =	sst s10  }
0x32: {  	s10 =	sld [smem:$0x3FAF];
	_ =	sdelay $0x3  }
0x33: {  	p0 =	seq.s32 s10, $0x1;
	s10 =	sld [smem:$0x3FB1];
	_ =	sdelay $0x3  }
0x34: {  	[smem:$0x3FB1] =	sst s10  }
0x35: {  	s10 =	sld [smem:$0x3FB0];
	_ =	sdelay $0x3  }
0x36: {  	p1 =	seq.s32 s10, $0x1;
	s10 =	sld [smem:$0x3FB1];
	_ =	sdelay $0x3  }
0x37: {  	[smem:$0x3FB1] =	sst s10  }
0x38: {  	s10 =	sld [smem:$0x3FB2]  }
0x39: {  	_ = 	snop;
	(pc) =	sbr.ind lr, $3  }
0x3a: {  	_ = 	snop  }
0x3b: {  	_ = 	snop  }
0x3c: {  	p2 =	seq.s32 s10, $0x1;
	s10 =	sld [smem:$0x3FB1]  }
0x3d: {  	_ =	shalt  }
0x3e: {  	_ =	shalt  }
0x3f: {  	_ =	shalt  }
0x40: {  	_ =	shalt  }
0x41: {  	_ =	shalt  }
0x42: {  	_ =	shalt  }
0x43: {  	_ =	shalt  }
0x44: {  	_ =	shalt  }
0x45: {  	_ =	shalt  }
0x46: {  	_ =	shalt  }
0x47: {  	_ =	shalt  }
0x48: {  	_ =	shalt  }
0x49: {  	_ =	shalt  }
0x4a: {  	_ =	shalt  }
0x4b: {  	_ =	shalt  }
0x4c: {  	_ =	shalt  }
0x4d: {  	_ =	shalt  }
0x4e: {  	_ =	shalt  }
0x4f: {  	_ =	shalt  }
0x50: {  	_ =	shalt  }
0x51: {  	_ =	shalt  }
0x52: {  	_ =	shalt  }
0x53: {  	_ =	shalt  }
0x54: {  	_ =	shalt  }
0x55: {  	_ =	shalt  }
0x56: {  	_ =	shalt  }
0x57: {  	_ =	shalt  }
0x58: {  	_ =	shalt  }
0x59: {  	_ =	shalt  }
0x5a: {  	_ =	shalt  }
0x5b: {  	_ =	shalt  }
0x5c: {  	_ =	shalt  }
0x5d: {  	_ =	shalt  }
0x5e: {  	_ =	shalt  }
0x5f: {  	_ =	shalt  }
0x60: {  	_ =	shalt  }
0x61: {  	_ =	shalt  }
0x62: {  	_ =	shalt  }
0x63: {  	_ =	shalt  }
0x64: {  	_ =	shalt  }
0x65: {  	_ =	shalt  }
0x66: {  	_ =	shalt  }
0x67: {  	_ =	shalt  }
0x68: {  	_ =	shalt  }
0x69: {  	_ =	shalt  }
0x6a: {  	_ =	shalt  }
0x6b: {  	_ =	shalt  }
0x6c: {  	_ =	shalt  }
0x6d: {  	_ =	shalt  }
0x6e: {  	_ =	shalt  }
0x6f: {  	_ =	shalt  }
0x70: {  	_ =	shalt  }
0x71: {  	_ =	shalt  }
0x72: {  	_ =	shalt  }
0x73: {  	_ =	shalt  }
0x74: {  	_ =	shalt  }
0x75: {  	_ =	shalt  }
0x76: {  	_ =	shalt  }
0x77: {  	_ =	shalt  }
0x78: {  	_ =	shalt  }
0x79: {  	_ =	shalt  }
0x7a: {  	_ =	shalt  }
0x7b: {  	_ =	shalt  }
0x7c: {  	_ =	shalt  }
0x7d: {  	_ =	shalt  }
0x7e: {  	_ =	shalt  }
0x7f: {  	_ =	shalt  }
0x80: {  	_ =	shalt  }
0x81: {  	_ =	shalt  }
0x82: {  	_ =	shalt  }
0x83: {  	_ =	shalt  }
0x84: {  	_ =	shalt  }
0x85: {  	_ =	shalt  }
0x86: {  	_ =	shalt  }
0x87: {  	_ =	shalt  }
.Lfunc_end0:
.L_simem_size_0:
called_computation.1_lowered:
.L_overlay_start_0:
0x88: {  	s2 =	sld [smem:$0x3FD9]  }
0x89: {  	s3 =	sld [smem:$0x3FFE];
	_ =	sdelay $0x1  }
0x8a: {  	s1 =	srdreg.scid  }
0x8b: {  	s0 =	sand.u32 $0x1, s1  }
0x8c: {  	s17 =	sshll.u32 s0, $0xA;
	s2 =	sadd.s32 s3, s2  }
0x8d: {  	s2 =	sadd.s32 s2, s17  }
0x8e: {  	[smem:$0x3FBD] =	sst s2  }
0x8f: {  	_ = 	snop  }
0x90: {  	s2 =	sld [smem:$0x3FD0];
	(tm) =	ssettm $0x1  }
0x91: {  	s18 =	sld [smem:$0x3FFB];
	_ =	sdelay $0x3  }
0x92: {  	_ =	strace s18  }
0x93: {  	s3 =	sld [smem:$0x3FFC];
	_ =	sdelay $0x3  }
0x94: {  	_ =	strace s3  }
0x95: {  	s3 =	sld [smem:$0x3FFD];
	_ =	sdelay $0x3  }
0x96: {  	_ =	strace s3  }
0x97: {  	_ =	strace $0x8FFFFFFF  }
0x98: {  	s19 =	sld [smem:$0x3FDB];
	_ =	sdelay $0x1  }
0x99: {  	s4 =	simm.s32 $_scs_section_size  }
0x9a: {  	s5 =	simm.s32 $_size__tile_overlayer_lowered;
	s6 =	simm.s32 $_tile_overlayer_lowered  }
0x9b: {  	s22 =	simm.s32 $0x1BFF;
	s21 =	sshll.u32 s6, $0x1;
	s3 =	sadd.s32 s4, s19  }
0x9c: {  	s7 =	simm.s32 $0x0;
	s20 =	sshll.u32 s5, $0x1;
	s5 =	sadd.s32 s21, s3  }
0x9d: {  	[timem:s7], [sflag:s22] =	dma.local [hbm:s5], s20  }
0x9e: {  	_ =	swait.ge [sflag:s22], s20  }
0x9f: {  	s4 =	ssub.s32 $0x0, s20;
	[sflag:s22] =	ssyncset.done $0x0  }
0xa0: {  	[sflag:s22] =	ssyncadd.s32 s4;
	_ =	sdelay $0x1  }
0xa1: {  	s23 =	simm.s32 $0x1B8B  }
0xa2: {  	_ =	swait.ge [sflag:s23], $0x1  }
0xa3: {  	[sflag:s23] =	ssyncset.done $0x0  }
0xa4: {  	s25 =	simm.s32 $0x1B8E;
	s24 =	sld [smem:$0x3FFE];
	[sflag:s23] =	ssyncadd.s32 $0xFFFFFFFF  }
0xa5: {  	s26 =	simm.s32 $execute0_lowered;
	[smem:$0x3FD2] =	sst s25  }
0xa6: {  	s5 =	sshll.u32 s26, $0x1;
	_ =	strace $0x80000049;
	[dreg:$0x1] =	wrdreg $0xFFFFFFFF  }
0xa7: {  	s28 =	simm.s32 $_size_execute0_lowered;
	s3 =	sadd.s32 s3, s5;
	[dreg:$0x0] =	wrdreg $0x0  }
0xa8: {  	s5 =	sshll.u32 s28, $0x1;
	[dreg:$0x2] =	wrdreg s3  }
0xa9: {  	[dreg:$0x3] =	wrdreg s5  }
0xaa: {  	[dreg:$0x4] =	wrdreg $0xC0  }
0xab: {  	_ =	task [dreg:s7], $0x5FFFF  }
0xac: {  	[dreg:$0x1] =	wrdreg $0xFFFFFFFF  }
0xad: {  	[dreg:$0x0] =	wrdreg $0x60  }
0xae: {  	[dreg:$0x2] =	wrdreg s24  }
0xaf: {  	[dreg:$0x3] =	wrdreg s2  }
0xb0: {  	[dreg:$0x4] =	wrdreg $0x9  }
0xb1: {  	_ =	task.clear_ibuf [dreg:s7], $0x5FFFF;
	_ =	strace $0x90000049  }
0xb2: {  	s29 =	simm.s32 $0x9;
	_ =	strace $0x8000004B  }
0xb3: {  	_ =	swait.ge [sflag:s29], $0x1  }
0xb4: {  	[sflag:s29] =	ssyncadd.s32 $0xFFFFFFFF  }
0xb5: {  	_ =	strace $0x9000004B  }
0xb6: {  	_ =	sfence  }
0xb7: {  	s30 =	sld [smem:$0x0];
	_ =	sdelay $0x2  }
0xb8: {  	s31 =	sshll.u32 s1, $0xD;
	s1 =	sshrl.u32 s1, $0x2  }
0xb9: {  	s3 =	sand.u32 $0x4000, s31;
	s1 =	sadd.s32 s1, s30  }
0xba: {  	s0 =	sor.u32 s3, s0;
	s1 =	sshll.u32 s1, $0x11  }
0xbb: {  	s0 =	sor.u32 s1, s0  }
0xbc: {  	s0 =	sadd.s32 $0x8F2B, s0  }
0xbd: {  	[sflag:s0] =	ssyncadd.remote.s32 $0x1  }
0xbe: {  	_ =	sfence.sel $0xFFFF  }
0xbf: {  	[dreg:$0x0] =	wrdreg $0xFFFFFFFF;
	(pc) =	sbr.abs _section_cstart, $3  }
0xc0: {  	[dreg:$0x1] =	wrdreg $0xFFFFFFFF  }
0xc1: {  	_ =	task.clear_ibuf [dreg:s7], $0x2FFFF;
	_ =	strace $0x9FFFFFFF  }
0xc2: {  	(tm) =	ssettm $0x7FFFFFFF  }
0xc3: {  	_ =	shalt  }
tec
execute0_lowered:
.L_overlay_start_1:
0x0: {  	(tag) =	ssettag $0x1  }
0x1: {  	s0 =	rddreg [dreg:$0x0]  }
0x2: {  	s1 =	rddreg [dreg:$0x1];
	s3 =	srdreg.scid  }
0x3: {  	s2 =	simm.s32 $0x0;
	s5 =	stileid.u32;
	s17 =	simm.s32 $0x7  }
0x4: {  	s28 =	simm.s32 $0xD800;
	s29 =	simm.s32 $0xE000;
	s30 =	simm.s32 $0xE800  }
0x5: {  	s12 =	simm.s32 $0xF000;
	s31 =	simm.s32 $0xF800;
	s13 =	simm.s32 $0x1  }
0x6: {  	s14 =	simm.s32 $0x5;
	s15 =	simm.s32 $0x4;
	s16 =	simm.s32 $0x6  }
0x7: {  	s18 =	simm.s32 $0x0;
	s4 =	sand.u32 $0x1, s3;
	[smem:$0x7FF] =	sst s2  }
0x8: {  	s5 =	sshll.u32 s5, $0x7;
	s3 =	sadd.s32 $0x102000, s0;
	s19 =	sadd.s32 $0x1C00, s0  }
0x9: {  	s8 =	sadd.s32 $0x101E00, s0;
	s6 =	sshll.u32 s4, $0x6;
	s4 =	ssub.s32 $0x2, s4  }
0xa: {  	s11 =	sadd.s32 $0x102300, s0;
	s5 =	sor.u32 s6, s5;
	s9 =	sshrl.u32 s4, $0x1  }
0xb: {  	_ =	strace $0x8000004A;
	s7 =	sshrl.u32 s5, $0x3;
	s4 =	ssub.s32 s4, s9  }
0xc: {  	s5 =	sshll.u32 s5, $0x7;
	s9 =	sadd.s32 $0x102200, s0;
	s20 =	sadd.s32 s19, s7  }
0xd: {  	s10 =	sor.u32 $0x100, s7;
	s21 =	sadd.s32 s8, s7;
	[dreg:$0x3] =	wrdreg s20  }
0xe: {  	s26 =	smax.u32 s4, $0x1;
	s7 =	simm.s32 $0xB800;
	[dreg:$0x5] =	wrdreg s21  }
0xf: {  	s6 =	sadd.s32 s19, s10;
	s22 =	sadd.s32 s8, s10;
	[dreg:$0xa] =	wrdreg s26  }
0x10: {  	s8 =	sadd.s32 $0x102100, s0;
	s10 =	sadd.s32 s1, s5;
	[dreg:$0x4] =	wrdreg s6  }
0x11: {  	s20 =	simm.s32 $0x8000;
	[dreg:$0x6] =	wrdreg s22;
	s23 =	sadd.s32 $0x800, s10  }
0x12: {  	s26 =	simm.s32 $0xD000;
	s24 =	sadd.s32 $0x1000, s10;
	[dreg:$0x7] =	wrdreg s23  }
0x13: {  	v2 =	vlaneseq.u32;
	s0 =	simm.s32 $0x2;
	s25 =	sadd.s32 $0x1800, s10;
	[dreg:$0x8] =	wrdreg s24  }
0x14: {  	vm0 =	vmmov $0xffff;
	v1 =	vshrl.u32 v2, $0x3;
	s1 =	simm.s32 $0x3;
	s6 =	simm.s32 $0xA800;
	[dreg:$0x9] =	wrdreg s25  }
0x15: {  	v0 =	vand.u32 $0x7, v2;
	v2 =	vor.u32 $0x8, v2;
	v1 =	vmul.u32 $0x8, v1;
	s23 =	simm.s32 $0xB000;
	s24 =	simm.s32 $0xC000;
	s25 =	simm.s32 $0xC800  }
.LBB2_1:
0x16: {  	s4 =	rddreg [dreg:$0x3];
	s5 =	simm.s32 $0x10000  }
0x17: {  	[tilespmem:s5], [sflag:$0x7] =	stream.linear.gather [hbm4b:s4+s2], $0x40, $0x38;
	[tilespmem:$0x10200] =	vst v63  }
0x18: {  	_ =	swait.ge [sflag:s17], $0x40  }
0x19: {  	[sflag:s17] =	ssyncset.done $0x0  }
0x1a: {  	s22 =	simm.s32 $0x10080;
	s21 =	rddreg [dreg:$0x4];
	[sflag:s17] =	ssyncadd.s32 $0xFFFFFFC0  }
0x1b: {  	[tilespmem:s22], [sflag:$0x7] =	stream.linear.gather [hbm4b:s21+s2], $0x40, $0x38;
	[tilespmem:$0x10200] =	vst v63  }
0x1c: {  	_ =	swait.ge [sflag:s17], $0x40  }
0x1d: {  	[sflag:s17] =	ssyncset.done $0x0  }
0x1e: {  	s19 =	simm.s32 $0x10100;
	s5 =	rddreg [dreg:$0x5];
	[sflag:s17] =	ssyncadd.s32 $0xFFFFFFC0  }
0x1f: {  	[tilespmem:s19], [sflag:$0x7] =	stream.linear.gather [hbm4b:s5+s2], $0x40, $0x38;
	[tilespmem:$0x10200] =	vst v63  }
0x20: {  	_ =	swait.ge [sflag:s17], $0x40  }
0x21: {  	[sflag:s17] =	ssyncset.done $0x0  }
0x22: {  	s22 =	simm.s32 $0x10180;
	s21 =	rddreg [dreg:$0x6];
	[sflag:s17] =	ssyncadd.s32 $0xFFFFFFC0  }
0x23: {  	[tilespmem:s22], [sflag:$0x7] =	stream.linear.gather [hbm4b:s21+s2], $0x40, $0x38;
	[tilespmem:$0x10200] =	vst v63  }
0x24: {  	_ =	swait.ge [sflag:s17], $0x40  }
0x25: {  	[sflag:s17] =	ssyncset.done $0x0  }
0x26: {  	[sflag:s17] =	ssyncadd.s32 $0xFFFFFFC0  }
0x27: {  	v3 =	vld [tilespmem:$0x10000];
	_ =	sdelay $0x4  }
0x28: {  	v4 =	vshll.u32 v3, $0x3  }
0x29: {  	v3 =	vand.u32 $0x7, v3;
	v4 =	vand.u32 $0xFFFFFFC0, v4  }
0x2a: {  	v3 =	vor.u32 v3, v4  }
0x2b: {  	v4 =	vperm.xlane v3, v0;
	_ =	sdelay $0x1  }
0x2c: {  	v4 =	vadd.s32 v1, v4;
	_ =	sdelay $0x4  }
0x2d: {  	[tilespmem:s2], [sflag:$0x1] =	stream.indirect_vreg.gather [hbm4b:s3+s2], $0x80, v4, vm0, $0xb8;
	[tilespmem:$0x10200] =	vst v63  }
0x2e: {  	s19 =	simm.s32 $0x800;
	v3 =	vperm.xlane v3, v2  }
0x2f: {  	[tilespmem:s19], [sflag:$0x1] =	stream.indirect_vreg.gather [hbm4b:s8+s2], $0x80, v4, vm0, $0xb8;
	[tilespmem:$0x10200] =	vst v63  }
0x30: {  	s21 =	simm.s32 $0x1000;
	v3 =	vadd.s32 v1, v3  }
0x31: {  	[tilespmem:s21], [sflag:$0x1] =	stream.indirect_vreg.gather [hbm4b:s9+s2], $0x80, v4, vm0, $0xb8;
	[tilespmem:$0x10200] =	vst v63  }
0x32: {  	s22 =	simm.s32 $0x1800  }
0x33: {  	[tilespmem:s22], [sflag:$0x1] =	stream.indirect_vreg.gather [hbm4b:s11+s2], $0x80, v4, vm0, $0xb8;
	[tilespmem:$0x10200] =	vst v63  }
0x34: {  	s5 =	simm.s32 $0x2000  }
0x35: {  	[tilespmem:s5], [sflag:$0x1] =	stream.indirect_vreg.gather [hbm4b:s3+s2], $0x80, v3, vm0, $0xb8;
	[tilespmem:$0x10200] =	vst v63  }
0x36: {  	s19 =	simm.s32 $0x2800  }
0x37: {  	[tilespmem:s19], [sflag:$0x1] =	stream.indirect_vreg.gather [hbm4b:s8+s2], $0x80, v3, vm0, $0xb8;
	[tilespmem:$0x10200] =	vst v63  }
0x38: {  	s21 =	simm.s32 $0x3000  }
0x39: {  	[tilespmem:s21], [sflag:$0x1] =	stream.indirect_vreg.gather [hbm4b:s9+s2], $0x80, v3, vm0, $0xb8;
	[tilespmem:$0x10200] =	vst v63  }
0x3a: {  	s22 =	simm.s32 $0x3800  }
0x3b: {  	[tilespmem:s22], [sflag:$0x1] =	stream.indirect_vreg.gather [hbm4b:s11+s2], $0x80, v3, vm0, $0xb8;
	[tilespmem:$0x10200] =	vst v63  }
0x3c: {  	v3 =	vld [tilespmem:$0x10080];
	_ =	sdelay $0x4  }
0x3d: {  	v61 =	vshll.u32 v3, $0x3  }
0x3e: {  	v3 =	vand.u32 $0x7, v3;
	v4 =	vand.u32 $0xFFFFFFC0, v61  }
0x3f: {  	v3 =	vor.u32 v3, v4  }
0x40: {  	v4 =	vperm.xlane v3, v0;
	_ =	sdelay $0x1  }
0x41: {  	v4 =	vadd.s32 v1, v4;
	_ =	sdelay $0x3  }
0x42: {  	s5 =	simm.s32 $0x4000  }
0x43: {  	[tilespmem:s5], [sflag:$0x2] =	stream.indirect_vreg.gather [hbm4b:s3+s2], $0x80, v4, vm0, $0xb8;
	[tilespmem:$0x10200] =	vst v63  }
0x44: {  	s19 =	simm.s32 $0x4800;
	v3 =	vperm.xlane v3, v2  }
0x45: {  	[tilespmem:s19], [sflag:$0x2] =	stream.indirect_vreg.gather [hbm4b:s8+s2], $0x80, v4, vm0, $0xb8;
	[tilespmem:$0x10200] =	vst v63  }
0x46: {  	s21 =	simm.s32 $0x5000;
	v3 =	vadd.s32 v1, v3  }
0x47: {  	[tilespmem:s21], [sflag:$0x2] =	stream.indirect_vreg.gather [hbm4b:s9+s2], $0x80, v4, vm0, $0xb8;
	[tilespmem:$0x10200] =	vst v63  }
0x48: {  	s22 =	simm.s32 $0x5800  }
0x49: {  	[tilespmem:s22], [sflag:$0x2] =	stream.indirect_vreg.gather [hbm4b:s11+s2], $0x80, v4, vm0, $0xb8;
	[tilespmem:$0x10200] =	vst v63  }
0x4a: {  	s5 =	simm.s32 $0x6000  }
0x4b: {  	[tilespmem:s5], [sflag:$0x2] =	stream.indirect_vreg.gather [hbm4b:s3+s2], $0x80, v3, vm0, $0xb8;
	[tilespmem:$0x10200] =	vst v63  }
0x4c: {  	s19 =	simm.s32 $0x6800  }
0x4d: {  	[tilespmem:s19], [sflag:$0x2] =	stream.indirect_vreg.gather [hbm4b:s8+s2], $0x80, v3, vm0, $0xb8;
	[tilespmem:$0x10200] =	vst v63  }
0x4e: {  	s21 =	simm.s32 $0x7000  }
0x4f: {  	[tilespmem:s21], [sflag:$0x2] =	stream.indirect_vreg.gather [hbm4b:s9+s2], $0x80, v3, vm0, $0xb8;
	[tilespmem:$0x10200] =	vst v63  }
0x50: {  	s22 =	simm.s32 $0x7800  }
0x51: {  	[tilespmem:s22], [sflag:$0x2] =	stream.indirect_vreg.gather [hbm4b:s11+s2], $0x80, v3, vm0, $0xb8;
	[tilespmem:$0x10200] =	vst v63  }
0x52: {  	v3 =	vld [tilespmem:$0x10010];
	_ =	sdelay $0x4  }
0x53: {  	v62 =	vshll.u32 v3, $0x3  }
0x54: {  	v3 =	vand.u32 $0x7, v3;
	v4 =	vand.u32 $0xFFFFFFC0, v62  }
0x55: {  	v3 =	vor.u32 v3, v4  }
0x56: {  	v4 =	vperm.xlane v3, v0;
	_ =	sdelay $0x1  }
0x57: {  	v4 =	vadd.s32 v1, v4;
	_ =	sdelay $0x4  }
0x58: {  	[tilespmem:s20], [sflag:$0x3] =	stream.indirect_vreg.gather [hbm4b:s3+s2], $0x80, v4, vm0, $0xb8;
	[tilespmem:$0x10200] =	vst v63  }
0x59: {  	s5 =	simm.s32 $0x8800;
	v3 =	vperm.xlane v3, v2  }
0x5a: {  	[tilespmem:s5], [sflag:$0x3] =	stream.indirect_vreg.gather [hbm4b:s8+s2], $0x80, v4, vm0, $0xb8;
	[tilespmem:$0x10200] =	vst v63  }
0x5b: {  	s19 =	simm.s32 $0x9000;
	v3 =	vadd.s32 v1, v3  }
0x5c: {  	[tilespmem:s19], [sflag:$0x3] =	stream.indirect_vreg.gather [hbm4b:s9+s2], $0x80, v4, vm0, $0xb8;
	[tilespmem:$0x10200] =	vst v63  }
0x5d: {  	s21 =	simm.s32 $0x9800  }
0x5e: {  	[tilespmem:s21], [sflag:$0x3] =	stream.indirect_vreg.gather [hbm4b:s11+s2], $0x80, v4, vm0, $0xb8;
	[tilespmem:$0x10200] =	vst v63  }
0x5f: {  	s22 =	simm.s32 $0xA000  }
0x60: {  	[tilespmem:s22], [sflag:$0x3] =	stream.indirect_vreg.gather [hbm4b:s3+s2], $0x80, v3, vm0, $0xb8;
	[tilespmem:$0x10200] =	vst v63  }
0x61: {  	_ = 	snop  }
0x62: {  	[tilespmem:s6], [sflag:$0x3] =	stream.indirect_vreg.gather [hbm4b:s8+s2], $0x80, v3, vm0, $0xb8;
	[tilespmem:$0x10200] =	vst v63  }
0x63: {  	_ = 	snop  }
0x64: {  	[tilespmem:s23], [sflag:$0x3] =	stream.indirect_vreg.gather [hbm4b:s9+s2], $0x80, v3, vm0, $0xb8;
	[tilespmem:$0x10200] =	vst v63  }
0x65: {  	_ = 	snop  }
0x66: {  	[tilespmem:s7], [sflag:$0x3] =	stream.indirect_vreg.gather [hbm4b:s11+s2], $0x80, v3, vm0, $0xb8;
	[tilespmem:$0x10200] =	vst v63  }
0x67: {  	v3 =	vld [tilespmem:$0x10090];
	_ =	sdelay $0x4  }
0x68: {  	v63 =	vshll.u32 v3, $0x3  }
0x69: {  	v3 =	vand.u32 $0x7, v3;
	v4 =	vand.u32 $0xFFFFFFC0, v63  }
0x6a: {  	v3 =	vor.u32 v3, v4  }
0x6b: {  	v4 =	vperm.xlane v3, v0;
	_ =	sdelay $0x1  }
0x6c: {  	v4 =	vadd.s32 v1, v4;
	_ =	sdelay $0x4  }
0x6d: {  	[tilespmem:s24], [sflag:$0x4] =	stream.indirect_vreg.gather [hbm4b:s3+s2], $0x80, v4, vm0, $0xb8;
	[tilespmem:$0x10200] =	vst v63  }
0x6e: {  	v3 =	vperm.xlane v3, v2  }
0x6f: {  	[tilespmem:s25], [sflag:$0x4] =	stream.indirect_vreg.gather [hbm4b:s8+s2], $0x80, v4, vm0, $0xb8;
	[tilespmem:$0x10200] =	vst v63  }
0x70: {  	v3 =	vadd.s32 v1, v3  }
0x71: {  	[tilespmem:s26], [sflag:$0x4] =	stream.indirect_vreg.gather [hbm4b:s9+s2], $0x80, v4, vm0, $0xb8;
	[tilespmem:$0x10200] =	vst v63  }
0x72: {  	_ = 	snop  }
0x73: {  	[tilespmem:s28], [sflag:$0x4] =	stream.indirect_vreg.gather [hbm4b:s11+s2], $0x80, v4, vm0, $0xb8;
	[tilespmem:$0x10200] =	vst v63  }
0x74: {  	_ = 	snop  }
0x75: {  	[tilespmem:s29], [sflag:$0x4] =	stream.indirect_vreg.gather [hbm4b:s3+s2], $0x80, v3, vm0, $0xb8;
	[tilespmem:$0x10200] =	vst v63  }
0x76: {  	_ = 	snop  }
0x77: {  	[tilespmem:s30], [sflag:$0x4] =	stream.indirect_vreg.gather [hbm4b:s8+s2], $0x80, v3, vm0, $0xb8;
	[tilespmem:$0x10200] =	vst v63  }
0x78: {  	_ = 	snop  }
0x79: {  	[tilespmem:s12], [sflag:$0x4] =	stream.indirect_vreg.gather [hbm4b:s9+s2], $0x80, v3, vm0, $0xb8;
	[tilespmem:$0x10200] =	vst v63  }
0x7a: {  	_ = 	snop  }
0x7b: {  	[tilespmem:s31], [sflag:$0x4] =	stream.indirect_vreg.gather [hbm4b:s11+s2], $0x80, v3, vm0, $0xb8;
	[tilespmem:$0x10200] =	vst v63  }
0x7c: {  	_ =	swait.ge [sflag:s13], $0x4000  }
0x7d: {  	[sflag:s13] =	ssyncset.done $0x0  }
0x7e: {  	[sflag:s13] =	ssyncadd.s32 $0xFFFFC000  }
0x7f: {  	_ =	swait.ge [sflag:s0], $0x4000  }
0x80: {  	[sflag:s0] =	ssyncset.done $0x0  }
0x81: {  	s4 =	simm.s32 $0x0;
	s19 =	simm.s32 $0x0;
	[sflag:s0] =	ssyncadd.s32 $0xFFFFC000  }
.LBB2_2:
0x82: {  	s5 =	sshll.u32 s4, $0xC;
	s21 =	sand.u32 $0x7, s19  }
0x83: {  	s5 =	sand.u32 $0xFFFF8000, s5;
	s21 =	sshll.u32 s21, $0x9  }
0x84: {  	s5 =	sor.u32 s21, s5  }
0x85: {  	s5 =	sshrl.u32 s5, $0x2  }
0x86: {  	s22 =	sor.u32 $0x40, s5  }
0x87: {  	s5 =	sadd.s32 $0x4070, s5;
	v3 =	vmov s22  }
0x88: {  	v6 =	vmov s5;
	_ =	sdelay $0x1  }
0x89: {  	v4 =	vld.msk [tilespmem:s4+$0x10100 ss:$0x0], $0xffff  }
0x8a: {  	v5 =	vld.msk [tilespmem:s4+$0x10180 ss:$0x0], $0xffff;
	s21 =	simm.s32 $0x0  }
0x8b: {  	v7 =	vld.idx.msk [tilespmem:v3+s21+$0xFFFFFFC0 ss:$0x1], $0xffff  }
0x8c: {  	v8 =	vld.idx.msk [tilespmem:v6+s21+$0xFFFFFF90 ss:$0x1], $0xffff;
	_ =	sdelay $0x4  }
0x8d: {  	v7 =	vmul.f32 v7, v4;
	v8 =	vmul.f32 v8, v5;
	_ =	sdelay $0x1  }
0x8e: {  	v7 =	vadd.f32 v8, v7;
	_ =	sdelay $0x1  }
0x8f: {  	[tilespmem:v3+s21+$0xFFFFFFC0 ss:$0x1] =	vst.idx.msk $0xffff, v7  }
0x90: {  	v7 =	vld.idx.msk [tilespmem:v3+s21+$0xFFFFFFD0 ss:$0x1], $0xffff  }
0x91: {  	v8 =	vld.idx.msk [tilespmem:v6+s21+$0xFFFFFFA0 ss:$0x1], $0xffff;
	_ =	sdelay $0x4  }
0x92: {  	v7 =	vmul.f32 v7, v4;
	v8 =	vmul.f32 v8, v5;
	_ =	sdelay $0x1  }
0x93: {  	v7 =	vadd.f32 v8, v7;
	_ =	sdelay $0x1  }
0x94: {  	[tilespmem:v3+s21+$0xFFFFFFD0 ss:$0x1] =	vst.idx.msk $0xffff, v7  }
0x95: {  	v7 =	vld.idx.msk [tilespmem:v3+s21+$0xFFFFFFE0 ss:$0x1], $0xffff  }
0x96: {  	v8 =	vld.idx.msk [tilespmem:v6+s21+$0xFFFFFFB0 ss:$0x1], $0xffff;
	_ =	sdelay $0x4  }
0x97: {  	v7 =	vmul.f32 v7, v4;
	v8 =	vmul.f32 v8, v5;
	_ =	sdelay $0x1  }
0x98: {  	v7 =	vadd.f32 v8, v7;
	_ =	sdelay $0x1  }
0x99: {  	[tilespmem:v3+s21+$0xFFFFFFE0 ss:$0x1] =	vst.idx.msk $0xffff, v7  }
0x9a: {  	v7 =	vld.idx.msk [tilespmem:v3+s21+$0xFFFFFFF0 ss:$0x1], $0xffff  }
0x9b: {  	v8 =	vld.idx.msk [tilespmem:v6+s21+$0xFFFFFFC0 ss:$0x1], $0xffff;
	_ =	sdelay $0x4  }
0x9c: {  	v7 =	vmul.f32 v7, v4;
	v8 =	vmul.f32 v8, v5;
	_ =	sdelay $0x1  }
0x9d: {  	v7 =	vadd.f32 v8, v7;
	_ =	sdelay $0x1  }
0x9e: {  	[tilespmem:v3+s21+$0xFFFFFFF0 ss:$0x1] =	vst.idx.msk $0xffff, v7  }
0x9f: {  	v7 =	vld.idx.msk [tilespmem:v3+s21+$0x0 ss:$0x1], $0xffff  }
0xa0: {  	v8 =	vld.idx.msk [tilespmem:v6+s21+$0xFFFFFFD0 ss:$0x1], $0xffff;
	_ =	sdelay $0x4  }
0xa1: {  	v7 =	vmul.f32 v7, v4;
	v8 =	vmul.f32 v8, v5;
	_ =	sdelay $0x1  }
0xa2: {  	v7 =	vadd.f32 v8, v7;
	_ =	sdelay $0x1  }
0xa3: {  	[tilespmem:v3+s21+$0x0 ss:$0x1] =	vst.idx.msk $0xffff, v7  }
0xa4: {  	v7 =	vld.idx.msk [tilespmem:v3+s21+$0x10 ss:$0x1], $0xffff  }
0xa5: {  	v8 =	vld.idx.msk [tilespmem:v6+s21+$0xFFFFFFE0 ss:$0x1], $0xffff;
	_ =	sdelay $0x4  }
0xa6: {  	v7 =	vmul.f32 v7, v4;
	v8 =	vmul.f32 v8, v5;
	_ =	sdelay $0x1  }
0xa7: {  	v7 =	vadd.f32 v8, v7;
	_ =	sdelay $0x1  }
0xa8: {  	[tilespmem:v3+s21+$0x10 ss:$0x1] =	vst.idx.msk $0xffff, v7  }
0xa9: {  	v7 =	vld.idx.msk [tilespmem:v3+s21+$0x20 ss:$0x1], $0xffff  }
0xaa: {  	v8 =	vld.idx.msk [tilespmem:v6+s21+$0xFFFFFFF0 ss:$0x1], $0xffff;
	_ =	sdelay $0x4  }
0xab: {  	v7 =	vmul.f32 v7, v4;
	v8 =	vmul.f32 v8, v5;
	_ =	sdelay $0x1  }
0xac: {  	v7 =	vadd.f32 v8, v7;
	_ =	sdelay $0x1  }
0xad: {  	[tilespmem:v3+s21+$0x20 ss:$0x1] =	vst.idx.msk $0xffff, v7  }
0xae: {  	v7 =	vld.idx.msk [tilespmem:v3+s21+$0x30 ss:$0x1], $0xffff  }
0xaf: {  	s5 =	simm.s32 $0x1000;
	v8 =	vld.idx.msk [tilespmem:v6+s21+$0x0 ss:$0x1], $0xffff  }
.LBB2_3:
0xb0: {  	p0 =	sne.s32 s5, $0x7000;
	s22 =	smov.u32 s5;
	s5 =	sadd.s32 $0x1000, s5  }
0xb1: {  	_ =	sdelay $0x1  }
0xb2: {  	v7 =	vmul.f32 v7, v4  }
0xb3: {  	v8 =	vmul.f32 v8, v5;
	_ =	sdelay $0x1  }
0xb4: {  	v7 =	vadd.f32 v8, v7  }
0xb5: {  	s22 =	sshra.s32 s22, $0x2  }
0xb6: {  	v8 =	vld.idx.msk [tilespmem:v3+s22+$0xFFFFFFC0 ss:$0x1], $0xffff;
	[tilespmem:v3+s21+$0x30 ss:$0x1] =	vst.idx.msk $0xffff, v7;
	s21 =	smov.u32 s22  }
0xb7: {  	v7 =	vld.idx.msk [tilespmem:v6+s21+$0xFFFFFF90 ss:$0x1], $0xffff;
	_ =	sdelay $0x4  }
0xb8: {  	v8 =	vmul.f32 v8, v4  }
0xb9: {  	v7 =	vmul.f32 v7, v5;
	_ =	sdelay $0x1  }
0xba: {  	v7 =	vadd.f32 v7, v8;
	_ =	sdelay $0x1  }
0xbb: {  	[tilespmem:v3+s21+$0xFFFFFFC0 ss:$0x1] =	vst.idx.msk $0xffff, v7  }
0xbc: {  	v7 =	vld.idx.msk [tilespmem:v3+s21+$0xFFFFFFD0 ss:$0x1], $0xffff  }
0xbd: {  	v8 =	vld.idx.msk [tilespmem:v6+s21+$0xFFFFFFA0 ss:$0x1], $0xffff;
	_ =	sdelay $0x4  }
0xbe: {  	v7 =	vmul.f32 v7, v4  }
0xbf: {  	v8 =	vmul.f32 v8, v5;
	_ =	sdelay $0x1  }
0xc0: {  	v7 =	vadd.f32 v8, v7;
	_ =	sdelay $0x1  }
0xc1: {  	[tilespmem:v3+s21+$0xFFFFFFD0 ss:$0x1] =	vst.idx.msk $0xffff, v7  }
0xc2: {  	v7 =	vld.idx.msk [tilespmem:v3+s21+$0xFFFFFFE0 ss:$0x1], $0xffff  }
0xc3: {  	v8 =	vld.idx.msk [tilespmem:v6+s21+$0xFFFFFFB0 ss:$0x1], $0xffff;
	_ =	sdelay $0x4  }
0xc4: {  	v7 =	vmul.f32 v7, v4  }
0xc5: {  	v8 =	vmul.f32 v8, v5;
	_ =	sdelay $0x1  }
0xc6: {  	v7 =	vadd.f32 v8, v7;
	_ =	sdelay $0x1  }
0xc7: {  	[tilespmem:v3+s21+$0xFFFFFFE0 ss:$0x1] =	vst.idx.msk $0xffff, v7  }
0xc8: {  	v7 =	vld.idx.msk [tilespmem:v3+s21+$0xFFFFFFF0 ss:$0x1], $0xffff  }
0xc9: {  	v8 =	vld.idx.msk [tilespmem:v6+s21+$0xFFFFFFC0 ss:$0x1], $0xffff;
	_ =	sdelay $0x4  }
0xca: {  	v7 =	vmul.f32 v7, v4  }
0xcb: {  	v8 =	vmul.f32 v8, v5;
	_ =	sdelay $0x1  }
0xcc: {  	v7 =	vadd.f32 v8, v7;
	_ =	sdelay $0x1  }
0xcd: {  	[tilespmem:v3+s21+$0xFFFFFFF0 ss:$0x1] =	vst.idx.msk $0xffff, v7  }
0xce: {  	v7 =	vld.idx.msk [tilespmem:v3+s21+$0x0 ss:$0x1], $0xffff  }
0xcf: {  	v8 =	vld.idx.msk [tilespmem:v6+s21+$0xFFFFFFD0 ss:$0x1], $0xffff;
	_ =	sdelay $0x4  }
0xd0: {  	v7 =	vmul.f32 v7, v4  }
0xd1: {  	v8 =	vmul.f32 v8, v5;
	_ =	sdelay $0x1  }
0xd2: {  	v7 =	vadd.f32 v8, v7;
	_ =	sdelay $0x1  }
0xd3: {  	[tilespmem:v3+s21+$0x0 ss:$0x1] =	vst.idx.msk $0xffff, v7  }
0xd4: {  	v7 =	vld.idx.msk [tilespmem:v3+s21+$0x10 ss:$0x1], $0xffff  }
0xd5: {  	v8 =	vld.idx.msk [tilespmem:v6+s21+$0xFFFFFFE0 ss:$0x1], $0xffff;
	_ =	sdelay $0x4  }
0xd6: {  	v7 =	vmul.f32 v7, v4  }
0xd7: {  	v8 =	vmul.f32 v8, v5;
	_ =	sdelay $0x1  }
0xd8: {  	v7 =	vadd.f32 v8, v7;
	_ =	sdelay $0x1  }
0xd9: {  	[tilespmem:v3+s21+$0x10 ss:$0x1] =	vst.idx.msk $0xffff, v7  }
0xda: {  	v7 =	vld.idx.msk [tilespmem:v3+s21+$0x20 ss:$0x1], $0xffff  }
0xdb: {  	v8 =	vld.idx.msk [tilespmem:v6+s21+$0xFFFFFFF0 ss:$0x1], $0xffff;
	_ =	sdelay $0x4  }
0xdc: {  	v7 =	vmul.f32 v7, v4  }
0xdd: {  	v8 =	vmul.f32 v8, v5;
	_ =	sdelay $0x1  }
.Ltmp0:
0xde: {  	v7 =	vadd.f32 v8, v7;
	(pc) =	sbr.rel @p0 .LBB2_3-.Ltmp0, $4  }
0xdf: {  	_ = 	snop  }
0xe0: {  	[tilespmem:v3+s21+$0x20 ss:$0x1] =	vst.idx.msk $0xffff, v7  }
0xe1: {  	v7 =	vld.idx.msk [tilespmem:v3+s21+$0x30 ss:$0x1], $0xffff  }
0xe2: {  	v8 =	vld.idx.msk [tilespmem:v6+s21+$0x0 ss:$0x1], $0xffff  }
0xe3: {  	_ =	sdelay $0x1  }
0xe4: {  	s4 =	sadd.s32 $0x1, s4  }
0xe5: {  	p0 =	sne.s32 s4, $0x10  }
.Ltmp1:
0xe6: {  	v4 =	vmul.f32 v7, v4;
	v5 =	vmul.f32 v8, v5;
	(pc) =	sbr.rel @p0 .LBB2_2-.Ltmp1, $3  }
0xe7: {  	_ = 	snop  }
0xe8: {  	v4 =	vadd.f32 v5, v4;
	_ =	sdelay $0x1  }
0xe9: {  	s19 =	sadd.s32 $0x1, s19;
	[tilespmem:v3+s21+$0x30 ss:$0x1] =	vst.idx.msk $0xffff, v4  }
0xea: {  	s19 =	simm.s32 $0x0  }
0xeb: {  	[hbm4b:s10+s19] =	stream.linear.scatter [tilespmem:s19], [sflag:$0x5], $0x4000, $0x38;
	[tilespmem:$0x10200] =	vst v63  }
0xec: {  	_ =	swait.ge [sflag:s14], $0x4000  }
0xed: {  	[sflag:s14] =	ssyncset.done $0x0  }
0xee: {  	[sflag:s14] =	ssyncadd.s32 $0xFFFFC000  }
0xef: {  	v3 =	vld [tilespmem:$0x10020];
	_ =	sdelay $0x4  }
0xf0: {  	v4 =	vshll.u32 v3, $0x3  }
0xf1: {  	v3 =	vand.u32 $0x7, v3;
	v4 =	vand.u32 $0xFFFFFFC0, v4  }
0xf2: {  	v3 =	vor.u32 v3, v4  }
0xf3: {  	v4 =	vperm.xlane v3, v0;
	_ =	sdelay $0x1  }
0xf4: {  	v4 =	vadd.s32 v1, v4;
	_ =	sdelay $0x4  }
0xf5: {  	[tilespmem:s19], [sflag:$0x1] =	stream.indirect_vreg.gather [hbm4b:s3+s19], $0x80, v4, vm0, $0xb8;
	[tilespmem:$0x10200] =	vst v63  }
0xf6: {  	s4 =	simm.s32 $0x800;
	v3 =	vperm.xlane v3, v2  }
0xf7: {  	[tilespmem:s4], [sflag:$0x1] =	stream.indirect_vreg.gather [hbm4b:s8+s19], $0x80, v4, vm0, $0xb8;
	[tilespmem:$0x10200] =	vst v63  }
0xf8: {  	s21 =	simm.s32 $0x1000;
	v3 =	vadd.s32 v1, v3  }
0xf9: {  	[tilespmem:s21], [sflag:$0x1] =	stream.indirect_vreg.gather [hbm4b:s9+s19], $0x80, v4, vm0, $0xb8;
	[tilespmem:$0x10200] =	vst v63  }
0xfa: {  	s22 =	simm.s32 $0x1800  }
0xfb: {  	[tilespmem:s22], [sflag:$0x1] =	stream.indirect_vreg.gather [hbm4b:s11+s19], $0x80, v4, vm0, $0xb8;
	[tilespmem:$0x10200] =	vst v63  }
0xfc: {  	s5 =	simm.s32 $0x2000  }
0xfd: {  	[tilespmem:s5], [sflag:$0x1] =	stream.indirect_vreg.gather [hbm4b:s3+s19], $0x80, v3, vm0, $0xb8;
	[tilespmem:$0x10200] =	vst v63  }
0xfe: {  	s21 =	simm.s32 $0x2800  }
0xff: {  	[tilespmem:s21], [sflag:$0x1] =	stream.indirect_vreg.gather [hbm4b:s8+s19], $0x80, v3, vm0, $0xb8;
	[tilespmem:$0x10200] =	vst v63  }
0x100: {  	s22 =	simm.s32 $0x3000  }
0x101: {  	[tilespmem:s22], [sflag:$0x1] =	stream.indirect_vreg.gather [hbm4b:s9+s19], $0x80, v3, vm0, $0xb8;
	[tilespmem:$0x10200] =	vst v63  }
0x102: {  	s5 =	simm.s32 $0x3800  }
0x103: {  	[tilespmem:s5], [sflag:$0x1] =	stream.indirect_vreg.gather [hbm4b:s11+s19], $0x80, v3, vm0, $0xb8;
	[tilespmem:$0x10200] =	vst v63  }
0x104: {  	v3 =	vld [tilespmem:$0x100A0];
	_ =	sdelay $0x4  }
0x105: {  	v63 =	vshll.u32 v3, $0x3  }
0x106: {  	v3 =	vand.u32 $0x7, v3;
	v4 =	vand.u32 $0xFFFFFFC0, v63  }
0x107: {  	v3 =	vor.u32 v3, v4  }
0x108: {  	v4 =	vperm.xlane v3, v0;
	_ =	sdelay $0x1  }
0x109: {  	v4 =	vadd.s32 v1, v4;
	_ =	sdelay $0x3  }
0x10a: {  	s21 =	simm.s32 $0x4000  }
0x10b: {  	[tilespmem:s21], [sflag:$0x2] =	stream.indirect_vreg.gather [hbm4b:s3+s19], $0x80, v4, vm0, $0xb8;
	[tilespmem:$0x10200] =	vst v63  }
0x10c: {  	s22 =	simm.s32 $0x4800;
	v3 =	vperm.xlane v3, v2  }
0x10d: {  	[tilespmem:s22], [sflag:$0x2] =	stream.indirect_vreg.gather [hbm4b:s8+s19], $0x80, v4, vm0, $0xb8;
	[tilespmem:$0x10200] =	vst v63  }
0x10e: {  	s5 =	simm.s32 $0x5000;
	v3 =	vadd.s32 v1, v3  }
0x10f: {  	[tilespmem:s5], [sflag:$0x2] =	stream.indirect_vreg.gather [hbm4b:s9+s19], $0x80, v4, vm0, $0xb8;
	[tilespmem:$0x10200] =	vst v63  }
0x110: {  	s21 =	simm.s32 $0x5800  }
0x111: {  	[tilespmem:s21], [sflag:$0x2] =	stream.indirect_vreg.gather [hbm4b:s11+s19], $0x80, v4, vm0, $0xb8;
	[tilespmem:$0x10200] =	vst v63  }
0x112: {  	s22 =	simm.s32 $0x6000  }
0x113: {  	[tilespmem:s22], [sflag:$0x2] =	stream.indirect_vreg.gather [hbm4b:s3+s19], $0x80, v3, vm0, $0xb8;
	[tilespmem:$0x10200] =	vst v63  }
0x114: {  	s5 =	simm.s32 $0x6800  }
0x115: {  	[tilespmem:s5], [sflag:$0x2] =	stream.indirect_vreg.gather [hbm4b:s8+s19], $0x80, v3, vm0, $0xb8;
	[tilespmem:$0x10200] =	vst v63  }
0x116: {  	s21 =	simm.s32 $0x7000  }
0x117: {  	[tilespmem:s21], [sflag:$0x2] =	stream.indirect_vreg.gather [hbm4b:s9+s19], $0x80, v3, vm0, $0xb8;
	[tilespmem:$0x10200] =	vst v63  }
0x118: {  	s22 =	simm.s32 $0x7800  }
0x119: {  	[tilespmem:s22], [sflag:$0x2] =	stream.indirect_vreg.gather [hbm4b:s11+s19], $0x80, v3, vm0, $0xb8;
	[tilespmem:$0x10200] =	vst v63  }
0x11a: {  	_ =	swait.ge [sflag:s1], $0x4000  }
0x11b: {  	[sflag:s1] =	ssyncset.done $0x0  }
0x11c: {  	[sflag:s1] =	ssyncadd.s32 $0xFFFFC000  }
0x11d: {  	_ =	swait.ge [sflag:s15], $0x4000  }
0x11e: {  	[sflag:s15] =	ssyncset.done $0x0  }
0x11f: {  	s4 =	simm.s32 $0x0;
	[sflag:s15] =	ssyncadd.s32 $0xFFFFC000  }
.LBB2_6:
0x120: {  	s5 =	sshll.u32 s4, $0xC;
	s21 =	sand.u32 $0x7, s19  }
0x121: {  	s5 =	sand.u32 $0xFFFF8000, s5;
	s21 =	sshll.u32 s21, $0x9  }
0x122: {  	s5 =	sor.u32 s21, s5  }
0x123: {  	s5 =	sshrl.u32 s5, $0x2  }
0x124: {  	s22 =	sadd.s32 $0x8040, s5  }
0x125: {  	s5 =	sadd.s32 $0xC070, s5;
	v3 =	vmov s22  }
0x126: {  	v6 =	vmov s5;
	_ =	sdelay $0x1  }
0x127: {  	v4 =	vld.msk [tilespmem:s4+$0x10110 ss:$0x0], $0xffff  }
0x128: {  	v5 =	vld.msk [tilespmem:s4+$0x10190 ss:$0x0], $0xffff;
	s21 =	simm.s32 $0x0  }
0x129: {  	v7 =	vld.idx.msk [tilespmem:v3+s21+$0xFFFFFFC0 ss:$0x1], $0xffff  }
0x12a: {  	v8 =	vld.idx.msk [tilespmem:v6+s21+$0xFFFFFF90 ss:$0x1], $0xffff;
	_ =	sdelay $0x4  }
0x12b: {  	v7 =	vmul.f32 v7, v4;
	v8 =	vmul.f32 v8, v5;
	_ =	sdelay $0x1  }
0x12c: {  	v7 =	vadd.f32 v8, v7;
	_ =	sdelay $0x1  }
0x12d: {  	[tilespmem:v3+s21+$0xFFFFFFC0 ss:$0x1] =	vst.idx.msk $0xffff, v7  }
0x12e: {  	v7 =	vld.idx.msk [tilespmem:v3+s21+$0xFFFFFFD0 ss:$0x1], $0xffff  }
0x12f: {  	v8 =	vld.idx.msk [tilespmem:v6+s21+$0xFFFFFFA0 ss:$0x1], $0xffff;
	_ =	sdelay $0x4  }
0x130: {  	v7 =	vmul.f32 v7, v4;
	v8 =	vmul.f32 v8, v5;
	_ =	sdelay $0x1  }
0x131: {  	v7 =	vadd.f32 v8, v7;
	_ =	sdelay $0x1  }
0x132: {  	[tilespmem:v3+s21+$0xFFFFFFD0 ss:$0x1] =	vst.idx.msk $0xffff, v7  }
0x133: {  	v7 =	vld.idx.msk [tilespmem:v3+s21+$0xFFFFFFE0 ss:$0x1], $0xffff  }
0x134: {  	v8 =	vld.idx.msk [tilespmem:v6+s21+$0xFFFFFFB0 ss:$0x1], $0xffff;
	_ =	sdelay $0x4  }
0x135: {  	v7 =	vmul.f32 v7, v4;
	v8 =	vmul.f32 v8, v5;
	_ =	sdelay $0x1  }
0x136: {  	v7 =	vadd.f32 v8, v7;
	_ =	sdelay $0x1  }
0x137: {  	[tilespmem:v3+s21+$0xFFFFFFE0 ss:$0x1] =	vst.idx.msk $0xffff, v7  }
0x138: {  	v7 =	vld.idx.msk [tilespmem:v3+s21+$0xFFFFFFF0 ss:$0x1], $0xffff  }
0x139: {  	v8 =	vld.idx.msk [tilespmem:v6+s21+$0xFFFFFFC0 ss:$0x1], $0xffff;
	_ =	sdelay $0x4  }
0x13a: {  	v7 =	vmul.f32 v7, v4;
	v8 =	vmul.f32 v8, v5;
	_ =	sdelay $0x1  }
0x13b: {  	v7 =	vadd.f32 v8, v7;
	_ =	sdelay $0x1  }
0x13c: {  	[tilespmem:v3+s21+$0xFFFFFFF0 ss:$0x1] =	vst.idx.msk $0xffff, v7  }
0x13d: {  	v7 =	vld.idx.msk [tilespmem:v3+s21+$0x0 ss:$0x1], $0xffff  }
0x13e: {  	v8 =	vld.idx.msk [tilespmem:v6+s21+$0xFFFFFFD0 ss:$0x1], $0xffff;
	_ =	sdelay $0x4  }
0x13f: {  	v7 =	vmul.f32 v7, v4;
	v8 =	vmul.f32 v8, v5;
	_ =	sdelay $0x1  }
0x140: {  	v7 =	vadd.f32 v8, v7;
	_ =	sdelay $0x1  }
0x141: {  	[tilespmem:v3+s21+$0x0 ss:$0x1] =	vst.idx.msk $0xffff, v7  }
0x142: {  	v7 =	vld.idx.msk [tilespmem:v3+s21+$0x10 ss:$0x1], $0xffff  }
0x143: {  	v8 =	vld.idx.msk [tilespmem:v6+s21+$0xFFFFFFE0 ss:$0x1], $0xffff;
	_ =	sdelay $0x4  }
0x144: {  	v7 =	vmul.f32 v7, v4;
	v8 =	vmul.f32 v8, v5;
	_ =	sdelay $0x1  }
0x145: {  	v7 =	vadd.f32 v8, v7;
	_ =	sdelay $0x1  }
0x146: {  	[tilespmem:v3+s21+$0x10 ss:$0x1] =	vst.idx.msk $0xffff, v7  }
0x147: {  	v7 =	vld.idx.msk [tilespmem:v3+s21+$0x20 ss:$0x1], $0xffff  }
0x148: {  	v8 =	vld.idx.msk [tilespmem:v6+s21+$0xFFFFFFF0 ss:$0x1], $0xffff;
	_ =	sdelay $0x4  }
0x149: {  	v7 =	vmul.f32 v7, v4;
	v8 =	vmul.f32 v8, v5;
	_ =	sdelay $0x1  }
0x14a: {  	v7 =	vadd.f32 v8, v7;
	_ =	sdelay $0x1  }
0x14b: {  	[tilespmem:v3+s21+$0x20 ss:$0x1] =	vst.idx.msk $0xffff, v7  }
0x14c: {  	v7 =	vld.idx.msk [tilespmem:v3+s21+$0x30 ss:$0x1], $0xffff  }
0x14d: {  	s5 =	simm.s32 $0x1000;
	v8 =	vld.idx.msk [tilespmem:v6+s21+$0x0 ss:$0x1], $0xffff  }
.LBB2_7:
0x14e: {  	p0 =	sne.s32 s5, $0x7000;
	s22 =	smov.u32 s5;
	s5 =	sadd.s32 $0x1000, s5  }
0x14f: {  	_ =	sdelay $0x1  }
0x150: {  	v7 =	vmul.f32 v7, v4  }
0x151: {  	v8 =	vmul.f32 v8, v5;
	_ =	sdelay $0x1  }
0x152: {  	v7 =	vadd.f32 v8, v7  }
0x153: {  	s22 =	sshra.s32 s22, $0x2  }
0x154: {  	v8 =	vld.idx.msk [tilespmem:v3+s22+$0xFFFFFFC0 ss:$0x1], $0xffff;
	[tilespmem:v3+s21+$0x30 ss:$0x1] =	vst.idx.msk $0xffff, v7;
	s21 =	smov.u32 s22  }
0x155: {  	v7 =	vld.idx.msk [tilespmem:v6+s21+$0xFFFFFF90 ss:$0x1], $0xffff;
	_ =	sdelay $0x4  }
0x156: {  	v8 =	vmul.f32 v8, v4  }
0x157: {  	v7 =	vmul.f32 v7, v5;
	_ =	sdelay $0x1  }
0x158: {  	v7 =	vadd.f32 v7, v8;
	_ =	sdelay $0x1  }
0x159: {  	[tilespmem:v3+s21+$0xFFFFFFC0 ss:$0x1] =	vst.idx.msk $0xffff, v7  }
0x15a: {  	v7 =	vld.idx.msk [tilespmem:v3+s21+$0xFFFFFFD0 ss:$0x1], $0xffff  }
0x15b: {  	v8 =	vld.idx.msk [tilespmem:v6+s21+$0xFFFFFFA0 ss:$0x1], $0xffff;
	_ =	sdelay $0x4  }
0x15c: {  	v7 =	vmul.f32 v7, v4  }
0x15d: {  	v8 =	vmul.f32 v8, v5;
	_ =	sdelay $0x1  }
0x15e: {  	v7 =	vadd.f32 v8, v7;
	_ =	sdelay $0x1  }
0x15f: {  	[tilespmem:v3+s21+$0xFFFFFFD0 ss:$0x1] =	vst.idx.msk $0xffff, v7  }
0x160: {  	v7 =	vld.idx.msk [tilespmem:v3+s21+$0xFFFFFFE0 ss:$0x1], $0xffff  }
0x161: {  	v8 =	vld.idx.msk [tilespmem:v6+s21+$0xFFFFFFB0 ss:$0x1], $0xffff;
	_ =	sdelay $0x4  }
0x162: {  	v7 =	vmul.f32 v7, v4  }
0x163: {  	v8 =	vmul.f32 v8, v5;
	_ =	sdelay $0x1  }
0x164: {  	v7 =	vadd.f32 v8, v7;
	_ =	sdelay $0x1  }
0x165: {  	[tilespmem:v3+s21+$0xFFFFFFE0 ss:$0x1] =	vst.idx.msk $0xffff, v7  }
0x166: {  	v7 =	vld.idx.msk [tilespmem:v3+s21+$0xFFFFFFF0 ss:$0x1], $0xffff  }
0x167: {  	v8 =	vld.idx.msk [tilespmem:v6+s21+$0xFFFFFFC0 ss:$0x1], $0xffff;
	_ =	sdelay $0x4  }
0x168: {  	v7 =	vmul.f32 v7, v4  }
0x169: {  	v8 =	vmul.f32 v8, v5;
	_ =	sdelay $0x1  }
0x16a: {  	v7 =	vadd.f32 v8, v7;
	_ =	sdelay $0x1  }
0x16b: {  	[tilespmem:v3+s21+$0xFFFFFFF0 ss:$0x1] =	vst.idx.msk $0xffff, v7  }
0x16c: {  	v7 =	vld.idx.msk [tilespmem:v3+s21+$0x0 ss:$0x1], $0xffff  }
0x16d: {  	v8 =	vld.idx.msk [tilespmem:v6+s21+$0xFFFFFFD0 ss:$0x1], $0xffff;
	_ =	sdelay $0x4  }
0x16e: {  	v7 =	vmul.f32 v7, v4  }
0x16f: {  	v8 =	vmul.f32 v8, v5;
	_ =	sdelay $0x1  }
0x170: {  	v7 =	vadd.f32 v8, v7;
	_ =	sdelay $0x1  }
0x171: {  	[tilespmem:v3+s21+$0x0 ss:$0x1] =	vst.idx.msk $0xffff, v7  }
0x172: {  	v7 =	vld.idx.msk [tilespmem:v3+s21+$0x10 ss:$0x1], $0xffff  }
0x173: {  	v8 =	vld.idx.msk [tilespmem:v6+s21+$0xFFFFFFE0 ss:$0x1], $0xffff;
	_ =	sdelay $0x4  }
0x174: {  	v7 =	vmul.f32 v7, v4  }
0x175: {  	v8 =	vmul.f32 v8, v5;
	_ =	sdelay $0x1  }
0x176: {  	v7 =	vadd.f32 v8, v7;
	_ =	sdelay $0x1  }
0x177: {  	[tilespmem:v3+s21+$0x10 ss:$0x1] =	vst.idx.msk $0xffff, v7  }
0x178: {  	v7 =	vld.idx.msk [tilespmem:v3+s21+$0x20 ss:$0x1], $0xffff  }
0x179: {  	v8 =	vld.idx.msk [tilespmem:v6+s21+$0xFFFFFFF0 ss:$0x1], $0xffff;
	_ =	sdelay $0x4  }
0x17a: {  	v7 =	vmul.f32 v7, v4  }
0x17b: {  	v8 =	vmul.f32 v8, v5;
	_ =	sdelay $0x1  }
.Ltmp2:
0x17c: {  	v7 =	vadd.f32 v8, v7;
	(pc) =	sbr.rel @p0 .LBB2_7-.Ltmp2, $4  }
0x17d: {  	_ = 	snop  }
0x17e: {  	[tilespmem:v3+s21+$0x20 ss:$0x1] =	vst.idx.msk $0xffff, v7  }
0x17f: {  	v7 =	vld.idx.msk [tilespmem:v3+s21+$0x30 ss:$0x1], $0xffff  }
0x180: {  	v8 =	vld.idx.msk [tilespmem:v6+s21+$0x0 ss:$0x1], $0xffff  }
0x181: {  	_ =	sdelay $0x1  }
0x182: {  	s4 =	sadd.s32 $0x1, s4  }
0x183: {  	p0 =	sne.s32 s4, $0x10  }
.Ltmp3:
0x184: {  	v4 =	vmul.f32 v7, v4;
	v5 =	vmul.f32 v8, v5;
	(pc) =	sbr.rel @p0 .LBB2_6-.Ltmp3, $3  }
0x185: {  	_ = 	snop  }
0x186: {  	v4 =	vadd.f32 v5, v4;
	_ =	sdelay $0x1  }
0x187: {  	s19 =	sadd.s32 $0x1, s19;
	[tilespmem:v3+s21+$0x30 ss:$0x1] =	vst.idx.msk $0xffff, v4  }
0x188: {  	s19 =	simm.s32 $0x0;
	s4 =	rddreg [dreg:$0x7]  }
0x189: {  	[hbm4b:s4+s19] =	stream.linear.scatter [tilespmem:s20], [sflag:$0x6], $0x4000, $0x38;
	[tilespmem:$0x10200] =	vst v63  }
0x18a: {  	_ =	swait.ge [sflag:s16], $0x4000  }
0x18b: {  	[sflag:s16] =	ssyncset.done $0x0  }
0x18c: {  	[sflag:s16] =	ssyncadd.s32 $0xFFFFC000  }
0x18d: {  	v3 =	vld [tilespmem:$0x10030];
	_ =	sdelay $0x4  }
0x18e: {  	v4 =	vshll.u32 v3, $0x3  }
0x18f: {  	v3 =	vand.u32 $0x7, v3;
	v4 =	vand.u32 $0xFFFFFFC0, v4  }
0x190: {  	v3 =	vor.u32 v3, v4  }
0x191: {  	v4 =	vperm.xlane v3, v0;
	_ =	sdelay $0x1  }
0x192: {  	v4 =	vadd.s32 v1, v4;
	_ =	sdelay $0x4  }
0x193: {  	[tilespmem:s20], [sflag:$0x3] =	stream.indirect_vreg.gather [hbm4b:s3+s19], $0x80, v4, vm0, $0xb8;
	[tilespmem:$0x10200] =	vst v63  }
0x194: {  	s22 =	simm.s32 $0x8800;
	v3 =	vperm.xlane v3, v2  }
0x195: {  	[tilespmem:s22], [sflag:$0x3] =	stream.indirect_vreg.gather [hbm4b:s8+s19], $0x80, v4, vm0, $0xb8;
	[tilespmem:$0x10200] =	vst v63  }
0x196: {  	s5 =	simm.s32 $0x9000;
	v3 =	vadd.s32 v1, v3  }
0x197: {  	[tilespmem:s5], [sflag:$0x3] =	stream.indirect_vreg.gather [hbm4b:s9+s19], $0x80, v4, vm0, $0xb8;
	[tilespmem:$0x10200] =	vst v63  }
0x198: {  	s21 =	simm.s32 $0x9800  }
0x199: {  	[tilespmem:s21], [sflag:$0x3] =	stream.indirect_vreg.gather [hbm4b:s11+s19], $0x80, v4, vm0, $0xb8;
	[tilespmem:$0x10200] =	vst v63  }
0x19a: {  	s22 =	simm.s32 $0xA000  }
0x19b: {  	[tilespmem:s22], [sflag:$0x3] =	stream.indirect_vreg.gather [hbm4b:s3+s19], $0x80, v3, vm0, $0xb8;
	[tilespmem:$0x10200] =	vst v63  }
0x19c: {  	_ = 	snop  }
0x19d: {  	[tilespmem:s6], [sflag:$0x3] =	stream.indirect_vreg.gather [hbm4b:s8+s19], $0x80, v3, vm0, $0xb8;
	[tilespmem:$0x10200] =	vst v63  }
0x19e: {  	_ = 	snop  }
0x19f: {  	[tilespmem:s23], [sflag:$0x3] =	stream.indirect_vreg.gather [hbm4b:s9+s19], $0x80, v3, vm0, $0xb8;
	[tilespmem:$0x10200] =	vst v63  }
0x1a0: {  	_ = 	snop  }
0x1a1: {  	[tilespmem:s7], [sflag:$0x3] =	stream.indirect_vreg.gather [hbm4b:s11+s19], $0x80, v3, vm0, $0xb8;
	[tilespmem:$0x10200] =	vst v63  }
0x1a2: {  	v3 =	vld [tilespmem:$0x100B0];
	_ =	sdelay $0x4  }
0x1a3: {  	v63 =	vshll.u32 v3, $0x3  }
0x1a4: {  	v3 =	vand.u32 $0x7, v3;
	v4 =	vand.u32 $0xFFFFFFC0, v63  }
0x1a5: {  	v3 =	vor.u32 v3, v4  }
0x1a6: {  	v4 =	vperm.xlane v3, v0;
	_ =	sdelay $0x1  }
0x1a7: {  	v4 =	vadd.s32 v1, v4;
	_ =	sdelay $0x4  }
0x1a8: {  	[tilespmem:s24], [sflag:$0x4] =	stream.indirect_vreg.gather [hbm4b:s3+s19], $0x80, v4, vm0, $0xb8;
	[tilespmem:$0x10200] =	vst v63  }
0x1a9: {  	v3 =	vperm.xlane v3, v2  }
0x1aa: {  	[tilespmem:s25], [sflag:$0x4] =	stream.indirect_vreg.gather [hbm4b:s8+s19], $0x80, v4, vm0, $0xb8;
	[tilespmem:$0x10200] =	vst v63  }
0x1ab: {  	v3 =	vadd.s32 v1, v3  }
0x1ac: {  	[tilespmem:s26], [sflag:$0x4] =	stream.indirect_vreg.gather [hbm4b:s9+s19], $0x80, v4, vm0, $0xb8;
	[tilespmem:$0x10200] =	vst v63  }
0x1ad: {  	_ = 	snop  }
0x1ae: {  	[tilespmem:s28], [sflag:$0x4] =	stream.indirect_vreg.gather [hbm4b:s11+s19], $0x80, v4, vm0, $0xb8;
	[tilespmem:$0x10200] =	vst v63  }
0x1af: {  	_ = 	snop  }
0x1b0: {  	[tilespmem:s29], [sflag:$0x4] =	stream.indirect_vreg.gather [hbm4b:s3+s19], $0x80, v3, vm0, $0xb8;
	[tilespmem:$0x10200] =	vst v63  }
0x1b1: {  	_ = 	snop  }
0x1b2: {  	[tilespmem:s30], [sflag:$0x4] =	stream.indirect_vreg.gather [hbm4b:s8+s19], $0x80, v3, vm0, $0xb8;
	[tilespmem:$0x10200] =	vst v63  }
0x1b3: {  	_ = 	snop  }
0x1b4: {  	[tilespmem:s12], [sflag:$0x4] =	stream.indirect_vreg.gather [hbm4b:s9+s19], $0x80, v3, vm0, $0xb8;
	[tilespmem:$0x10200] =	vst v63  }
0x1b5: {  	_ = 	snop  }
0x1b6: {  	[tilespmem:s31], [sflag:$0x4] =	stream.indirect_vreg.gather [hbm4b:s11+s19], $0x80, v3, vm0, $0xb8;
	[tilespmem:$0x10200] =	vst v63  }
0x1b7: {  	_ =	swait.ge [sflag:s13], $0x4000  }
0x1b8: {  	[sflag:s13] =	ssyncset.done $0x0  }
0x1b9: {  	[sflag:s13] =	ssyncadd.s32 $0xFFFFC000  }
0x1ba: {  	_ =	swait.ge [sflag:s0], $0x4000  }
0x1bb: {  	[sflag:s0] =	ssyncset.done $0x0  }
0x1bc: {  	s4 =	simm.s32 $0x0;
	[sflag:s0] =	ssyncadd.s32 $0xFFFFC000  }
.LBB2_10:
0x1bd: {  	s5 =	sshll.u32 s4, $0xC;
	s21 =	sand.u32 $0x7, s19  }
0x1be: {  	s5 =	sand.u32 $0xFFFF8000, s5;
	s21 =	sshll.u32 s21, $0x9  }
0x1bf: {  	s5 =	sor.u32 s21, s5  }
0x1c0: {  	s5 =	sshrl.u32 s5, $0x2  }
0x1c1: {  	s22 =	sor.u32 $0x40, s5  }
0x1c2: {  	s5 =	sadd.s32 $0x4070, s5;
	v3 =	vmov s22  }
0x1c3: {  	v6 =	vmov s5;
	_ =	sdelay $0x1  }
0x1c4: {  	v4 =	vld.msk [tilespmem:s4+$0x10120 ss:$0x0], $0xffff  }
0x1c5: {  	v5 =	vld.msk [tilespmem:s4+$0x101A0 ss:$0x0], $0xffff;
	s21 =	simm.s32 $0x0  }
0x1c6: {  	v7 =	vld.idx.msk [tilespmem:v3+s21+$0xFFFFFFC0 ss:$0x1], $0xffff  }
0x1c7: {  	v8 =	vld.idx.msk [tilespmem:v6+s21+$0xFFFFFF90 ss:$0x1], $0xffff;
	_ =	sdelay $0x4  }
0x1c8: {  	v7 =	vmul.f32 v7, v4;
	v8 =	vmul.f32 v8, v5;
	_ =	sdelay $0x1  }
0x1c9: {  	v7 =	vadd.f32 v8, v7;
	_ =	sdelay $0x1  }
0x1ca: {  	[tilespmem:v3+s21+$0xFFFFFFC0 ss:$0x1] =	vst.idx.msk $0xffff, v7  }
0x1cb: {  	v7 =	vld.idx.msk [tilespmem:v3+s21+$0xFFFFFFD0 ss:$0x1], $0xffff  }
0x1cc: {  	v8 =	vld.idx.msk [tilespmem:v6+s21+$0xFFFFFFA0 ss:$0x1], $0xffff;
	_ =	sdelay $0x4  }
0x1cd: {  	v7 =	vmul.f32 v7, v4;
	v8 =	vmul.f32 v8, v5;
	_ =	sdelay $0x1  }
0x1ce: {  	v7 =	vadd.f32 v8, v7;
	_ =	sdelay $0x1  }
0x1cf: {  	[tilespmem:v3+s21+$0xFFFFFFD0 ss:$0x1] =	vst.idx.msk $0xffff, v7  }
0x1d0: {  	v7 =	vld.idx.msk [tilespmem:v3+s21+$0xFFFFFFE0 ss:$0x1], $0xffff  }
0x1d1: {  	v8 =	vld.idx.msk [tilespmem:v6+s21+$0xFFFFFFB0 ss:$0x1], $0xffff;
	_ =	sdelay $0x4  }
0x1d2: {  	v7 =	vmul.f32 v7, v4;
	v8 =	vmul.f32 v8, v5;
	_ =	sdelay $0x1  }
0x1d3: {  	v7 =	vadd.f32 v8, v7;
	_ =	sdelay $0x1  }
0x1d4: {  	[tilespmem:v3+s21+$0xFFFFFFE0 ss:$0x1] =	vst.idx.msk $0xffff, v7  }
0x1d5: {  	v7 =	vld.idx.msk [tilespmem:v3+s21+$0xFFFFFFF0 ss:$0x1], $0xffff  }
0x1d6: {  	v8 =	vld.idx.msk [tilespmem:v6+s21+$0xFFFFFFC0 ss:$0x1], $0xffff;
	_ =	sdelay $0x4  }
0x1d7: {  	v7 =	vmul.f32 v7, v4;
	v8 =	vmul.f32 v8, v5;
	_ =	sdelay $0x1  }
0x1d8: {  	v7 =	vadd.f32 v8, v7;
	_ =	sdelay $0x1  }
0x1d9: {  	[tilespmem:v3+s21+$0xFFFFFFF0 ss:$0x1] =	vst.idx.msk $0xffff, v7  }
0x1da: {  	v7 =	vld.idx.msk [tilespmem:v3+s21+$0x0 ss:$0x1], $0xffff  }
0x1db: {  	v8 =	vld.idx.msk [tilespmem:v6+s21+$0xFFFFFFD0 ss:$0x1], $0xffff;
	_ =	sdelay $0x4  }
0x1dc: {  	v7 =	vmul.f32 v7, v4;
	v8 =	vmul.f32 v8, v5;
	_ =	sdelay $0x1  }
0x1dd: {  	v7 =	vadd.f32 v8, v7;
	_ =	sdelay $0x1  }
0x1de: {  	[tilespmem:v3+s21+$0x0 ss:$0x1] =	vst.idx.msk $0xffff, v7  }
0x1df: {  	v7 =	vld.idx.msk [tilespmem:v3+s21+$0x10 ss:$0x1], $0xffff  }
0x1e0: {  	v8 =	vld.idx.msk [tilespmem:v6+s21+$0xFFFFFFE0 ss:$0x1], $0xffff;
	_ =	sdelay $0x4  }
0x1e1: {  	v7 =	vmul.f32 v7, v4;
	v8 =	vmul.f32 v8, v5;
	_ =	sdelay $0x1  }
0x1e2: {  	v7 =	vadd.f32 v8, v7;
	_ =	sdelay $0x1  }
0x1e3: {  	[tilespmem:v3+s21+$0x10 ss:$0x1] =	vst.idx.msk $0xffff, v7  }
0x1e4: {  	v7 =	vld.idx.msk [tilespmem:v3+s21+$0x20 ss:$0x1], $0xffff  }
0x1e5: {  	v8 =	vld.idx.msk [tilespmem:v6+s21+$0xFFFFFFF0 ss:$0x1], $0xffff;
	_ =	sdelay $0x4  }
0x1e6: {  	v7 =	vmul.f32 v7, v4;
	v8 =	vmul.f32 v8, v5;
	_ =	sdelay $0x1  }
0x1e7: {  	v7 =	vadd.f32 v8, v7;
	_ =	sdelay $0x1  }
0x1e8: {  	[tilespmem:v3+s21+$0x20 ss:$0x1] =	vst.idx.msk $0xffff, v7  }
0x1e9: {  	v7 =	vld.idx.msk [tilespmem:v3+s21+$0x30 ss:$0x1], $0xffff  }
0x1ea: {  	s5 =	simm.s32 $0x1000;
	v8 =	vld.idx.msk [tilespmem:v6+s21+$0x0 ss:$0x1], $0xffff  }
.LBB2_11:
0x1eb: {  	p0 =	sne.s32 s5, $0x7000;
	s22 =	smov.u32 s5;
	s5 =	sadd.s32 $0x1000, s5  }
0x1ec: {  	_ =	sdelay $0x1  }
0x1ed: {  	v7 =	vmul.f32 v7, v4  }
0x1ee: {  	v8 =	vmul.f32 v8, v5;
	_ =	sdelay $0x1  }
0x1ef: {  	v7 =	vadd.f32 v8, v7  }
0x1f0: {  	s22 =	sshra.s32 s22, $0x2  }
0x1f1: {  	v8 =	vld.idx.msk [tilespmem:v3+s22+$0xFFFFFFC0 ss:$0x1], $0xffff;
	[tilespmem:v3+s21+$0x30 ss:$0x1] =	vst.idx.msk $0xffff, v7;
	s21 =	smov.u32 s22  }
0x1f2: {  	v7 =	vld.idx.msk [tilespmem:v6+s21+$0xFFFFFF90 ss:$0x1], $0xffff;
	_ =	sdelay $0x4  }
0x1f3: {  	v8 =	vmul.f32 v8, v4  }
0x1f4: {  	v7 =	vmul.f32 v7, v5;
	_ =	sdelay $0x1  }
0x1f5: {  	v7 =	vadd.f32 v7, v8;
	_ =	sdelay $0x1  }
0x1f6: {  	[tilespmem:v3+s21+$0xFFFFFFC0 ss:$0x1] =	vst.idx.msk $0xffff, v7  }
0x1f7: {  	v7 =	vld.idx.msk [tilespmem:v3+s21+$0xFFFFFFD0 ss:$0x1], $0xffff  }
0x1f8: {  	v8 =	vld.idx.msk [tilespmem:v6+s21+$0xFFFFFFA0 ss:$0x1], $0xffff;
	_ =	sdelay $0x4  }
0x1f9: {  	v7 =	vmul.f32 v7, v4  }
0x1fa: {  	v8 =	vmul.f32 v8, v5;
	_ =	sdelay $0x1  }
0x1fb: {  	v7 =	vadd.f32 v8, v7;
	_ =	sdelay $0x1  }
0x1fc: {  	[tilespmem:v3+s21+$0xFFFFFFD0 ss:$0x1] =	vst.idx.msk $0xffff, v7  }
0x1fd: {  	v7 =	vld.idx.msk [tilespmem:v3+s21+$0xFFFFFFE0 ss:$0x1], $0xffff  }
0x1fe: {  	v8 =	vld.idx.msk [tilespmem:v6+s21+$0xFFFFFFB0 ss:$0x1], $0xffff;
	_ =	sdelay $0x4  }
0x1ff: {  	v7 =	vmul.f32 v7, v4  }
0x200: {  	v8 =	vmul.f32 v8, v5;
	_ =	sdelay $0x1  }
0x201: {  	v7 =	vadd.f32 v8, v7;
	_ =	sdelay $0x1  }
0x202: {  	[tilespmem:v3+s21+$0xFFFFFFE0 ss:$0x1] =	vst.idx.msk $0xffff, v7  }
0x203: {  	v7 =	vld.idx.msk [tilespmem:v3+s21+$0xFFFFFFF0 ss:$0x1], $0xffff  }
0x204: {  	v8 =	vld.idx.msk [tilespmem:v6+s21+$0xFFFFFFC0 ss:$0x1], $0xffff;
	_ =	sdelay $0x4  }
0x205: {  	v7 =	vmul.f32 v7, v4  }
0x206: {  	v8 =	vmul.f32 v8, v5;
	_ =	sdelay $0x1  }
0x207: {  	v7 =	vadd.f32 v8, v7;
	_ =	sdelay $0x1  }
0x208: {  	[tilespmem:v3+s21+$0xFFFFFFF0 ss:$0x1] =	vst.idx.msk $0xffff, v7  }
0x209: {  	v7 =	vld.idx.msk [tilespmem:v3+s21+$0x0 ss:$0x1], $0xffff  }
0x20a: {  	v8 =	vld.idx.msk [tilespmem:v6+s21+$0xFFFFFFD0 ss:$0x1], $0xffff;
	_ =	sdelay $0x4  }
0x20b: {  	v7 =	vmul.f32 v7, v4  }
0x20c: {  	v8 =	vmul.f32 v8, v5;
	_ =	sdelay $0x1  }
0x20d: {  	v7 =	vadd.f32 v8, v7;
	_ =	sdelay $0x1  }
0x20e: {  	[tilespmem:v3+s21+$0x0 ss:$0x1] =	vst.idx.msk $0xffff, v7  }
0x20f: {  	v7 =	vld.idx.msk [tilespmem:v3+s21+$0x10 ss:$0x1], $0xffff  }
0x210: {  	v8 =	vld.idx.msk [tilespmem:v6+s21+$0xFFFFFFE0 ss:$0x1], $0xffff;
	_ =	sdelay $0x4  }
0x211: {  	v7 =	vmul.f32 v7, v4  }
0x212: {  	v8 =	vmul.f32 v8, v5;
	_ =	sdelay $0x1  }
0x213: {  	v7 =	vadd.f32 v8, v7;
	_ =	sdelay $0x1  }
0x214: {  	[tilespmem:v3+s21+$0x10 ss:$0x1] =	vst.idx.msk $0xffff, v7  }
0x215: {  	v7 =	vld.idx.msk [tilespmem:v3+s21+$0x20 ss:$0x1], $0xffff  }
0x216: {  	v8 =	vld.idx.msk [tilespmem:v6+s21+$0xFFFFFFF0 ss:$0x1], $0xffff;
	_ =	sdelay $0x4  }
0x217: {  	v7 =	vmul.f32 v7, v4  }
0x218: {  	v8 =	vmul.f32 v8, v5;
	_ =	sdelay $0x1  }
.Ltmp4:
0x219: {  	v7 =	vadd.f32 v8, v7;
	(pc) =	sbr.rel @p0 .LBB2_11-.Ltmp4, $4  }
0x21a: {  	_ = 	snop  }
0x21b: {  	[tilespmem:v3+s21+$0x20 ss:$0x1] =	vst.idx.msk $0xffff, v7  }
0x21c: {  	v7 =	vld.idx.msk [tilespmem:v3+s21+$0x30 ss:$0x1], $0xffff  }
0x21d: {  	v8 =	vld.idx.msk [tilespmem:v6+s21+$0x0 ss:$0x1], $0xffff  }
0x21e: {  	_ =	sdelay $0x1  }
0x21f: {  	s4 =	sadd.s32 $0x1, s4  }
0x220: {  	p0 =	sne.s32 s4, $0x10  }
.Ltmp5:
0x221: {  	v4 =	vmul.f32 v7, v4;
	v5 =	vmul.f32 v8, v5;
	(pc) =	sbr.rel @p0 .LBB2_10-.Ltmp5, $3  }
0x222: {  	_ = 	snop  }
0x223: {  	v4 =	vadd.f32 v5, v4;
	_ =	sdelay $0x1  }
0x224: {  	s19 =	sadd.s32 $0x1, s19;
	[tilespmem:v3+s21+$0x30 ss:$0x1] =	vst.idx.msk $0xffff, v4  }
0x225: {  	s19 =	simm.s32 $0x0;
	s4 =	rddreg [dreg:$0x8]  }
0x226: {  	[hbm4b:s4+s19] =	stream.linear.scatter [tilespmem:s19], [sflag:$0x5], $0x4000, $0x38;
	[tilespmem:$0x10200] =	vst v63  }
0x227: {  	_ =	swait.ge [sflag:s1], $0x4000  }
0x228: {  	[sflag:s1] =	ssyncset.done $0x0  }
0x229: {  	[sflag:s1] =	ssyncadd.s32 $0xFFFFC000  }
0x22a: {  	_ =	swait.ge [sflag:s15], $0x4000  }
0x22b: {  	[sflag:s15] =	ssyncset.done $0x0  }
0x22c: {  	s4 =	simm.s32 $0x0;
	[sflag:s15] =	ssyncadd.s32 $0xFFFFC000  }
.LBB2_14:
0x22d: {  	s5 =	sshll.u32 s4, $0xC;
	s21 =	sand.u32 $0x7, s19  }
0x22e: {  	s5 =	sand.u32 $0xFFFF8000, s5;
	s21 =	sshll.u32 s21, $0x9  }
0x22f: {  	s5 =	sor.u32 s21, s5  }
0x230: {  	s5 =	sshrl.u32 s5, $0x2  }
0x231: {  	s22 =	sadd.s32 $0x8040, s5  }
0x232: {  	s5 =	sadd.s32 $0xC070, s5;
	v3 =	vmov s22  }
0x233: {  	v6 =	vmov s5;
	_ =	sdelay $0x1  }
0x234: {  	v4 =	vld.msk [tilespmem:s4+$0x10130 ss:$0x0], $0xffff  }
0x235: {  	v5 =	vld.msk [tilespmem:s4+$0x101B0 ss:$0x0], $0xffff;
	s21 =	simm.s32 $0x0  }
0x236: {  	v7 =	vld.idx.msk [tilespmem:v3+s21+$0xFFFFFFC0 ss:$0x1], $0xffff  }
0x237: {  	v8 =	vld.idx.msk [tilespmem:v6+s21+$0xFFFFFF90 ss:$0x1], $0xffff;
	_ =	sdelay $0x4  }
0x238: {  	v7 =	vmul.f32 v7, v4;
	v8 =	vmul.f32 v8, v5;
	_ =	sdelay $0x1  }
0x239: {  	v7 =	vadd.f32 v8, v7;
	_ =	sdelay $0x1  }
0x23a: {  	[tilespmem:v3+s21+$0xFFFFFFC0 ss:$0x1] =	vst.idx.msk $0xffff, v7  }
0x23b: {  	v7 =	vld.idx.msk [tilespmem:v3+s21+$0xFFFFFFD0 ss:$0x1], $0xffff  }
0x23c: {  	v8 =	vld.idx.msk [tilespmem:v6+s21+$0xFFFFFFA0 ss:$0x1], $0xffff;
	_ =	sdelay $0x4  }
0x23d: {  	v7 =	vmul.f32 v7, v4;
	v8 =	vmul.f32 v8, v5;
	_ =	sdelay $0x1  }
0x23e: {  	v7 =	vadd.f32 v8, v7;
	_ =	sdelay $0x1  }
0x23f: {  	[tilespmem:v3+s21+$0xFFFFFFD0 ss:$0x1] =	vst.idx.msk $0xffff, v7  }
0x240: {  	v7 =	vld.idx.msk [tilespmem:v3+s21+$0xFFFFFFE0 ss:$0x1], $0xffff  }
0x241: {  	v8 =	vld.idx.msk [tilespmem:v6+s21+$0xFFFFFFB0 ss:$0x1], $0xffff;
	_ =	sdelay $0x4  }
0x242: {  	v7 =	vmul.f32 v7, v4;
	v8 =	vmul.f32 v8, v5;
	_ =	sdelay $0x1  }
0x243: {  	v7 =	vadd.f32 v8, v7;
	_ =	sdelay $0x1  }
0x244: {  	[tilespmem:v3+s21+$0xFFFFFFE0 ss:$0x1] =	vst.idx.msk $0xffff, v7  }
0x245: {  	v7 =	vld.idx.msk [tilespmem:v3+s21+$0xFFFFFFF0 ss:$0x1], $0xffff  }
0x246: {  	v8 =	vld.idx.msk [tilespmem:v6+s21+$0xFFFFFFC0 ss:$0x1], $0xffff;
	_ =	sdelay $0x4  }
0x247: {  	v7 =	vmul.f32 v7, v4;
	v8 =	vmul.f32 v8, v5;
	_ =	sdelay $0x1  }
0x248: {  	v7 =	vadd.f32 v8, v7;
	_ =	sdelay $0x1  }
0x249: {  	[tilespmem:v3+s21+$0xFFFFFFF0 ss:$0x1] =	vst.idx.msk $0xffff, v7  }
0x24a: {  	v7 =	vld.idx.msk [tilespmem:v3+s21+$0x0 ss:$0x1], $0xffff  }
0x24b: {  	v8 =	vld.idx.msk [tilespmem:v6+s21+$0xFFFFFFD0 ss:$0x1], $0xffff;
	_ =	sdelay $0x4  }
0x24c: {  	v7 =	vmul.f32 v7, v4;
	v8 =	vmul.f32 v8, v5;
	_ =	sdelay $0x1  }
0x24d: {  	v7 =	vadd.f32 v8, v7;
	_ =	sdelay $0x1  }
0x24e: {  	[tilespmem:v3+s21+$0x0 ss:$0x1] =	vst.idx.msk $0xffff, v7  }
0x24f: {  	v7 =	vld.idx.msk [tilespmem:v3+s21+$0x10 ss:$0x1], $0xffff  }
0x250: {  	v8 =	vld.idx.msk [tilespmem:v6+s21+$0xFFFFFFE0 ss:$0x1], $0xffff;
	_ =	sdelay $0x4  }
0x251: {  	v7 =	vmul.f32 v7, v4;
	v8 =	vmul.f32 v8, v5;
	_ =	sdelay $0x1  }
0x252: {  	v7 =	vadd.f32 v8, v7;
	_ =	sdelay $0x1  }
0x253: {  	[tilespmem:v3+s21+$0x10 ss:$0x1] =	vst.idx.msk $0xffff, v7  }
0x254: {  	v7 =	vld.idx.msk [tilespmem:v3+s21+$0x20 ss:$0x1], $0xffff  }
0x255: {  	v8 =	vld.idx.msk [tilespmem:v6+s21+$0xFFFFFFF0 ss:$0x1], $0xffff;
	_ =	sdelay $0x4  }
0x256: {  	v7 =	vmul.f32 v7, v4;
	v8 =	vmul.f32 v8, v5;
	_ =	sdelay $0x1  }
0x257: {  	v7 =	vadd.f32 v8, v7;
	_ =	sdelay $0x1  }
0x258: {  	[tilespmem:v3+s21+$0x20 ss:$0x1] =	vst.idx.msk $0xffff, v7  }
0x259: {  	v7 =	vld.idx.msk [tilespmem:v3+s21+$0x30 ss:$0x1], $0xffff  }
0x25a: {  	s5 =	simm.s32 $0x1000;
	v8 =	vld.idx.msk [tilespmem:v6+s21+$0x0 ss:$0x1], $0xffff  }
.LBB2_15:
0x25b: {  	p0 =	sne.s32 s5, $0x7000;
	s22 =	smov.u32 s5;
	s5 =	sadd.s32 $0x1000, s5  }
0x25c: {  	_ =	sdelay $0x1  }
0x25d: {  	v7 =	vmul.f32 v7, v4  }
0x25e: {  	v8 =	vmul.f32 v8, v5;
	_ =	sdelay $0x1  }
0x25f: {  	v7 =	vadd.f32 v8, v7  }
0x260: {  	s22 =	sshra.s32 s22, $0x2  }
0x261: {  	v8 =	vld.idx.msk [tilespmem:v3+s22+$0xFFFFFFC0 ss:$0x1], $0xffff;
	[tilespmem:v3+s21+$0x30 ss:$0x1] =	vst.idx.msk $0xffff, v7;
	s21 =	smov.u32 s22  }
0x262: {  	v7 =	vld.idx.msk [tilespmem:v6+s21+$0xFFFFFF90 ss:$0x1], $0xffff;
	_ =	sdelay $0x4  }
0x263: {  	v8 =	vmul.f32 v8, v4  }
0x264: {  	v7 =	vmul.f32 v7, v5;
	_ =	sdelay $0x1  }
0x265: {  	v7 =	vadd.f32 v7, v8;
	_ =	sdelay $0x1  }
0x266: {  	[tilespmem:v3+s21+$0xFFFFFFC0 ss:$0x1] =	vst.idx.msk $0xffff, v7  }
0x267: {  	v7 =	vld.idx.msk [tilespmem:v3+s21+$0xFFFFFFD0 ss:$0x1], $0xffff  }
0x268: {  	v8 =	vld.idx.msk [tilespmem:v6+s21+$0xFFFFFFA0 ss:$0x1], $0xffff;
	_ =	sdelay $0x4  }
0x269: {  	v7 =	vmul.f32 v7, v4  }
0x26a: {  	v8 =	vmul.f32 v8, v5;
	_ =	sdelay $0x1  }
0x26b: {  	v7 =	vadd.f32 v8, v7;
	_ =	sdelay $0x1  }
0x26c: {  	[tilespmem:v3+s21+$0xFFFFFFD0 ss:$0x1] =	vst.idx.msk $0xffff, v7  }
0x26d: {  	v7 =	vld.idx.msk [tilespmem:v3+s21+$0xFFFFFFE0 ss:$0x1], $0xffff  }
0x26e: {  	v8 =	vld.idx.msk [tilespmem:v6+s21+$0xFFFFFFB0 ss:$0x1], $0xffff;
	_ =	sdelay $0x4  }
0x26f: {  	v7 =	vmul.f32 v7, v4  }
0x270: {  	v8 =	vmul.f32 v8, v5;
	_ =	sdelay $0x1  }
0x271: {  	v7 =	vadd.f32 v8, v7;
	_ =	sdelay $0x1  }
0x272: {  	[tilespmem:v3+s21+$0xFFFFFFE0 ss:$0x1] =	vst.idx.msk $0xffff, v7  }
0x273: {  	v7 =	vld.idx.msk [tilespmem:v3+s21+$0xFFFFFFF0 ss:$0x1], $0xffff  }
0x274: {  	v8 =	vld.idx.msk [tilespmem:v6+s21+$0xFFFFFFC0 ss:$0x1], $0xffff;
	_ =	sdelay $0x4  }
0x275: {  	v7 =	vmul.f32 v7, v4  }
0x276: {  	v8 =	vmul.f32 v8, v5;
	_ =	sdelay $0x1  }
0x277: {  	v7 =	vadd.f32 v8, v7;
	_ =	sdelay $0x1  }
0x278: {  	[tilespmem:v3+s21+$0xFFFFFFF0 ss:$0x1] =	vst.idx.msk $0xffff, v7  }
0x279: {  	v7 =	vld.idx.msk [tilespmem:v3+s21+$0x0 ss:$0x1], $0xffff  }
0x27a: {  	v8 =	vld.idx.msk [tilespmem:v6+s21+$0xFFFFFFD0 ss:$0x1], $0xffff;
	_ =	sdelay $0x4  }
0x27b: {  	v7 =	vmul.f32 v7, v4  }
0x27c: {  	v8 =	vmul.f32 v8, v5;
	_ =	sdelay $0x1  }
0x27d: {  	v7 =	vadd.f32 v8, v7;
	_ =	sdelay $0x1  }
0x27e: {  	[tilespmem:v3+s21+$0x0 ss:$0x1] =	vst.idx.msk $0xffff, v7  }
0x27f: {  	v7 =	vld.idx.msk [tilespmem:v3+s21+$0x10 ss:$0x1], $0xffff  }
0x280: {  	v8 =	vld.idx.msk [tilespmem:v6+s21+$0xFFFFFFE0 ss:$0x1], $0xffff;
	_ =	sdelay $0x4  }
0x281: {  	v7 =	vmul.f32 v7, v4  }
0x282: {  	v8 =	vmul.f32 v8, v5;
	_ =	sdelay $0x1  }
0x283: {  	v7 =	vadd.f32 v8, v7;
	_ =	sdelay $0x1  }
0x284: {  	[tilespmem:v3+s21+$0x10 ss:$0x1] =	vst.idx.msk $0xffff, v7  }
0x285: {  	v7 =	vld.idx.msk [tilespmem:v3+s21+$0x20 ss:$0x1], $0xffff  }
0x286: {  	v8 =	vld.idx.msk [tilespmem:v6+s21+$0xFFFFFFF0 ss:$0x1], $0xffff;
	_ =	sdelay $0x4  }
0x287: {  	v7 =	vmul.f32 v7, v4  }
0x288: {  	v8 =	vmul.f32 v8, v5;
	_ =	sdelay $0x1  }
.Ltmp6:
0x289: {  	v7 =	vadd.f32 v8, v7;
	(pc) =	sbr.rel @p0 .LBB2_15-.Ltmp6, $4  }
0x28a: {  	_ = 	snop  }
0x28b: {  	[tilespmem:v3+s21+$0x20 ss:$0x1] =	vst.idx.msk $0xffff, v7  }
0x28c: {  	v7 =	vld.idx.msk [tilespmem:v3+s21+$0x30 ss:$0x1], $0xffff  }
0x28d: {  	v8 =	vld.idx.msk [tilespmem:v6+s21+$0x0 ss:$0x1], $0xffff  }
0x28e: {  	_ =	sdelay $0x1  }
0x28f: {  	s4 =	sadd.s32 $0x1, s4  }
0x290: {  	p0 =	sne.s32 s4, $0x10  }
.Ltmp7:
0x291: {  	v4 =	vmul.f32 v7, v4;
	v5 =	vmul.f32 v8, v5;
	(pc) =	sbr.rel @p0 .LBB2_14-.Ltmp7, $3  }
0x292: {  	_ = 	snop  }
0x293: {  	v4 =	vadd.f32 v5, v4;
	_ =	sdelay $0x1  }
0x294: {  	s19 =	sadd.s32 $0x1, s19;
	[tilespmem:v3+s21+$0x30 ss:$0x1] =	vst.idx.msk $0xffff, v4  }
0x295: {  	s4 =	rddreg [dreg:$0x9]  }
0x296: {  	[hbm4b:s4+s2] =	stream.linear.scatter [tilespmem:s20], [sflag:$0x6], $0x4000, $0x38;
	[tilespmem:$0x10200] =	vst v63  }
0x297: {  	_ =	swait.ge [sflag:s14], $0x4000  }
0x298: {  	[sflag:s14] =	ssyncset.done $0x0  }
0x299: {  	[sflag:s14] =	ssyncadd.s32 $0xFFFFC000  }
0x29a: {  	_ =	swait.ge [sflag:s16], $0x4000  }
0x29b: {  	s18 =	sadd.s32 $0x1, s18;
	s22 =	rddreg [dreg:$0xa]  }
0x29c: {  	p0 =	sne.s32 s18, s22  }
.Ltmp8:
0x29d: {  	_ = 	snop;
	(pc) =	sbr.rel @p0 .LBB2_1-.Ltmp8, $3  }
0x29e: {  	_ =	sdelay $0x1  }
0x29f: {  	[sflag:s16] =	ssyncset.done $0x0  }
0x2a0: {  	[sflag:s16] =	ssyncadd.s32 $0xFFFFC000  }
0x2a1: {  	_ =	sfence.sel $0x180000  }
0x2a2: {  	[bflag:$0x0] =	sbarrier.arrive $0xFFFF  }
0x2a3: {  	_ =	strace $0x9000004A  }
0x2a4: {  	s0 =	stileid.u32;
	[bflag:$0x2] =	sbarrier.arrive $0xFFFF  }
0x2a5: {  	p0 =	sne.s32 s0, $0x0;
	s0 =	rddreg [dreg:$0x2]  }
0x2a6: {  	s0 =	sadd.s32 @!p0 $0x100000, s0  }
0x2a7: {  	[sflag:s0] =	ssyncadd.tile.s32 @!p0 $0x1;
	_ =	shalt  }
.Lfunc_end2:
_tile_overlayer_lowered:
.L_overlay_start_2:
0x2a8: {  	(tag) =	ssettag $0x2  }
0x2a9: {  	s0 =	rddreg [dreg:$0x0];
	s2 =	stileid.u32  }
0x2aa: {  	s1 =	rddreg [dreg:$0x1];
	p0 =	sne.s32 s2, $0x0  }
0x2ab: {  	s3 =	rddreg [dreg:$0x2];
	[bflag:$0x3] =	sbarrier.arrive $0xFFFF;
	s2 =	simm.s32 @!p0 $0x1C07  }
0x2ac: {  	[timem:s3], [sflag:s2] =	dma.local @!p0 [hbm:s0], s1  }
0x2ad: {  	s0 =	simm.s32 @!p0 $0x7  }
0x2ae: {  	_ =	swait.ge @!p0 [sflag:s0], s1  }
0x2af: {  	s1 =	ssub.s32 @!p0 $0x0, s1;
	[sflag:s0] =	ssyncset.done @!p0 $0x0  }
0x2b0: {  	[sflag:s0] =	ssyncadd.s32 @!p0 s1  }
0x2b1: {  	[bflag:$0x3] =	sbarrier.arrive $0xFFFF  }
0x2b2: {  	_ =	shalt  }

</sc_bundles>
